<compile_context>
chip_gen: v7x
topology: tpu7x:2x2x1
jax: 0.10.2.dev20260603
libtpu: 0.0.44.dev20260713+nightly
codegen_flags: <defaults>
</compile_context>

<pallas_src>
import functools

import jax
import jax.numpy as jnp
from jax import lax
from jax.experimental import pallas as pl
from jax.experimental.pallas import tpu as pltpu
from jax.experimental.pallas import tpu_sc as plsc

NC = 2
NS = 16
NW = NC * NS
CH = 128
DW = 128
BM = 256
NBUF = 2
NPH = 2


def _sc_mesh():
    return plsc.VectorSubcoreMesh(
        core_axis_name="c", subcore_axis_name="s",
        num_cores=NC, num_subcores=NS)


def _deg_kernel(dst_hbm, ones_hbm, zeros_hbm, out_hbm, idx_v, ones_v, acc):
    cid = lax.axis_index("c")
    sid = lax.axis_index("s")
    wid = cid * NS + sid
    nchunk = idx_v.shape[0]
    rows_pt = acc.shape[0] // NS
    r0 = sid * rows_pt

    pltpu.sync_copy(zeros_hbm.at[pl.ds(r0, rows_pt)], acc.at[pl.ds(r0, rows_pt)])
    pltpu.sync_copy(ones_hbm, ones_v)
    pltpu.sync_copy(dst_hbm.at[wid], idx_v)
    plsc.subcore_barrier()

    def body(k, _):
        pltpu.sync_copy(ones_v, acc.at[idx_v.at[k]], add=True)
        return ()

    lax.fori_loop(0, nchunk, body, (), unroll=False)
    plsc.subcore_barrier()
    pltpu.sync_copy(acc.at[pl.ds(r0, rows_pt)], out_hbm.at[cid, pl.ds(r0, rows_pt)])


def _deg_call(dst_p, ones16, z16, n_acc, nchunk):
    kfn = functools.partial(
        pl.kernel,
        out_type=jax.ShapeDtypeStruct((NC, n_acc, DW), jnp.float32),
        mesh=_sc_mesh(),
        scratch_types=[
            pltpu.VMEM((nchunk, CH), jnp.int32),
            pltpu.VMEM((CH, DW), jnp.float32),
            pltpu.VMEM_SHARED((n_acc, DW), jnp.float32),
        ],
    )(_deg_kernel)
    return kfn(dst_p, ones16, z16)


def _agg_kernel(y_hbm, z_hbm, src_hbm, dst_hbm, out_hbm,
                idx_s, idx_d, rows_a, acc, sem_g, sem_s):
    cid = lax.axis_index("c")
    sid = lax.axis_index("s")
    wid = cid * NS + sid
    nchunk = idx_s.shape[0]
    rows_pt = acc.shape[0] // NS
    r0 = sid * rows_pt

    @pl.when(cid == 0)
    def _():
        pltpu.sync_copy(y_hbm.at[pl.ds(r0, rows_pt)], acc.at[pl.ds(r0, rows_pt)])

    @pl.when(cid != 0)
    def _():
        pltpu.sync_copy(z_hbm.at[pl.ds(r0, rows_pt)], acc.at[pl.ds(r0, rows_pt)])

    plsc.subcore_barrier()

    for ph in range(NPH):
        pltpu.sync_copy(src_hbm.at[wid, ph], idx_s)
        pltpu.sync_copy(dst_hbm.at[wid, ph], idx_d)

        for b in range(NBUF):
            pltpu.async_copy(y_hbm.at[idx_s.at[b]], rows_a.at[b], sem_g.at[b])

        def group(g, _):
            for b in range(NBUF):
                k = g * NBUF + b
                pltpu.make_async_copy(
                    y_hbm.at[idx_s.at[k]], rows_a.at[b], sem_g.at[b]).wait()
                pltpu.async_copy(
                    rows_a.at[b], acc.at[idx_d.at[k]], sem_s.at[b], add=True)
                pltpu.make_async_copy(
                    rows_a.at[b], acc.at[idx_d.at[k]], sem_s.at[b]).wait()
                nxt = k + NBUF

                @pl.when(nxt < nchunk)
                def _():
                    pltpu.async_copy(y_hbm.at[idx_s.at[nxt]], rows_a.at[b],
                                     sem_g.at[b])
            return ()

        lax.fori_loop(0, nchunk // NBUF, group, (), unroll=False)

    plsc.subcore_barrier()
    pltpu.sync_copy(acc.at[pl.ds(r0, rows_pt)], out_hbm.at[cid, pl.ds(r0, rows_pt)])


def _agg_call(y, zc, src_p, dst_p, n_acc, nslab):
    c = y.shape[1]
    kfn = functools.partial(
        pl.kernel,
        out_type=jax.ShapeDtypeStruct((NC, n_acc, c), jnp.float32),
        mesh=_sc_mesh(),
        scratch_types=[
            pltpu.VMEM((nslab, CH), jnp.int32),
            pltpu.VMEM((nslab, CH), jnp.int32),
            pltpu.VMEM((NBUF, CH, c), jnp.float32),
            pltpu.VMEM_SHARED((n_acc, c), jnp.float32),
            pltpu.SemaphoreType.DMA((NBUF,)),
            pltpu.SemaphoreType.DMA((NBUF,)),
        ],
    )(_agg_kernel)
    return kfn(y, zc, src_p, dst_p)


def _dsqrt(degp):
    return lax.rsqrt(degp[0, :, 0:1] + degp[1, :, 0:1] + 1.0)


def _tc1_body(x_ref, w_ref, degp_ref, y_ref):
    d = _dsqrt(degp_ref[...])
    xw = jnp.dot(x_ref[...], w_ref[...], preferred_element_type=jnp.float32)
    y_ref[...] = xw * d


def _tc2_body(a_ref, degp_ref, w_ref, b_ref, y2_ref):
    d = _dsqrt(degp_ref[...])
    agg = a_ref[0] + a_ref[1]
    h = jnp.maximum(agg * d + b_ref[...], 0.0)
    y2_ref[...] = jnp.dot(h, w_ref[...], preferred_element_type=jnp.float32) * d


def _tc3_body(a_ref, degp_ref, b_ref, z_ref):
    d = _dsqrt(degp_ref[...])
    c_out = z_ref.shape[1]
    z_ref[...] = (a_ref[0, :, :c_out] + a_ref[1, :, :c_out]) * d + b_ref[...]


def kernel(x, edge_index, W1, b1, W2, b2):
    n = x.shape[0]
    e = edge_index.shape[1]
    c_in, c_hid = W1.shape
    c_out = W2.shape[1]
    n_acc = ((n + NS * 8) // (NS * 8)) * (NS * 8)
    gran = CH * NBUF * NPH
    epw = (((e + NW - 1) // NW) + gran - 1) // gran * gran
    e_pad = epw * NW
    nchunk = epw // CH
    nslab = nchunk // NPH

    src = edge_index[0].astype(jnp.int32)
    dst = edge_index[1].astype(jnp.int32)
    src_p = jnp.concatenate(
        [src, jnp.zeros((e_pad - e,), jnp.int32)]).reshape(NW, NPH, nslab, CH)
    dst_p = jnp.concatenate(
        [dst, jnp.full((e_pad - e,), n, jnp.int32)]).reshape(NW, NPH, nslab, CH)
    dst_flat = dst_p.reshape(NW, nchunk, CH)

    c_pad = max(c_out, 128)
    W2p = jnp.concatenate(
        [W2, jnp.zeros((c_hid, c_pad - c_out), jnp.float32)], axis=1)

    ones_w = jnp.ones((CH, DW), jnp.float32)
    z_deg = jnp.zeros((n_acc, DW), jnp.float32)
    z_hid = jnp.zeros((n_acc, c_hid), jnp.float32)
    b1r = b1.reshape(1, c_hid)
    b2r = b2.reshape(1, c_out)

    degp = _deg_call(dst_flat, ones_w, z_deg, n_acc, nchunk)

    grid = (pl.cdiv(n_acc, BM),)
    y1 = pl.pallas_call(
        _tc1_body,
        grid=grid,
        in_specs=[
            pl.BlockSpec((BM, c_in), lambda i: (i, 0)),
            pl.BlockSpec((c_in, c_hid), lambda i: (0, 0)),
            pl.BlockSpec((NC, BM, DW), lambda i: (0, i, 0)),
        ],
        out_specs=pl.BlockSpec((BM, c_hid), lambda i: (i, 0)),
        out_shape=jax.ShapeDtypeStruct((n_acc, c_hid), jnp.float32),
    )(x, W1, degp)

    acc1 = _agg_call(y1, z_hid, src_p, dst_p, n_acc, nslab)

    y2 = pl.pallas_call(
        _tc2_body,
        grid=grid,
        in_specs=[
            pl.BlockSpec((NC, BM, c_hid), lambda i: (0, i, 0)),
            pl.BlockSpec((NC, BM, DW), lambda i: (0, i, 0)),
            pl.BlockSpec((c_hid, c_pad), lambda i: (0, 0)),
            pl.BlockSpec((1, c_hid), lambda i: (0, 0)),
        ],
        out_specs=pl.BlockSpec((BM, c_pad), lambda i: (i, 0)),
        out_shape=jax.ShapeDtypeStruct((n_acc, c_pad), jnp.float32),
    )(acc1, degp, W2p, b1r)

    acc2 = _agg_call(y2, z_hid, src_p, dst_p, n_acc, nslab)

    z = pl.pallas_call(
        _tc3_body,
        grid=grid,
        in_specs=[
            pl.BlockSpec((NC, BM, c_pad), lambda i: (0, i, 0)),
            pl.BlockSpec((NC, BM, DW), lambda i: (0, i, 0)),
            pl.BlockSpec((1, c_out), lambda i: (0, 0)),
        ],
        out_specs=pl.BlockSpec((BM, c_out), lambda i: (i, 0)),
        out_shape=jax.ShapeDtypeStruct((n, c_out), jnp.float32),
    )(acc2, degp, b2r)

    return z

# --- scband reference (transcript-rebuilt; emitter-appended) ---
"""Pipeline reference for scband-net-18348100288587 (READ-ONLY COPY).

The authoritative reference and input builder live on the scoring server;
editing this copy changes nothing except your own understanding.
"""

import jax, jax.numpy as jnp
import numpy as np

N_NODES = 10000
N_EDGES = 320000
IN_CH = 128
HID_CH = 128
OUT_CH = 64


def _glorot(key, shape):
    fan_in, fan_out = shape[0], shape[1]
    limit = (6.0 / (fan_in + fan_out)) ** 0.5
    return jax.random.uniform(key, shape, dtype=jnp.float32, minval=-limit, maxval=limit)


def setup_inputs(seed: int = 0) -> dict:
    key = jax.random.key(seed)
    k1, k2, k3, k4 = jax.random.split(key, 4)
    x = jax.random.normal(k1, (N_NODES, IN_CH), dtype=jnp.float32)
    edge_index = jax.random.randint(k2, (2, N_EDGES), 0, N_NODES, dtype=jnp.int64 if jax.config.jax_enable_x64 else jnp.int32).astype(jnp.int32)
    W1 = _glorot(k3, (IN_CH, HID_CH))
    b1 = jnp.zeros((HID_CH,), dtype=jnp.float32)
    W2 = _glorot(k4, (HID_CH, OUT_CH))
    b2 = jnp.zeros((OUT_CH,), dtype=jnp.float32)
    return {"x": x, "edge_index": edge_index, "W1": W1, "b1": b1, "W2": W2, "b2": b2}


def _gcn_conv(x, edge_index, W, b):
    # PyG GCNConv: add self-loops, symmetric normalization, linear transform, sum-aggregate.
    N = x.shape[0]
    xw = x @ W
    loop = jnp.arange(N, dtype=edge_index.dtype)
    src = jnp.concatenate([edge_index[0], loop])
    dst = jnp.concatenate([edge_index[1], loop])
    ones = jnp.ones(dst.shape[0], dtype=xw.dtype)
    deg = jax.ops.segment_sum(ones, dst, num_segments=N)
    deg_inv_sqrt = jnp.where(deg > 0, deg ** -0.5, 0.0)
    norm = deg_inv_sqrt[src] * deg_inv_sqrt[dst]
    msg = xw[src] * norm[:, None]
    out = jax.ops.segment_sum(msg, dst, num_segments=N)
    return out + b


def reference(x, edge_index, W1, b1, W2, b2):
    # Net.encode: conv1 -> relu -> conv2
    h = _gcn_conv(x, edge_index, W1, b1)
    h = jax.nn.relu(h)
    z = _gcn_conv(h, edge_index, W2, b2)
    return z

if __name__ == "__main__":
    import jax
    _d = setup_inputs()
    print(jax.jit(kernel)(*tuple(_d.values())))

</pallas_src>

<mosaic_0001>
#map = affine_map<(d0, d1) -> (0, 0)>
#map1 = affine_map<(d0, d1) -> (0, 0, 0, 0)>
#map2 = affine_map<(d0, d1) -> (0, 0, 0)>
module attributes {stable_mosaic.version = 14 : i64} {
  func.func @_agg_kernel(%arg0: i32, %arg1: i32, %arg2: memref<10112x128xf32, #tpu.memory_space<hbm>>, %arg3: memref<10112x128xf32, #tpu.memory_space<hbm>>, %arg4: memref<32x2x40x128xi32, #tpu.memory_space<hbm>>, %arg5: memref<32x2x40x128xi32, #tpu.memory_space<hbm>>, %arg6: memref<2x10112x128xf32, #tpu.memory_space<hbm>>, %arg7: memref<40x128xi32, #tpu.memory_space<vmem>>, %arg8: memref<40x128xi32, #tpu.memory_space<vmem>>, %arg9: memref<2x128x128xf32, #tpu.memory_space<vmem>>, %arg10: memref<10112x128xf32, #tpu.memory_space<vmem_shared>>, %arg11: memref<2x!tpu.dma_semaphore, #tpu.memory_space<semaphore_mem>>, %arg12: memref<2x!tpu.dma_semaphore, #tpu.memory_space<semaphore_mem>>) attributes {dimension_semantics = [#tpu.dimension_semantics<core_parallel>, #tpu.dimension_semantics<subcore_parallel>], iteration_bounds = array<i64: 2, 16>, scalar_prefetch = 0 : i64, scratch_operands = 6 : i64, tpu.core_type = #tpu.core_type<sc_vector_subcore>, window_params = [{transform_indices = #map}, {transform_indices = #map}, {transform_indices = #map1}, {transform_indices = #map1}, {transform_indices = #map2}]} {
    %mul3A = arith.constant 16 : i32
    %mul3A_0 = arith.muli %arg0, %mul3A : i32
    %add3A = arith.addi %mul3A_0, %arg1 : i32
    %mul3A_1 = arith.constant 632 : i32
    %mul3A_2 = arith.muli %arg1, %mul3A_1 : i32
    %eq3A = arith.constant 0 : i32
    %eq3A_3 = arith.cmpi eq, %arg0, %eq3A : i32
    %convert_element_type3A = arith.extui %eq3A_3 : i1 to i32
    %cond3A = arith.constant 0 : i32
    %cond3A_4 = arith.cmpi ne, %convert_element_type3A, %cond3A : i32
    scf.if %cond3A_4 {
      "tpu.region"() ({
        %run_scoped3A_81 = tpu.sem_alloc : memref<!tpu.dma_semaphore, #tpu.memory_space<semaphore_mem>>
        %dma_start3A_82 = arith.constant 0 : i32
        %dma_start3A_83 = tpu.memref_slice %arg10[%mul3A_2, %dma_start3A_82] : memref<10112x128xf32, #tpu.memory_space<vmem_shared>> -> memref<632x128xf32, #tpu.memory_space<vmem_shared>>
        %dma_start3A_84 = arith.constant 0 : i32
        %dma_start3A_85 = tpu.memref_slice %arg2[%mul3A_2, %dma_start3A_84] : memref<10112x128xf32, #tpu.memory_space<hbm>> -> memref<632x128xf32, #tpu.memory_space<hbm>>
        tpu.enqueue_dma source(%dma_start3A_85 : memref<632x128xf32, #tpu.memory_space<hbm>>) target(%dma_start3A_83 : memref<632x128xf32, #tpu.memory_space<vmem_shared>>) target_semaphore(%run_scoped3A_81 : memref<!tpu.dma_semaphore, #tpu.memory_space<semaphore_mem>>)
        %dma_wait3A = arith.constant 0 : i32
        %dma_wait3A_86 = tpu.memref_slice %arg10[%mul3A_2, %dma_wait3A] : memref<10112x128xf32, #tpu.memory_space<vmem_shared>> -> memref<632x128xf32, #tpu.memory_space<vmem_shared>>
        %dma_wait3A_87 = arith.constant 0 : i32
        %dma_wait3A_88 = tpu.memref_slice %arg2[%mul3A_2, %dma_wait3A_87] : memref<10112x128xf32, #tpu.memory_space<hbm>> -> memref<632x128xf32, #tpu.memory_space<hbm>>
        tpu.wait_dma2 semaphore(%run_scoped3A_81 : memref<!tpu.dma_semaphore, #tpu.memory_space<semaphore_mem>>) src(%dma_wait3A_88 : memref<632x128xf32, #tpu.memory_space<hbm>>) dst(%dma_wait3A_86 : memref<632x128xf32, #tpu.memory_space<vmem_shared>>)
        tpu.yield
      }) : () -> ()
    } else {
    }
    %ne3A = arith.constant 0 : i32
    %ne3A_5 = arith.cmpi ne, %arg0, %ne3A : i32
    %convert_element_type3A_6 = arith.extui %ne3A_5 : i1 to i32
    %cond3A_7 = arith.constant 0 : i32
    %cond3A_8 = arith.cmpi ne, %convert_element_type3A_6, %cond3A_7 : i32
    scf.if %cond3A_8 {
      "tpu.region"() ({
        %run_scoped3A_81 = tpu.sem_alloc : memref<!tpu.dma_semaphore, #tpu.memory_space<semaphore_mem>>
        %dma_start3A_82 = arith.constant 0 : i32
        %dma_start3A_83 = tpu.memref_slice %arg10[%mul3A_2, %dma_start3A_82] : memref<10112x128xf32, #tpu.memory_space<vmem_shared>> -> memref<632x128xf32, #tpu.memory_space<vmem_shared>>
        %dma_start3A_84 = arith.constant 0 : i32
        %dma_start3A_85 = tpu.memref_slice %arg3[%mul3A_2, %dma_start3A_84] : memref<10112x128xf32, #tpu.memory_space<hbm>> -> memref<632x128xf32, #tpu.memory_space<hbm>>
        tpu.enqueue_dma source(%dma_start3A_85 : memref<632x128xf32, #tpu.memory_space<hbm>>) target(%dma_start3A_83 : memref<632x128xf32, #tpu.memory_space<vmem_shared>>) target_semaphore(%run_scoped3A_81 : memref<!tpu.dma_semaphore, #tpu.memory_space<semaphore_mem>>)
        %dma_wait3A = arith.constant 0 : i32
        %dma_wait3A_86 = tpu.memref_slice %arg10[%mul3A_2, %dma_wait3A] : memref<10112x128xf32, #tpu.memory_space<vmem_shared>> -> memref<632x128xf32, #tpu.memory_space<vmem_shared>>
        %dma_wait3A_87 = arith.constant 0 : i32
        %dma_wait3A_88 = tpu.memref_slice %arg3[%mul3A_2, %dma_wait3A_87] : memref<10112x128xf32, #tpu.memory_space<hbm>> -> memref<632x128xf32, #tpu.memory_space<hbm>>
        tpu.wait_dma2 semaphore(%run_scoped3A_81 : memref<!tpu.dma_semaphore, #tpu.memory_space<semaphore_mem>>) src(%dma_wait3A_88 : memref<632x128xf32, #tpu.memory_space<hbm>>) dst(%dma_wait3A_86 : memref<632x128xf32, #tpu.memory_space<vmem_shared>>)
        tpu.yield
      }) : () -> ()
    } else {
    }
    %barrier3A = arith.constant 0 : index
    tpu.barrier barrier_id(%barrier3A)
    %run_scoped3A = arith.constant 0 : i32
    "tpu.region"() ({
      %run_scoped3A_81 = tpu.sem_alloc : memref<!tpu.dma_semaphore, #tpu.memory_space<semaphore_mem>>
      %dma_start3A_82 = arith.constant 0 : i32
      %dma_start3A_83 = arith.constant 0 : i32
      %dma_start3A_84 = tpu.memref_slice %arg4[%add3A, %run_scoped3A, %dma_start3A_82, %dma_start3A_83] : memref<32x2x40x128xi32, #tpu.memory_space<hbm>> -> memref<1x1x40x128xi32, #tpu.memory_space<hbm>>
      %dma_start3A_85 = tpu.memref_squeeze %dma_start3A_84 : memref<1x1x40x128xi32, #tpu.memory_space<hbm>> -> memref<40x128xi32, #tpu.memory_space<hbm>>
      %dma_start3A_86 = arith.constant 0 : i32
      %dma_start3A_87 = arith.constant 0 : i32
      %dma_start3A_88 = tpu.memref_slice %arg4[%add3A, %run_scoped3A, %dma_start3A_86, %dma_start3A_87] : memref<32x2x40x128xi32, #tpu.memory_space<hbm>> -> memref<1x1x40x128xi32, #tpu.memory_space<hbm>>
      %dma_start3A_89 = tpu.memref_squeeze %dma_start3A_88 : memref<1x1x40x128xi32, #tpu.memory_space<hbm>> -> memref<40x128xi32, #tpu.memory_space<hbm>>
      tpu.enqueue_dma source(%dma_start3A_89 : memref<40x128xi32, #tpu.memory_space<hbm>>) target(%arg7 : memref<40x128xi32, #tpu.memory_space<vmem>>) target_semaphore(%run_scoped3A_81 : memref<!tpu.dma_semaphore, #tpu.memory_space<semaphore_mem>>)
      %dma_wait3A = arith.constant 0 : i32
      %dma_wait3A_90 = arith.constant 0 : i32
      %dma_wait3A_91 = tpu.memref_slice %arg4[%add3A, %run_scoped3A, %dma_wait3A, %dma_wait3A_90] : memref<32x2x40x128xi32, #tpu.memory_space<hbm>> -> memref<1x1x40x128xi32, #tpu.memory_space<hbm>>
      %dma_wait3A_92 = tpu.memref_squeeze %dma_wait3A_91 : memref<1x1x40x128xi32, #tpu.memory_space<hbm>> -> memref<40x128xi32, #tpu.memory_space<hbm>>
      %dma_wait3A_93 = arith.constant 0 : i32
      %dma_wait3A_94 = arith.constant 0 : i32
      %dma_wait3A_95 = tpu.memref_slice %arg4[%add3A, %run_scoped3A, %dma_wait3A_93, %dma_wait3A_94] : memref<32x2x40x128xi32, #tpu.memory_space<hbm>> -> memref<1x1x40x128xi32, #tpu.memory_space<hbm>>
      %dma_wait3A_96 = tpu.memref_squeeze %dma_wait3A_95 : memref<1x1x40x128xi32, #tpu.memory_space<hbm>> -> memref<40x128xi32, #tpu.memory_space<hbm>>
      tpu.wait_dma2 semaphore(%run_scoped3A_81 : memref<!tpu.dma_semaphore, #tpu.memory_space<semaphore_mem>>) src(%dma_wait3A_96 : memref<40x128xi32, #tpu.memory_space<hbm>>) dst(%arg7 : memref<40x128xi32, #tpu.memory_space<vmem>>)
      tpu.yield
    }) : () -> ()
    %run_scoped3A_9 = arith.constant 0 : i32
    "tpu.region"() ({
      %run_scoped3A_81 = tpu.sem_alloc : memref<!tpu.dma_semaphore, #tpu.memory_space<semaphore_mem>>
      %dma_start3A_82 = arith.constant 0 : i32
      %dma_start3A_83 = arith.constant 0 : i32
      %dma_start3A_84 = tpu.memref_slice %arg5[%add3A, %run_scoped3A_9, %dma_start3A_82, %dma_start3A_83] : memref<32x2x40x128xi32, #tpu.memory_space<hbm>> -> memref<1x1x40x128xi32, #tpu.memory_space<hbm>>
      %dma_start3A_85 = tpu.memref_squeeze %dma_start3A_84 : memref<1x1x40x128xi32, #tpu.memory_space<hbm>> -> memref<40x128xi32, #tpu.memory_space<hbm>>
      %dma_start3A_86 = arith.constant 0 : i32
      %dma_start3A_87 = arith.constant 0 : i32
      %dma_start3A_88 = tpu.memref_slice %arg5[%add3A, %run_scoped3A_9, %dma_start3A_86, %dma_start3A_87] : memref<32x2x40x128xi32, #tpu.memory_space<hbm>> -> memref<1x1x40x128xi32, #tpu.memory_space<hbm>>
      %dma_start3A_89 = tpu.memref_squeeze %dma_start3A_88 : memref<1x1x40x128xi32, #tpu.memory_space<hbm>> -> memref<40x128xi32, #tpu.memory_space<hbm>>
      tpu.enqueue_dma source(%dma_start3A_89 : memref<40x128xi32, #tpu.memory_space<hbm>>) target(%arg8 : memref<40x128xi32, #tpu.memory_space<vmem>>) target_semaphore(%run_scoped3A_81 : memref<!tpu.dma_semaphore, #tpu.memory_space<semaphore_mem>>)
      %dma_wait3A = arith.constant 0 : i32
      %dma_wait3A_90 = arith.constant 0 : i32
      %dma_wait3A_91 = tpu.memref_slice %arg5[%add3A, %run_scoped3A_9, %dma_wait3A, %dma_wait3A_90] : memref<32x2x40x128xi32, #tpu.memory_space<hbm>> -> memref<1x1x40x128xi32, #tpu.memory_space<hbm>>
      %dma_wait3A_92 = tpu.memref_squeeze %dma_wait3A_91 : memref<1x1x40x128xi32, #tpu.memory_space<hbm>> -> memref<40x128xi32, #tpu.memory_space<hbm>>
      %dma_wait3A_93 = arith.constant 0 : i32
      %dma_wait3A_94 = arith.constant 0 : i32
      %dma_wait3A_95 = tpu.memref_slice %arg5[%add3A, %run_scoped3A_9, %dma_wait3A_93, %dma_wait3A_94] : memref<32x2x40x128xi32, #tpu.memory_space<hbm>> -> memref<1x1x40x128xi32, #tpu.memory_space<hbm>>
      %dma_wait3A_96 = tpu.memref_squeeze %dma_wait3A_95 : memref<1x1x40x128xi32, #tpu.memory_space<hbm>> -> memref<40x128xi32, #tpu.memory_space<hbm>>
      tpu.wait_dma2 semaphore(%run_scoped3A_81 : memref<!tpu.dma_semaphore, #tpu.memory_space<semaphore_mem>>) src(%dma_wait3A_96 : memref<40x128xi32, #tpu.memory_space<hbm>>) dst(%arg8 : memref<40x128xi32, #tpu.memory_space<vmem>>)
      tpu.yield
    }) : () -> ()
    %dma_start3A = arith.constant 0 : i32
    %dma_start3A_10 = arith.constant 0 : i32
    %dma_start3A_11 = arith.constant 0 : i32
    %dma_start3A_12 = arith.constant 0 : i32
    %dma_start3A_13 = arith.constant 0 : i32
    %dma_start3A_14 = tpu.memref_slice %arg9[%dma_start3A_10, %dma_start3A_12, %dma_start3A_13] : memref<2x128x128xf32, #tpu.memory_space<vmem>> -> memref<1x128x128xf32, #tpu.memory_space<vmem>>
    %dma_start3A_15 = tpu.memref_squeeze %dma_start3A_14 : memref<1x128x128xf32, #tpu.memory_space<vmem>> -> memref<128x128xf32, #tpu.memory_space<vmem>>
    %dma_start3A_16 = arith.constant 0 : i32
    %dma_start3A_17 = tpu.memref_slice %arg7[%dma_start3A, %dma_start3A_16] : memref<40x128xi32, #tpu.memory_space<vmem>> -> memref<1x128xi32, #tpu.memory_space<vmem>>
    %dma_start3A_18 = tpu.memref_squeeze %dma_start3A_17 : memref<1x128xi32, #tpu.memory_space<vmem>> -> memref<128xi32, #tpu.memory_space<vmem>>
    %dma_start3A_19 = arith.constant 0 : i32
    %dma_start3A_20 = arith.constant 0 : i32
    %dma_start3A_21 = tpu.memref_slice %arg2[%dma_start3A_19, %dma_start3A_20] : memref<10112x128xf32, #tpu.memory_space<hbm>> -> memref<10112x128xf32, #tpu.memory_space<hbm>>
    %dma_start3A_22 = tpu.memref_slice %arg11[%dma_start3A_11] : memref<2x!tpu.dma_semaphore, #tpu.memory_space<semaphore_mem>> -> memref<1x!tpu.dma_semaphore, #tpu.memory_space<semaphore_mem>>
    %dma_start3A_23 = tpu.memref_squeeze %dma_start3A_22 : memref<1x!tpu.dma_semaphore, #tpu.memory_space<semaphore_mem>> -> memref<!tpu.dma_semaphore, #tpu.memory_space<semaphore_mem>>
    tpu.enqueue_indirect_dma source(%dma_start3A_21 : memref<10112x128xf32, #tpu.memory_space<hbm>>) target(%dma_start3A_15 : memref<128x128xf32, #tpu.memory_space<vmem>>) offsets(%dma_start3A_18 : memref<128xi32, #tpu.memory_space<vmem>>) semaphore(%dma_start3A_23 : memref<!tpu.dma_semaphore, #tpu.memory_space<semaphore_mem>>)
    %dma_start3A_24 = arith.constant 1 : i32
    %dma_start3A_25 = arith.constant 1 : i32
    %dma_start3A_26 = arith.constant 1 : i32
    %dma_start3A_27 = arith.constant 0 : i32
    %dma_start3A_28 = arith.constant 0 : i32
    %dma_start3A_29 = tpu.memref_slice %arg9[%dma_start3A_25, %dma_start3A_27, %dma_start3A_28] : memref<2x128x128xf32, #tpu.memory_space<vmem>> -> memref<1x128x128xf32, #tpu.memory_space<vmem>>
    %dma_start3A_30 = tpu.memref_squeeze %dma_start3A_29 : memref<1x128x128xf32, #tpu.memory_space<vmem>> -> memref<128x128xf32, #tpu.memory_space<vmem>>
    %dma_start3A_31 = arith.constant 0 : i32
    %dma_start3A_32 = tpu.memref_slice %arg7[%dma_start3A_24, %dma_start3A_31] : memref<40x128xi32, #tpu.memory_space<vmem>> -> memref<1x128xi32, #tpu.memory_space<vmem>>
    %dma_start3A_33 = tpu.memref_squeeze %dma_start3A_32 : memref<1x128xi32, #tpu.memory_space<vmem>> -> memref<128xi32, #tpu.memory_space<vmem>>
    %dma_start3A_34 = arith.constant 0 : i32
    %dma_start3A_35 = arith.constant 0 : i32
    %dma_start3A_36 = tpu.memref_slice %arg2[%dma_start3A_34, %dma_start3A_35] : memref<10112x128xf32, #tpu.memory_space<hbm>> -> memref<10112x128xf32, #tpu.memory_space<hbm>>
    %dma_start3A_37 = tpu.memref_slice %arg11[%dma_start3A_26] : memref<2x!tpu.dma_semaphore, #tpu.memory_space<semaphore_mem>> -> memref<1x!tpu.dma_semaphore, #tpu.memory_space<semaphore_mem>>
    %dma_start3A_38 = tpu.memref_squeeze %dma_start3A_37 : memref<1x!tpu.dma_semaphore, #tpu.memory_space<semaphore_mem>> -> memref<!tpu.dma_semaphore, #tpu.memory_space<semaphore_mem>>
    tpu.enqueue_indirect_dma source(%dma_start3A_36 : memref<10112x128xf32, #tpu.memory_space<hbm>>) target(%dma_start3A_30 : memref<128x128xf32, #tpu.memory_space<vmem>>) offsets(%dma_start3A_33 : memref<128xi32, #tpu.memory_space<vmem>>) semaphore(%dma_start3A_38 : memref<!tpu.dma_semaphore, #tpu.memory_space<semaphore_mem>>)
    %scan3A = arith.constant 0 : i32
    %scan3A_39 = arith.constant 20 : i32
    %scan3A_40 = arith.addi %scan3A, %scan3A_39 : i32
    %scan3A_41 = arith.constant 1 : i32
    scf.for %scan3A_81 = %scan3A to %scan3A_40 step %scan3A_41  : i32 {
      %mul3A_82 = arith.constant 2 : i32
      %mul3A_83 = arith.muli %scan3A_81, %mul3A_82 : i32
      %add3A_84 = arith.constant 0 : i32
      %add3A_85 = arith.addi %mul3A_83, %add3A_84 : i32
      %dma_wait3A = arith.constant 0 : i32
      %dma_wait3A_86 = arith.constant 0 : i32
      %dma_wait3A_87 = arith.constant 0 : i32
      %dma_wait3A_88 = arith.constant 0 : i32
      %dma_wait3A_89 = tpu.memref_slice %arg9[%dma_wait3A, %dma_wait3A_87, %dma_wait3A_88] : memref<2x128x128xf32, #tpu.memory_space<vmem>> -> memref<1x128x128xf32, #tpu.memory_space<vmem>>
      %dma_wait3A_90 = tpu.memref_squeeze %dma_wait3A_89 : memref<1x128x128xf32, #tpu.memory_space<vmem>> -> memref<128x128xf32, #tpu.memory_space<vmem>>
      %dma_wait3A_91 = arith.constant 0 : i32
      %dma_wait3A_92 = tpu.memref_slice %arg7[%add3A_85, %dma_wait3A_91] : memref<40x128xi32, #tpu.memory_space<vmem>> -> memref<1x128xi32, #tpu.memory_space<vmem>>
      %dma_wait3A_93 = tpu.memref_squeeze %dma_wait3A_92 : memref<1x128xi32, #tpu.memory_space<vmem>> -> memref<128xi32, #tpu.memory_space<vmem>>
      %dma_wait3A_94 = arith.constant 0 : i32
      %dma_wait3A_95 = arith.constant 0 : i32
      %dma_wait3A_96 = tpu.memref_slice %arg2[%dma_wait3A_94, %dma_wait3A_95] : memref<10112x128xf32, #tpu.memory_space<hbm>> -> memref<10112x128xf32, #tpu.memory_space<hbm>>
      %dma_wait3A_97 = tpu.memref_slice %arg11[%dma_wait3A_86] : memref<2x!tpu.dma_semaphore, #tpu.memory_space<semaphore_mem>> -> memref<1x!tpu.dma_semaphore, #tpu.memory_space<semaphore_mem>>
      %dma_wait3A_98 = tpu.memref_squeeze %dma_wait3A_97 : memref<1x!tpu.dma_semaphore, #tpu.memory_space<semaphore_mem>> -> memref<!tpu.dma_semaphore, #tpu.memory_space<semaphore_mem>>
      tpu.wait_indirect_dma semaphore(%dma_wait3A_98 : memref<!tpu.dma_semaphore, #tpu.memory_space<semaphore_mem>>) src(%dma_wait3A_96 : memref<10112x128xf32, #tpu.memory_space<hbm>>) dst(%dma_wait3A_90 : memref<128x128xf32, #tpu.memory_space<vmem>>)
      %dma_start3A_99 = arith.constant 0 : i32
      %dma_start3A_100 = arith.constant 0 : i32
      %dma_start3A_101 = arith.constant 0 : i32
      %dma_start3A_102 = arith.constant 0 : i32
      %dma_start3A_103 = tpu.memref_slice %arg9[%dma_start3A_99, %dma_start3A_101, %dma_start3A_102] : memref<2x128x128xf32, #tpu.memory_space<vmem>> -> memref<1x128x128xf32, #tpu.memory_space<vmem>>
      %dma_start3A_104 = tpu.memref_squeeze %dma_start3A_103 : memref<1x128x128xf32, #tpu.memory_space<vmem>> -> memref<128x128xf32, #tpu.memory_space<vmem>>
      %dma_start3A_105 = arith.constant 0 : i32
      %dma_start3A_106 = tpu.memref_slice %arg8[%add3A_85, %dma_start3A_105] : memref<40x128xi32, #tpu.memory_space<vmem>> -> memref<1x128xi32, #tpu.memory_space<vmem>>
      %dma_start3A_107 = tpu.memref_squeeze %dma_start3A_106 : memref<1x128xi32, #tpu.memory_space<vmem>> -> memref<128xi32, #tpu.memory_space<vmem>>
      %dma_start3A_108 = arith.constant 0 : i32
      %dma_start3A_109 = arith.constant 0 : i32
      %dma_start3A_110 = tpu.memref_slice %arg10[%dma_start3A_108, %dma_start3A_109] : memref<10112x128xf32, #tpu.memory_space<vmem_shared>> -> memref<10112x128xf32, #tpu.memory_space<vmem_shared>>
      %dma_start3A_111 = tpu.memref_slice %arg12[%dma_start3A_100] : memref<2x!tpu.dma_semaphore, #tpu.memory_space<semaphore_mem>> -> memref<1x!tpu.dma_semaphore, #tpu.memory_space<semaphore_mem>>
      %dma_start3A_112 = tpu.memref_squeeze %dma_start3A_111 : memref<1x!tpu.dma_semaphore, #tpu.memory_space<semaphore_mem>> -> memref<!tpu.dma_semaphore, #tpu.memory_space<semaphore_mem>>
      tpu.enqueue_indirect_dma source(%dma_start3A_104 : memref<128x128xf32, #tpu.memory_space<vmem>>) target(%dma_start3A_110 : memref<10112x128xf32, #tpu.memory_space<vmem_shared>>) offsets(%dma_start3A_107 : memref<128xi32, #tpu.memory_space<vmem>>) semaphore(%dma_start3A_112 : memref<!tpu.dma_semaphore, #tpu.memory_space<semaphore_mem>>) {add = true}
      %dma_wait3A_113 = arith.constant 0 : i32
      %dma_wait3A_114 = arith.constant 0 : i32
      %dma_wait3A_115 = arith.constant 0 : i32
      %dma_wait3A_116 = arith.constant 0 : i32
      %dma_wait3A_117 = tpu.memref_slice %arg9[%dma_wait3A_113, %dma_wait3A_115, %dma_wait3A_116] : memref<2x128x128xf32, #tpu.memory_space<vmem>> -> memref<1x128x128xf32, #tpu.memory_space<vmem>>
      %dma_wait3A_118 = tpu.memref_squeeze %dma_wait3A_117 : memref<1x128x128xf32, #tpu.memory_space<vmem>> -> memref<128x128xf32, #tpu.memory_space<vmem>>
      %dma_wait3A_119 = arith.constant 0 : i32
      %dma_wait3A_120 = tpu.memref_slice %arg8[%add3A_85, %dma_wait3A_119] : memref<40x128xi32, #tpu.memory_space<vmem>> -> memref<1x128xi32, #tpu.memory_space<vmem>>
      %dma_wait3A_121 = tpu.memref_squeeze %dma_wait3A_120 : memref<1x128xi32, #tpu.memory_space<vmem>> -> memref<128xi32, #tpu.memory_space<vmem>>
      %dma_wait3A_122 = arith.constant 0 : i32
      %dma_wait3A_123 = arith.constant 0 : i32
      %dma_wait3A_124 = tpu.memref_slice %arg10[%dma_wait3A_122, %dma_wait3A_123] : memref<10112x128xf32, #tpu.memory_space<vmem_shared>> -> memref<10112x128xf32, #tpu.memory_space<vmem_shared>>
      %dma_wait3A_125 = tpu.memref_slice %arg12[%dma_wait3A_114] : memref<2x!tpu.dma_semaphore, #tpu.memory_space<semaphore_mem>> -> memref<1x!tpu.dma_semaphore, #tpu.memory_space<semaphore_mem>>
      %dma_wait3A_126 = tpu.memref_squeeze %dma_wait3A_125 : memref<1x!tpu.dma_semaphore, #tpu.memory_space<semaphore_mem>> -> memref<!tpu.dma_semaphore, #tpu.memory_space<semaphore_mem>>
      tpu.wait_indirect_dma semaphore(%dma_wait3A_126 : memref<!tpu.dma_semaphore, #tpu.memory_space<semaphore_mem>>) src(%dma_wait3A_118 : memref<128x128xf32, #tpu.memory_space<vmem>>) dst(%dma_wait3A_124 : memref<10112x128xf32, #tpu.memory_space<vmem_shared>>)
      %add3A_127 = arith.constant 2 : i32
      %add3A_128 = arith.addi %add3A_85, %add3A_127 : i32
      %lt3A = arith.constant 40 : i32
      %lt3A_129 = arith.cmpi slt, %add3A_128, %lt3A : i32
      %convert_element_type3A_130 = arith.extui %lt3A_129 : i1 to i32
      %cond3A_131 = arith.constant 0 : i32
      %cond3A_132 = arith.cmpi ne, %convert_element_type3A_130, %cond3A_131 : i32
      scf.if %cond3A_132 {
        %dma_start3A_186 = arith.constant 0 : i32
        %dma_start3A_187 = arith.constant 0 : i32
        %dma_start3A_188 = arith.constant 0 : i32
        %dma_start3A_189 = arith.constant 0 : i32
        %dma_start3A_190 = tpu.memref_slice %arg9[%dma_start3A_186, %dma_start3A_188, %dma_start3A_189] : memref<2x128x128xf32, #tpu.memory_space<vmem>> -> memref<1x128x128xf32, #tpu.memory_space<vmem>>
        %dma_start3A_191 = tpu.memref_squeeze %dma_start3A_190 : memref<1x128x128xf32, #tpu.memory_space<vmem>> -> memref<128x128xf32, #tpu.memory_space<vmem>>
        %dma_start3A_192 = arith.constant 0 : i32
        %dma_start3A_193 = tpu.memref_slice %arg7[%add3A_128, %dma_start3A_192] : memref<40x128xi32, #tpu.memory_space<vmem>> -> memref<1x128xi32, #tpu.memory_space<vmem>>
        %dma_start3A_194 = tpu.memref_squeeze %dma_start3A_193 : memref<1x128xi32, #tpu.memory_space<vmem>> -> memref<128xi32, #tpu.memory_space<vmem>>
        %dma_start3A_195 = arith.constant 0 : i32
        %dma_start3A_196 = arith.constant 0 : i32
        %dma_start3A_197 = tpu.memref_slice %arg2[%dma_start3A_195, %dma_start3A_196] : memref<10112x128xf32, #tpu.memory_space<hbm>> -> memref<10112x128xf32, #tpu.memory_space<hbm>>
        %dma_start3A_198 = tpu.memref_slice %arg11[%dma_start3A_187] : memref<2x!tpu.dma_semaphore, #tpu.memory_space<semaphore_mem>> -> memref<1x!tpu.dma_semaphore, #tpu.memory_space<semaphore_mem>>
        %dma_start3A_199 = tpu.memref_squeeze %dma_start3A_198 : memref<1x!tpu.dma_semaphore, #tpu.memory_space<semaphore_mem>> -> memref<!tpu.dma_semaphore, #tpu.memory_space<semaphore_mem>>
        tpu.enqueue_indirect_dma source(%dma_start3A_197 : memref<10112x128xf32, #tpu.memory_space<hbm>>) target(%dma_start3A_191 : memref<128x128xf32, #tpu.memory_space<vmem>>) offsets(%dma_start3A_194 : memref<128xi32, #tpu.memory_space<vmem>>) semaphore(%dma_start3A_199 : memref<!tpu.dma_semaphore, #tpu.memory_space<semaphore_mem>>)
      } else {
      }
      %mul3A_133 = arith.constant 2 : i32
      %mul3A_134 = arith.muli %scan3A_81, %mul3A_133 : i32
      %add3A_135 = arith.constant 1 : i32
      %add3A_136 = arith.addi %mul3A_134, %add3A_135 : i32
      %dma_wait3A_137 = arith.constant 1 : i32
      %dma_wait3A_138 = arith.constant 1 : i32
      %dma_wait3A_139 = arith.constant 0 : i32
      %dma_wait3A_140 = arith.constant 0 : i32
      %dma_wait3A_141 = tpu.memref_slice %arg9[%dma_wait3A_137, %dma_wait3A_139, %dma_wait3A_140] : memref<2x128x128xf32, #tpu.memory_space<vmem>> -> memref<1x128x128xf32, #tpu.memory_space<vmem>>
      %dma_wait3A_142 = tpu.memref_squeeze %dma_wait3A_141 : memref<1x128x128xf32, #tpu.memory_space<vmem>> -> memref<128x128xf32, #tpu.memory_space<vmem>>
      %dma_wait3A_143 = arith.constant 0 : i32
      %dma_wait3A_144 = tpu.memref_slice %arg7[%add3A_136, %dma_wait3A_143] : memref<40x128xi32, #tpu.memory_space<vmem>> -> memref<1x128xi32, #tpu.memory_space<vmem>>
      %dma_wait3A_145 = tpu.memref_squeeze %dma_wait3A_144 : memref<1x128xi32, #tpu.memory_space<vmem>> -> memref<128xi32, #tpu.memory_space<vmem>>
      %dma_wait3A_146 = arith.constant 0 : i32
      %dma_wait3A_147 = arith.constant 0 : i32
      %dma_wait3A_148 = tpu.memref_slice %arg2[%dma_wait3A_146, %dma_wait3A_147] : memref<10112x128xf32, #tpu.memory_space<hbm>> -> memref<10112x128xf32, #tpu.memory_space<hbm>>
      %dma_wait3A_149 = tpu.memref_slice %arg11[%dma_wait3A_138] : memref<2x!tpu.dma_semaphore, #tpu.memory_space<semaphore_mem>> -> memref<1x!tpu.dma_semaphore, #tpu.memory_space<semaphore_mem>>
      %dma_wait3A_150 = tpu.memref_squeeze %dma_wait3A_149 : memref<1x!tpu.dma_semaphore, #tpu.memory_space<semaphore_mem>> -> memref<!tpu.dma_semaphore, #tpu.memory_space<semaphore_mem>>
      tpu.wait_indirect_dma semaphore(%dma_wait3A_150 : memref<!tpu.dma_semaphore, #tpu.memory_space<semaphore_mem>>) src(%dma_wait3A_148 : memref<10112x128xf32, #tpu.memory_space<hbm>>) dst(%dma_wait3A_142 : memref<128x128xf32, #tpu.memory_space<vmem>>)
      %dma_start3A_151 = arith.constant 1 : i32
      %dma_start3A_152 = arith.constant 1 : i32
      %dma_start3A_153 = arith.constant 0 : i32
      %dma_start3A_154 = arith.constant 0 : i32
      %dma_start3A_155 = tpu.memref_slice %arg9[%dma_start3A_151, %dma_start3A_153, %dma_start3A_154] : memref<2x128x128xf32, #tpu.memory_space<vmem>> -> memref<1x128x128xf32, #tpu.memory_space<vmem>>
      %dma_start3A_156 = tpu.memref_squeeze %dma_start3A_155 : memref<1x128x128xf32, #tpu.memory_space<vmem>> -> memref<128x128xf32, #tpu.memory_space<vmem>>
      %dma_start3A_157 = arith.constant 0 : i32
      %dma_start3A_158 = tpu.memref_slice %arg8[%add3A_136, %dma_start3A_157] : memref<40x128xi32, #tpu.memory_space<vmem>> -> memref<1x128xi32, #tpu.memory_space<vmem>>
      %dma_start3A_159 = tpu.memref_squeeze %dma_start3A_158 : memref<1x128xi32, #tpu.memory_space<vmem>> -> memref<128xi32, #tpu.memory_space<vmem>>
      %dma_start3A_160 = arith.constant 0 : i32
      %dma_start3A_161 = arith.constant 0 : i32
      %dma_start3A_162 = tpu.memref_slice %arg10[%dma_start3A_160, %dma_start3A_161] : memref<10112x128xf32, #tpu.memory_space<vmem_shared>> -> memref<10112x128xf32, #tpu.memory_space<vmem_shared>>
      %dma_start3A_163 = tpu.memref_slice %arg12[%dma_start3A_152] : memref<2x!tpu.dma_semaphore, #tpu.memory_space<semaphore_mem>> -> memref<1x!tpu.dma_semaphore, #tpu.memory_space<semaphore_mem>>
      %dma_start3A_164 = tpu.memref_squeeze %dma_start3A_163 : memref<1x!tpu.dma_semaphore, #tpu.memory_space<semaphore_mem>> -> memref<!tpu.dma_semaphore, #tpu.memory_space<semaphore_mem>>
      tpu.enqueue_indirect_dma source(%dma_start3A_156 : memref<128x128xf32, #tpu.memory_space<vmem>>) target(%dma_start3A_162 : memref<10112x128xf32, #tpu.memory_space<vmem_shared>>) offsets(%dma_start3A_159 : memref<128xi32, #tpu.memory_space<vmem>>) semaphore(%dma_start3A_164 : memref<!tpu.dma_semaphore, #tpu.memory_space<semaphore_mem>>) {add = true}
      %dma_wait3A_165 = arith.constant 1 : i32
      %dma_wait3A_166 = arith.constant 1 : i32
      %dma_wait3A_167 = arith.constant 0 : i32
      %dma_wait3A_168 = arith.constant 0 : i32
      %dma_wait3A_169 = tpu.memref_slice %arg9[%dma_wait3A_165, %dma_wait3A_167, %dma_wait3A_168] : memref<2x128x128xf32, #tpu.memory_space<vmem>> -> memref<1x128x128xf32, #tpu.memory_space<vmem>>
      %dma_wait3A_170 = tpu.memref_squeeze %dma_wait3A_169 : memref<1x128x128xf32, #tpu.memory_space<vmem>> -> memref<128x128xf32, #tpu.memory_space<vmem>>
      %dma_wait3A_171 = arith.constant 0 : i32
      %dma_wait3A_172 = tpu.memref_slice %arg8[%add3A_136, %dma_wait3A_171] : memref<40x128xi32, #tpu.memory_space<vmem>> -> memref<1x128xi32, #tpu.memory_space<vmem>>
      %dma_wait3A_173 = tpu.memref_squeeze %dma_wait3A_172 : memref<1x128xi32, #tpu.memory_space<vmem>> -> memref<128xi32, #tpu.memory_space<vmem>>
      %dma_wait3A_174 = arith.constant 0 : i32
      %dma_wait3A_175 = arith.constant 0 : i32
      %dma_wait3A_176 = tpu.memref_slice %arg10[%dma_wait3A_174, %dma_wait3A_175] : memref<10112x128xf32, #tpu.memory_space<vmem_shared>> -> memref<10112x128xf32, #tpu.memory_space<vmem_shared>>
      %dma_wait3A_177 = tpu.memref_slice %arg12[%dma_wait3A_166] : memref<2x!tpu.dma_semaphore, #tpu.memory_space<semaphore_mem>> -> memref<1x!tpu.dma_semaphore, #tpu.memory_space<semaphore_mem>>
      %dma_wait3A_178 = tpu.memref_squeeze %dma_wait3A_177 : memref<1x!tpu.dma_semaphore, #tpu.memory_space<semaphore_mem>> -> memref<!tpu.dma_semaphore, #tpu.memory_space<semaphore_mem>>
      tpu.wait_indirect_dma semaphore(%dma_wait3A_178 : memref<!tpu.dma_semaphore, #tpu.memory_space<semaphore_mem>>) src(%dma_wait3A_170 : memref<128x128xf32, #tpu.memory_space<vmem>>) dst(%dma_wait3A_176 : memref<10112x128xf32, #tpu.memory_space<vmem_shared>>)
      %add3A_179 = arith.constant 2 : i32
      %add3A_180 = arith.addi %add3A_136, %add3A_179 : i32
      %lt3A_181 = arith.constant 40 : i32
      %lt3A_182 = arith.cmpi slt, %add3A_180, %lt3A_181 : i32
      %convert_element_type3A_183 = arith.extui %lt3A_182 : i1 to i32
      %cond3A_184 = arith.constant 0 : i32
      %cond3A_185 = arith.cmpi ne, %convert_element_type3A_183, %cond3A_184 : i32
      scf.if %cond3A_185 {
        %dma_start3A_186 = arith.constant 1 : i32
        %dma_start3A_187 = arith.constant 1 : i32
        %dma_start3A_188 = arith.constant 0 : i32
        %dma_start3A_189 = arith.constant 0 : i32
        %dma_start3A_190 = tpu.memref_slice %arg9[%dma_start3A_186, %dma_start3A_188, %dma_start3A_189] : memref<2x128x128xf32, #tpu.memory_space<vmem>> -> memref<1x128x128xf32, #tpu.memory_space<vmem>>
        %dma_start3A_191 = tpu.memref_squeeze %dma_start3A_190 : memref<1x128x128xf32, #tpu.memory_space<vmem>> -> memref<128x128xf32, #tpu.memory_space<vmem>>
        %dma_start3A_192 = arith.constant 0 : i32
        %dma_start3A_193 = tpu.memref_slice %arg7[%add3A_180, %dma_start3A_192] : memref<40x128xi32, #tpu.memory_space<vmem>> -> memref<1x128xi32, #tpu.memory_space<vmem>>
        %dma_start3A_194 = tpu.memref_squeeze %dma_start3A_193 : memref<1x128xi32, #tpu.memory_space<vmem>> -> memref<128xi32, #tpu.memory_space<vmem>>
        %dma_start3A_195 = arith.constant 0 : i32
        %dma_start3A_196 = arith.constant 0 : i32
        %dma_start3A_197 = tpu.memref_slice %arg2[%dma_start3A_195, %dma_start3A_196] : memref<10112x128xf32, #tpu.memory_space<hbm>> -> memref<10112x128xf32, #tpu.memory_space<hbm>>
        %dma_start3A_198 = tpu.memref_slice %arg11[%dma_start3A_187] : memref<2x!tpu.dma_semaphore, #tpu.memory_space<semaphore_mem>> -> memref<1x!tpu.dma_semaphore, #tpu.memory_space<semaphore_mem>>
        %dma_start3A_199 = tpu.memref_squeeze %dma_start3A_198 : memref<1x!tpu.dma_semaphore, #tpu.memory_space<semaphore_mem>> -> memref<!tpu.dma_semaphore, #tpu.memory_space<semaphore_mem>>
        tpu.enqueue_indirect_dma source(%dma_start3A_197 : memref<10112x128xf32, #tpu.memory_space<hbm>>) target(%dma_start3A_191 : memref<128x128xf32, #tpu.memory_space<vmem>>) offsets(%dma_start3A_194 : memref<128xi32, #tpu.memory_space<vmem>>) semaphore(%dma_start3A_199 : memref<!tpu.dma_semaphore, #tpu.memory_space<semaphore_mem>>)
      } else {
      }
    }
    %scan3A_42 = arith.constant 20 : i32
    %run_scoped3A_43 = arith.constant 1 : i32
    "tpu.region"() ({
      %run_scoped3A_81 = tpu.sem_alloc : memref<!tpu.dma_semaphore, #tpu.memory_space<semaphore_mem>>
      %dma_start3A_82 = arith.constant 0 : i32
      %dma_start3A_83 = arith.constant 0 : i32
      %dma_start3A_84 = tpu.memref_slice %arg4[%add3A, %run_scoped3A_43, %dma_start3A_82, %dma_start3A_83] : memref<32x2x40x128xi32, #tpu.memory_space<hbm>> -> memref<1x1x40x128xi32, #tpu.memory_space<hbm>>
      %dma_start3A_85 = tpu.memref_squeeze %dma_start3A_84 : memref<1x1x40x128xi32, #tpu.memory_space<hbm>> -> memref<40x128xi32, #tpu.memory_space<hbm>>
      %dma_start3A_86 = arith.constant 0 : i32
      %dma_start3A_87 = arith.constant 0 : i32
      %dma_start3A_88 = tpu.memref_slice %arg4[%add3A, %run_scoped3A_43, %dma_start3A_86, %dma_start3A_87] : memref<32x2x40x128xi32, #tpu.memory_space<hbm>> -> memref<1x1x40x128xi32, #tpu.memory_space<hbm>>
      %dma_start3A_89 = tpu.memref_squeeze %dma_start3A_88 : memref<1x1x40x128xi32, #tpu.memory_space<hbm>> -> memref<40x128xi32, #tpu.memory_space<hbm>>
      tpu.enqueue_dma source(%dma_start3A_89 : memref<40x128xi32, #tpu.memory_space<hbm>>) target(%arg7 : memref<40x128xi32, #tpu.memory_space<vmem>>) target_semaphore(%run_scoped3A_81 : memref<!tpu.dma_semaphore, #tpu.memory_space<semaphore_mem>>)
      %dma_wait3A = arith.constant 0 : i32
      %dma_wait3A_90 = arith.constant 0 : i32
      %dma_wait3A_91 = tpu.memref_slice %arg4[%add3A, %run_scoped3A_43, %dma_wait3A, %dma_wait3A_90] : memref<32x2x40x128xi32, #tpu.memory_space<hbm>> -> memref<1x1x40x128xi32, #tpu.memory_space<hbm>>
      %dma_wait3A_92 = tpu.memref_squeeze %dma_wait3A_91 : memref<1x1x40x128xi32, #tpu.memory_space<hbm>> -> memref<40x128xi32, #tpu.memory_space<hbm>>
      %dma_wait3A_93 = arith.constant 0 : i32
      %dma_wait3A_94 = arith.constant 0 : i32
      %dma_wait3A_95 = tpu.memref_slice %arg4[%add3A, %run_scoped3A_43, %dma_wait3A_93, %dma_wait3A_94] : memref<32x2x40x128xi32, #tpu.memory_space<hbm>> -> memref<1x1x40x128xi32, #tpu.memory_space<hbm>>
      %dma_wait3A_96 = tpu.memref_squeeze %dma_wait3A_95 : memref<1x1x40x128xi32, #tpu.memory_space<hbm>> -> memref<40x128xi32, #tpu.memory_space<hbm>>
      tpu.wait_dma2 semaphore(%run_scoped3A_81 : memref<!tpu.dma_semaphore, #tpu.memory_space<semaphore_mem>>) src(%dma_wait3A_96 : memref<40x128xi32, #tpu.memory_space<hbm>>) dst(%arg7 : memref<40x128xi32, #tpu.memory_space<vmem>>)
      tpu.yield
    }) : () -> ()
    %run_scoped3A_44 = arith.constant 1 : i32
    "tpu.region"() ({
      %run_scoped3A_81 = tpu.sem_alloc : memref<!tpu.dma_semaphore, #tpu.memory_space<semaphore_mem>>
      %dma_start3A_82 = arith.constant 0 : i32
      %dma_start3A_83 = arith.constant 0 : i32
      %dma_start3A_84 = tpu.memref_slice %arg5[%add3A, %run_scoped3A_44, %dma_start3A_82, %dma_start3A_83] : memref<32x2x40x128xi32, #tpu.memory_space<hbm>> -> memref<1x1x40x128xi32, #tpu.memory_space<hbm>>
      %dma_start3A_85 = tpu.memref_squeeze %dma_start3A_84 : memref<1x1x40x128xi32, #tpu.memory_space<hbm>> -> memref<40x128xi32, #tpu.memory_space<hbm>>
      %dma_start3A_86 = arith.constant 0 : i32
      %dma_start3A_87 = arith.constant 0 : i32
      %dma_start3A_88 = tpu.memref_slice %arg5[%add3A, %run_scoped3A_44, %dma_start3A_86, %dma_start3A_87] : memref<32x2x40x128xi32, #tpu.memory_space<hbm>> -> memref<1x1x40x128xi32, #tpu.memory_space<hbm>>
      %dma_start3A_89 = tpu.memref_squeeze %dma_start3A_88 : memref<1x1x40x128xi32, #tpu.memory_space<hbm>> -> memref<40x128xi32, #tpu.memory_space<hbm>>
      tpu.enqueue_dma source(%dma_start3A_89 : memref<40x128xi32, #tpu.memory_space<hbm>>) target(%arg8 : memref<40x128xi32, #tpu.memory_space<vmem>>) target_semaphore(%run_scoped3A_81 : memref<!tpu.dma_semaphore, #tpu.memory_space<semaphore_mem>>)
      %dma_wait3A = arith.constant 0 : i32
      %dma_wait3A_90 = arith.constant 0 : i32
      %dma_wait3A_91 = tpu.memref_slice %arg5[%add3A, %run_scoped3A_44, %dma_wait3A, %dma_wait3A_90] : memref<32x2x40x128xi32, #tpu.memory_space<hbm>> -> memref<1x1x40x128xi32, #tpu.memory_space<hbm>>
      %dma_wait3A_92 = tpu.memref_squeeze %dma_wait3A_91 : memref<1x1x40x128xi32, #tpu.memory_space<hbm>> -> memref<40x128xi32, #tpu.memory_space<hbm>>
      %dma_wait3A_93 = arith.constant 0 : i32
      %dma_wait3A_94 = arith.constant 0 : i32
      %dma_wait3A_95 = tpu.memref_slice %arg5[%add3A, %run_scoped3A_44, %dma_wait3A_93, %dma_wait3A_94] : memref<32x2x40x128xi32, #tpu.memory_space<hbm>> -> memref<1x1x40x128xi32, #tpu.memory_space<hbm>>
      %dma_wait3A_96 = tpu.memref_squeeze %dma_wait3A_95 : memref<1x1x40x128xi32, #tpu.memory_space<hbm>> -> memref<40x128xi32, #tpu.memory_space<hbm>>
      tpu.wait_dma2 semaphore(%run_scoped3A_81 : memref<!tpu.dma_semaphore, #tpu.memory_space<semaphore_mem>>) src(%dma_wait3A_96 : memref<40x128xi32, #tpu.memory_space<hbm>>) dst(%arg8 : memref<40x128xi32, #tpu.memory_space<vmem>>)
      tpu.yield
    }) : () -> ()
    %dma_start3A_45 = arith.constant 0 : i32
    %dma_start3A_46 = arith.constant 0 : i32
    %dma_start3A_47 = arith.constant 0 : i32
    %dma_start3A_48 = arith.constant 0 : i32
    %dma_start3A_49 = arith.constant 0 : i32
    %dma_start3A_50 = tpu.memref_slice %arg9[%dma_start3A_46, %dma_start3A_48, %dma_start3A_49] : memref<2x128x128xf32, #tpu.memory_space<vmem>> -> memref<1x128x128xf32, #tpu.memory_space<vmem>>
    %dma_start3A_51 = tpu.memref_squeeze %dma_start3A_50 : memref<1x128x128xf32, #tpu.memory_space<vmem>> -> memref<128x128xf32, #tpu.memory_space<vmem>>
    %dma_start3A_52 = arith.constant 0 : i32
    %dma_start3A_53 = tpu.memref_slice %arg7[%dma_start3A_45, %dma_start3A_52] : memref<40x128xi32, #tpu.memory_space<vmem>> -> memref<1x128xi32, #tpu.memory_space<vmem>>
    %dma_start3A_54 = tpu.memref_squeeze %dma_start3A_53 : memref<1x128xi32, #tpu.memory_space<vmem>> -> memref<128xi32, #tpu.memory_space<vmem>>
    %dma_start3A_55 = arith.constant 0 : i32
    %dma_start3A_56 = arith.constant 0 : i32
    %dma_start3A_57 = tpu.memref_slice %arg2[%dma_start3A_55, %dma_start3A_56] : memref<10112x128xf32, #tpu.memory_space<hbm>> -> memref<10112x128xf32, #tpu.memory_space<hbm>>
    %dma_start3A_58 = tpu.memref_slice %arg11[%dma_start3A_47] : memref<2x!tpu.dma_semaphore, #tpu.memory_space<semaphore_mem>> -> memref<1x!tpu.dma_semaphore, #tpu.memory_space<semaphore_mem>>
    %dma_start3A_59 = tpu.memref_squeeze %dma_start3A_58 : memref<1x!tpu.dma_semaphore, #tpu.memory_space<semaphore_mem>> -> memref<!tpu.dma_semaphore, #tpu.memory_space<semaphore_mem>>
    tpu.enqueue_indirect_dma source(%dma_start3A_57 : memref<10112x128xf32, #tpu.memory_space<hbm>>) target(%dma_start3A_51 : memref<128x128xf32, #tpu.memory_space<vmem>>) offsets(%dma_start3A_54 : memref<128xi32, #tpu.memory_space<vmem>>) semaphore(%dma_start3A_59 : memref<!tpu.dma_semaphore, #tpu.memory_space<semaphore_mem>>)
    %dma_start3A_60 = arith.constant 1 : i32
    %dma_start3A_61 = arith.constant 1 : i32
    %dma_start3A_62 = arith.constant 1 : i32
    %dma_start3A_63 = arith.constant 0 : i32
    %dma_start3A_64 = arith.constant 0 : i32
    %dma_start3A_65 = tpu.memref_slice %arg9[%dma_start3A_61, %dma_start3A_63, %dma_start3A_64] : memref<2x128x128xf32, #tpu.memory_space<vmem>> -> memref<1x128x128xf32, #tpu.memory_space<vmem>>
    %dma_start3A_66 = tpu.memref_squeeze %dma_start3A_65 : memref<1x128x128xf32, #tpu.memory_space<vmem>> -> memref<128x128xf32, #tpu.memory_space<vmem>>
    %dma_start3A_67 = arith.constant 0 : i32
    %dma_start3A_68 = tpu.memref_slice %arg7[%dma_start3A_60, %dma_start3A_67] : memref<40x128xi32, #tpu.memory_space<vmem>> -> memref<1x128xi32, #tpu.memory_space<vmem>>
    %dma_start3A_69 = tpu.memref_squeeze %dma_start3A_68 : memref<1x128xi32, #tpu.memory_space<vmem>> -> memref<128xi32, #tpu.memory_space<vmem>>
    %dma_start3A_70 = arith.constant 0 : i32
    %dma_start3A_71 = arith.constant 0 : i32
    %dma_start3A_72 = tpu.memref_slice %arg2[%dma_start3A_70, %dma_start3A_71] : memref<10112x128xf32, #tpu.memory_space<hbm>> -> memref<10112x128xf32, #tpu.memory_space<hbm>>
    %dma_start3A_73 = tpu.memref_slice %arg11[%dma_start3A_62] : memref<2x!tpu.dma_semaphore, #tpu.memory_space<semaphore_mem>> -> memref<1x!tpu.dma_semaphore, #tpu.memory_space<semaphore_mem>>
    %dma_start3A_74 = tpu.memref_squeeze %dma_start3A_73 : memref<1x!tpu.dma_semaphore, #tpu.memory_space<semaphore_mem>> -> memref<!tpu.dma_semaphore, #tpu.memory_space<semaphore_mem>>
    tpu.enqueue_indirect_dma source(%dma_start3A_72 : memref<10112x128xf32, #tpu.memory_space<hbm>>) target(%dma_start3A_66 : memref<128x128xf32, #tpu.memory_space<vmem>>) offsets(%dma_start3A_69 : memref<128xi32, #tpu.memory_space<vmem>>) semaphore(%dma_start3A_74 : memref<!tpu.dma_semaphore, #tpu.memory_space<semaphore_mem>>)
    %scan3A_75 = arith.constant 0 : i32
    %scan3A_76 = arith.constant 20 : i32
    %scan3A_77 = arith.addi %scan3A_75, %scan3A_76 : i32
    %scan3A_78 = arith.constant 1 : i32
    scf.for %scan3A_81 = %scan3A_75 to %scan3A_77 step %scan3A_78  : i32 {
      %mul3A_82 = arith.constant 2 : i32
      %mul3A_83 = arith.muli %scan3A_81, %mul3A_82 : i32
      %add3A_84 = arith.constant 0 : i32
      %add3A_85 = arith.addi %mul3A_83, %add3A_84 : i32
      %dma_wait3A = arith.constant 0 : i32
      %dma_wait3A_86 = arith.constant 0 : i32
      %dma_wait3A_87 = arith.constant 0 : i32
      %dma_wait3A_88 = arith.constant 0 : i32
      %dma_wait3A_89 = tpu.memref_slice %arg9[%dma_wait3A, %dma_wait3A_87, %dma_wait3A_88] : memref<2x128x128xf32, #tpu.memory_space<vmem>> -> memref<1x128x128xf32, #tpu.memory_space<vmem>>
      %dma_wait3A_90 = tpu.memref_squeeze %dma_wait3A_89 : memref<1x128x128xf32, #tpu.memory_space<vmem>> -> memref<128x128xf32, #tpu.memory_space<vmem>>
      %dma_wait3A_91 = arith.constant 0 : i32
      %dma_wait3A_92 = tpu.memref_slice %arg7[%add3A_85, %dma_wait3A_91] : memref<40x128xi32, #tpu.memory_space<vmem>> -> memref<1x128xi32, #tpu.memory_space<vmem>>
      %dma_wait3A_93 = tpu.memref_squeeze %dma_wait3A_92 : memref<1x128xi32, #tpu.memory_space<vmem>> -> memref<128xi32, #tpu.memory_space<vmem>>
      %dma_wait3A_94 = arith.constant 0 : i32
      %dma_wait3A_95 = arith.constant 0 : i32
      %dma_wait3A_96 = tpu.memref_slice %arg2[%dma_wait3A_94, %dma_wait3A_95] : memref<10112x128xf32, #tpu.memory_space<hbm>> -> memref<10112x128xf32, #tpu.memory_space<hbm>>
      %dma_wait3A_97 = tpu.memref_slice %arg11[%dma_wait3A_86] : memref<2x!tpu.dma_semaphore, #tpu.memory_space<semaphore_mem>> -> memref<1x!tpu.dma_semaphore, #tpu.memory_space<semaphore_mem>>
      %dma_wait3A_98 = tpu.memref_squeeze %dma_wait3A_97 : memref<1x!tpu.dma_semaphore, #tpu.memory_space<semaphore_mem>> -> memref<!tpu.dma_semaphore, #tpu.memory_space<semaphore_mem>>
      tpu.wait_indirect_dma semaphore(%dma_wait3A_98 : memref<!tpu.dma_semaphore, #tpu.memory_space<semaphore_mem>>) src(%dma_wait3A_96 : memref<10112x128xf32, #tpu.memory_space<hbm>>) dst(%dma_wait3A_90 : memref<128x128xf32, #tpu.memory_space<vmem>>)
      %dma_start3A_99 = arith.constant 0 : i32
      %dma_start3A_100 = arith.constant 0 : i32
      %dma_start3A_101 = arith.constant 0 : i32
      %dma_start3A_102 = arith.constant 0 : i32
      %dma_start3A_103 = tpu.memref_slice %arg9[%dma_start3A_99, %dma_start3A_101, %dma_start3A_102] : memref<2x128x128xf32, #tpu.memory_space<vmem>> -> memref<1x128x128xf32, #tpu.memory_space<vmem>>
      %dma_start3A_104 = tpu.memref_squeeze %dma_start3A_103 : memref<1x128x128xf32, #tpu.memory_space<vmem>> -> memref<128x128xf32, #tpu.memory_space<vmem>>
      %dma_start3A_105 = arith.constant 0 : i32
      %dma_start3A_106 = tpu.memref_slice %arg8[%add3A_85, %dma_start3A_105] : memref<40x128xi32, #tpu.memory_space<vmem>> -> memref<1x128xi32, #tpu.memory_space<vmem>>
      %dma_start3A_107 = tpu.memref_squeeze %dma_start3A_106 : memref<1x128xi32, #tpu.memory_space<vmem>> -> memref<128xi32, #tpu.memory_space<vmem>>
      %dma_start3A_108 = arith.constant 0 : i32
      %dma_start3A_109 = arith.constant 0 : i32
      %dma_start3A_110 = tpu.memref_slice %arg10[%dma_start3A_108, %dma_start3A_109] : memref<10112x128xf32, #tpu.memory_space<vmem_shared>> -> memref<10112x128xf32, #tpu.memory_space<vmem_shared>>
      %dma_start3A_111 = tpu.memref_slice %arg12[%dma_start3A_100] : memref<2x!tpu.dma_semaphore, #tpu.memory_space<semaphore_mem>> -> memref<1x!tpu.dma_semaphore, #tpu.memory_space<semaphore_mem>>
      %dma_start3A_112 = tpu.memref_squeeze %dma_start3A_111 : memref<1x!tpu.dma_semaphore, #tpu.memory_space<semaphore_mem>> -> memref<!tpu.dma_semaphore, #tpu.memory_space<semaphore_mem>>
      tpu.enqueue_indirect_dma source(%dma_start3A_104 : memref<128x128xf32, #tpu.memory_space<vmem>>) target(%dma_start3A_110 : memref<10112x128xf32, #tpu.memory_space<vmem_shared>>) offsets(%dma_start3A_107 : memref<128xi32, #tpu.memory_space<vmem>>) semaphore(%dma_start3A_112 : memref<!tpu.dma_semaphore, #tpu.memory_space<semaphore_mem>>) {add = true}
      %dma_wait3A_113 = arith.constant 0 : i32
      %dma_wait3A_114 = arith.constant 0 : i32
      %dma_wait3A_115 = arith.constant 0 : i32
      %dma_wait3A_116 = arith.constant 0 : i32
      %dma_wait3A_117 = tpu.memref_slice %arg9[%dma_wait3A_113, %dma_wait3A_115, %dma_wait3A_116] : memref<2x128x128xf32, #tpu.memory_space<vmem>> -> memref<1x128x128xf32, #tpu.memory_space<vmem>>
      %dma_wait3A_118 = tpu.memref_squeeze %dma_wait3A_117 : memref<1x128x128xf32, #tpu.memory_space<vmem>> -> memref<128x128xf32, #tpu.memory_space<vmem>>
      %dma_wait3A_119 = arith.constant 0 : i32
      %dma_wait3A_120 = tpu.memref_slice %arg8[%add3A_85, %dma_wait3A_119] : memref<40x128xi32, #tpu.memory_space<vmem>> -> memref<1x128xi32, #tpu.memory_space<vmem>>
      %dma_wait3A_121 = tpu.memref_squeeze %dma_wait3A_120 : memref<1x128xi32, #tpu.memory_space<vmem>> -> memref<128xi32, #tpu.memory_space<vmem>>
      %dma_wait3A_122 = arith.constant 0 : i32
      %dma_wait3A_123 = arith.constant 0 : i32
      %dma_wait3A_124 = tpu.memref_slice %arg10[%dma_wait3A_122, %dma_wait3A_123] : memref<10112x128xf32, #tpu.memory_space<vmem_shared>> -> memref<10112x128xf32, #tpu.memory_space<vmem_shared>>
      %dma_wait3A_125 = tpu.memref_slice %arg12[%dma_wait3A_114] : memref<2x!tpu.dma_semaphore, #tpu.memory_space<semaphore_mem>> -> memref<1x!tpu.dma_semaphore, #tpu.memory_space<semaphore_mem>>
      %dma_wait3A_126 = tpu.memref_squeeze %dma_wait3A_125 : memref<1x!tpu.dma_semaphore, #tpu.memory_space<semaphore_mem>> -> memref<!tpu.dma_semaphore, #tpu.memory_space<semaphore_mem>>
      tpu.wait_indirect_dma semaphore(%dma_wait3A_126 : memref<!tpu.dma_semaphore, #tpu.memory_space<semaphore_mem>>) src(%dma_wait3A_118 : memref<128x128xf32, #tpu.memory_space<vmem>>) dst(%dma_wait3A_124 : memref<10112x128xf32, #tpu.memory_space<vmem_shared>>)
      %add3A_127 = arith.constant 2 : i32
      %add3A_128 = arith.addi %add3A_85, %add3A_127 : i32
      %lt3A = arith.constant 40 : i32
      %lt3A_129 = arith.cmpi slt, %add3A_128, %lt3A : i32
      %convert_element_type3A_130 = arith.extui %lt3A_129 : i1 to i32
      %cond3A_131 = arith.constant 0 : i32
      %cond3A_132 = arith.cmpi ne, %convert_element_type3A_130, %cond3A_131 : i32
      scf.if %cond3A_132 {
        %dma_start3A_186 = arith.constant 0 : i32
        %dma_start3A_187 = arith.constant 0 : i32
        %dma_start3A_188 = arith.constant 0 : i32
        %dma_start3A_189 = arith.constant 0 : i32
        %dma_start3A_190 = tpu.memref_slice %arg9[%dma_start3A_186, %dma_start3A_188, %dma_start3A_189] : memref<2x128x128xf32, #tpu.memory_space<vmem>> -> memref<1x128x128xf32, #tpu.memory_space<vmem>>
        %dma_start3A_191 = tpu.memref_squeeze %dma_start3A_190 : memref<1x128x128xf32, #tpu.memory_space<vmem>> -> memref<128x128xf32, #tpu.memory_space<vmem>>
        %dma_start3A_192 = arith.constant 0 : i32
        %dma_start3A_193 = tpu.memref_slice %arg7[%add3A_128, %dma_start3A_192] : memref<40x128xi32, #tpu.memory_space<vmem>> -> memref<1x128xi32, #tpu.memory_space<vmem>>
        %dma_start3A_194 = tpu.memref_squeeze %dma_start3A_193 : memref<1x128xi32, #tpu.memory_space<vmem>> -> memref<128xi32, #tpu.memory_space<vmem>>
        %dma_start3A_195 = arith.constant 0 : i32
        %dma_start3A_196 = arith.constant 0 : i32
        %dma_start3A_197 = tpu.memref_slice %arg2[%dma_start3A_195, %dma_start3A_196] : memref<10112x128xf32, #tpu.memory_space<hbm>> -> memref<10112x128xf32, #tpu.memory_space<hbm>>
        %dma_start3A_198 = tpu.memref_slice %arg11[%dma_start3A_187] : memref<2x!tpu.dma_semaphore, #tpu.memory_space<semaphore_mem>> -> memref<1x!tpu.dma_semaphore, #tpu.memory_space<semaphore_mem>>
        %dma_start3A_199 = tpu.memref_squeeze %dma_start3A_198 : memref<1x!tpu.dma_semaphore, #tpu.memory_space<semaphore_mem>> -> memref<!tpu.dma_semaphore, #tpu.memory_space<semaphore_mem>>
        tpu.enqueue_indirect_dma source(%dma_start3A_197 : memref<10112x128xf32, #tpu.memory_space<hbm>>) target(%dma_start3A_191 : memref<128x128xf32, #tpu.memory_space<vmem>>) offsets(%dma_start3A_194 : memref<128xi32, #tpu.memory_space<vmem>>) semaphore(%dma_start3A_199 : memref<!tpu.dma_semaphore, #tpu.memory_space<semaphore_mem>>)
      } else {
      }
      %mul3A_133 = arith.constant 2 : i32
      %mul3A_134 = arith.muli %scan3A_81, %mul3A_133 : i32
      %add3A_135 = arith.constant 1 : i32
      %add3A_136 = arith.addi %mul3A_134, %add3A_135 : i32
      %dma_wait3A_137 = arith.constant 1 : i32
      %dma_wait3A_138 = arith.constant 1 : i32
      %dma_wait3A_139 = arith.constant 0 : i32
      %dma_wait3A_140 = arith.constant 0 : i32
      %dma_wait3A_141 = tpu.memref_slice %arg9[%dma_wait3A_137, %dma_wait3A_139, %dma_wait3A_140] : memref<2x128x128xf32, #tpu.memory_space<vmem>> -> memref<1x128x128xf32, #tpu.memory_space<vmem>>
      %dma_wait3A_142 = tpu.memref_squeeze %dma_wait3A_141 : memref<1x128x128xf32, #tpu.memory_space<vmem>> -> memref<128x128xf32, #tpu.memory_space<vmem>>
      %dma_wait3A_143 = arith.constant 0 : i32
      %dma_wait3A_144 = tpu.memref_slice %arg7[%add3A_136, %dma_wait3A_143] : memref<40x128xi32, #tpu.memory_space<vmem>> -> memref<1x128xi32, #tpu.memory_space<vmem>>
      %dma_wait3A_145 = tpu.memref_squeeze %dma_wait3A_144 : memref<1x128xi32, #tpu.memory_space<vmem>> -> memref<128xi32, #tpu.memory_space<vmem>>
      %dma_wait3A_146 = arith.constant 0 : i32
      %dma_wait3A_147 = arith.constant 0 : i32
      %dma_wait3A_148 = tpu.memref_slice %arg2[%dma_wait3A_146, %dma_wait3A_147] : memref<10112x128xf32, #tpu.memory_space<hbm>> -> memref<10112x128xf32, #tpu.memory_space<hbm>>
      %dma_wait3A_149 = tpu.memref_slice %arg11[%dma_wait3A_138] : memref<2x!tpu.dma_semaphore, #tpu.memory_space<semaphore_mem>> -> memref<1x!tpu.dma_semaphore, #tpu.memory_space<semaphore_mem>>
      %dma_wait3A_150 = tpu.memref_squeeze %dma_wait3A_149 : memref<1x!tpu.dma_semaphore, #tpu.memory_space<semaphore_mem>> -> memref<!tpu.dma_semaphore, #tpu.memory_space<semaphore_mem>>
      tpu.wait_indirect_dma semaphore(%dma_wait3A_150 : memref<!tpu.dma_semaphore, #tpu.memory_space<semaphore_mem>>) src(%dma_wait3A_148 : memref<10112x128xf32, #tpu.memory_space<hbm>>) dst(%dma_wait3A_142 : memref<128x128xf32, #tpu.memory_space<vmem>>)
      %dma_start3A_151 = arith.constant 1 : i32
      %dma_start3A_152 = arith.constant 1 : i32
      %dma_start3A_153 = arith.constant 0 : i32
      %dma_start3A_154 = arith.constant 0 : i32
      %dma_start3A_155 = tpu.memref_slice %arg9[%dma_start3A_151, %dma_start3A_153, %dma_start3A_154] : memref<2x128x128xf32, #tpu.memory_space<vmem>> -> memref<1x128x128xf32, #tpu.memory_space<vmem>>
      %dma_start3A_156 = tpu.memref_squeeze %dma_start3A_155 : memref<1x128x128xf32, #tpu.memory_space<vmem>> -> memref<128x128xf32, #tpu.memory_space<vmem>>
      %dma_start3A_157 = arith.constant 0 : i32
      %dma_start3A_158 = tpu.memref_slice %arg8[%add3A_136, %dma_start3A_157] : memref<40x128xi32, #tpu.memory_space<vmem>> -> memref<1x128xi32, #tpu.memory_space<vmem>>
      %dma_start3A_159 = tpu.memref_squeeze %dma_start3A_158 : memref<1x128xi32, #tpu.memory_space<vmem>> -> memref<128xi32, #tpu.memory_space<vmem>>
      %dma_start3A_160 = arith.constant 0 : i32
      %dma_start3A_161 = arith.constant 0 : i32
      %dma_start3A_162 = tpu.memref_slice %arg10[%dma_start3A_160, %dma_start3A_161] : memref<10112x128xf32, #tpu.memory_space<vmem_shared>> -> memref<10112x128xf32, #tpu.memory_space<vmem_shared>>
      %dma_start3A_163 = tpu.memref_slice %arg12[%dma_start3A_152] : memref<2x!tpu.dma_semaphore, #tpu.memory_space<semaphore_mem>> -> memref<1x!tpu.dma_semaphore, #tpu.memory_space<semaphore_mem>>
      %dma_start3A_164 = tpu.memref_squeeze %dma_start3A_163 : memref<1x!tpu.dma_semaphore, #tpu.memory_space<semaphore_mem>> -> memref<!tpu.dma_semaphore, #tpu.memory_space<semaphore_mem>>
      tpu.enqueue_indirect_dma source(%dma_start3A_156 : memref<128x128xf32, #tpu.memory_space<vmem>>) target(%dma_start3A_162 : memref<10112x128xf32, #tpu.memory_space<vmem_shared>>) offsets(%dma_start3A_159 : memref<128xi32, #tpu.memory_space<vmem>>) semaphore(%dma_start3A_164 : memref<!tpu.dma_semaphore, #tpu.memory_space<semaphore_mem>>) {add = true}
      %dma_wait3A_165 = arith.constant 1 : i32
      %dma_wait3A_166 = arith.constant 1 : i32
      %dma_wait3A_167 = arith.constant 0 : i32
      %dma_wait3A_168 = arith.constant 0 : i32
      %dma_wait3A_169 = tpu.memref_slice %arg9[%dma_wait3A_165, %dma_wait3A_167, %dma_wait3A_168] : memref<2x128x128xf32, #tpu.memory_space<vmem>> -> memref<1x128x128xf32, #tpu.memory_space<vmem>>
      %dma_wait3A_170 = tpu.memref_squeeze %dma_wait3A_169 : memref<1x128x128xf32, #tpu.memory_space<vmem>> -> memref<128x128xf32, #tpu.memory_space<vmem>>
      %dma_wait3A_171 = arith.constant 0 : i32
      %dma_wait3A_172 = tpu.memref_slice %arg8[%add3A_136, %dma_wait3A_171] : memref<40x128xi32, #tpu.memory_space<vmem>> -> memref<1x128xi32, #tpu.memory_space<vmem>>
      %dma_wait3A_173 = tpu.memref_squeeze %dma_wait3A_172 : memref<1x128xi32, #tpu.memory_space<vmem>> -> memref<128xi32, #tpu.memory_space<vmem>>
      %dma_wait3A_174 = arith.constant 0 : i32
      %dma_wait3A_175 = arith.constant 0 : i32
      %dma_wait3A_176 = tpu.memref_slice %arg10[%dma_wait3A_174, %dma_wait3A_175] : memref<10112x128xf32, #tpu.memory_space<vmem_shared>> -> memref<10112x128xf32, #tpu.memory_space<vmem_shared>>
      %dma_wait3A_177 = tpu.memref_slice %arg12[%dma_wait3A_166] : memref<2x!tpu.dma_semaphore, #tpu.memory_space<semaphore_mem>> -> memref<1x!tpu.dma_semaphore, #tpu.memory_space<semaphore_mem>>
      %dma_wait3A_178 = tpu.memref_squeeze %dma_wait3A_177 : memref<1x!tpu.dma_semaphore, #tpu.memory_space<semaphore_mem>> -> memref<!tpu.dma_semaphore, #tpu.memory_space<semaphore_mem>>
      tpu.wait_indirect_dma semaphore(%dma_wait3A_178 : memref<!tpu.dma_semaphore, #tpu.memory_space<semaphore_mem>>) src(%dma_wait3A_170 : memref<128x128xf32, #tpu.memory_space<vmem>>) dst(%dma_wait3A_176 : memref<10112x128xf32, #tpu.memory_space<vmem_shared>>)
      %add3A_179 = arith.constant 2 : i32
      %add3A_180 = arith.addi %add3A_136, %add3A_179 : i32
      %lt3A_181 = arith.constant 40 : i32
      %lt3A_182 = arith.cmpi slt, %add3A_180, %lt3A_181 : i32
      %convert_element_type3A_183 = arith.extui %lt3A_182 : i1 to i32
      %cond3A_184 = arith.constant 0 : i32
      %cond3A_185 = arith.cmpi ne, %convert_element_type3A_183, %cond3A_184 : i32
      scf.if %cond3A_185 {
        %dma_start3A_186 = arith.constant 1 : i32
        %dma_start3A_187 = arith.constant 1 : i32
        %dma_start3A_188 = arith.constant 0 : i32
        %dma_start3A_189 = arith.constant 0 : i32
        %dma_start3A_190 = tpu.memref_slice %arg9[%dma_start3A_186, %dma_start3A_188, %dma_start3A_189] : memref<2x128x128xf32, #tpu.memory_space<vmem>> -> memref<1x128x128xf32, #tpu.memory_space<vmem>>
        %dma_start3A_191 = tpu.memref_squeeze %dma_start3A_190 : memref<1x128x128xf32, #tpu.memory_space<vmem>> -> memref<128x128xf32, #tpu.memory_space<vmem>>
        %dma_start3A_192 = arith.constant 0 : i32
        %dma_start3A_193 = tpu.memref_slice %arg7[%add3A_180, %dma_start3A_192] : memref<40x128xi32, #tpu.memory_space<vmem>> -> memref<1x128xi32, #tpu.memory_space<vmem>>
        %dma_start3A_194 = tpu.memref_squeeze %dma_start3A_193 : memref<1x128xi32, #tpu.memory_space<vmem>> -> memref<128xi32, #tpu.memory_space<vmem>>
        %dma_start3A_195 = arith.constant 0 : i32
        %dma_start3A_196 = arith.constant 0 : i32
        %dma_start3A_197 = tpu.memref_slice %arg2[%dma_start3A_195, %dma_start3A_196] : memref<10112x128xf32, #tpu.memory_space<hbm>> -> memref<10112x128xf32, #tpu.memory_space<hbm>>
        %dma_start3A_198 = tpu.memref_slice %arg11[%dma_start3A_187] : memref<2x!tpu.dma_semaphore, #tpu.memory_space<semaphore_mem>> -> memref<1x!tpu.dma_semaphore, #tpu.memory_space<semaphore_mem>>
        %dma_start3A_199 = tpu.memref_squeeze %dma_start3A_198 : memref<1x!tpu.dma_semaphore, #tpu.memory_space<semaphore_mem>> -> memref<!tpu.dma_semaphore, #tpu.memory_space<semaphore_mem>>
        tpu.enqueue_indirect_dma source(%dma_start3A_197 : memref<10112x128xf32, #tpu.memory_space<hbm>>) target(%dma_start3A_191 : memref<128x128xf32, #tpu.memory_space<vmem>>) offsets(%dma_start3A_194 : memref<128xi32, #tpu.memory_space<vmem>>) semaphore(%dma_start3A_199 : memref<!tpu.dma_semaphore, #tpu.memory_space<semaphore_mem>>)
      } else {
      }
    }
    %scan3A_79 = arith.constant 20 : i32
    %barrier3A_80 = arith.constant 0 : index
    tpu.barrier barrier_id(%barrier3A_80)
    "tpu.region"() ({
      %run_scoped3A_81 = tpu.sem_alloc : memref<!tpu.dma_semaphore, #tpu.memory_space<semaphore_mem>>
      %dma_start3A_82 = arith.constant 0 : i32
      %dma_start3A_83 = tpu.memref_slice %arg6[%arg0, %mul3A_2, %dma_start3A_82] : memref<2x10112x128xf32, #tpu.memory_space<hbm>> -> memref<1x632x128xf32, #tpu.memory_space<hbm>>
      %dma_start3A_84 = tpu.memref_squeeze %dma_start3A_83 : memref<1x632x128xf32, #tpu.memory_space<hbm>> -> memref<632x128xf32, #tpu.memory_space<hbm>>
      %dma_start3A_85 = arith.constant 0 : i32
      %dma_start3A_86 = tpu.memref_slice %arg10[%mul3A_2, %dma_start3A_85] : memref<10112x128xf32, #tpu.memory_space<vmem_shared>> -> memref<632x128xf32, #tpu.memory_space<vmem_shared>>
      tpu.enqueue_dma source(%dma_start3A_86 : memref<632x128xf32, #tpu.memory_space<vmem_shared>>) target(%dma_start3A_84 : memref<632x128xf32, #tpu.memory_space<hbm>>) target_semaphore(%run_scoped3A_81 : memref<!tpu.dma_semaphore, #tpu.memory_space<semaphore_mem>>)
      %dma_wait3A = arith.constant 0 : i32
      %dma_wait3A_87 = tpu.memref_slice %arg6[%arg0, %mul3A_2, %dma_wait3A] : memref<2x10112x128xf32, #tpu.memory_space<hbm>> -> memref<1x632x128xf32, #tpu.memory_space<hbm>>
      %dma_wait3A_88 = tpu.memref_squeeze %dma_wait3A_87 : memref<1x632x128xf32, #tpu.memory_space<hbm>> -> memref<632x128xf32, #tpu.memory_space<hbm>>
      %dma_wait3A_89 = arith.constant 0 : i32
      %dma_wait3A_90 = tpu.memref_slice %arg10[%mul3A_2, %dma_wait3A_89] : memref<10112x128xf32, #tpu.memory_space<vmem_shared>> -> memref<632x128xf32, #tpu.memory_space<vmem_shared>>
      tpu.wait_dma2 semaphore(%run_scoped3A_81 : memref<!tpu.dma_semaphore, #tpu.memory_space<semaphore_mem>>) src(%dma_wait3A_90 : memref<632x128xf32, #tpu.memory_space<vmem_shared>>) dst(%dma_wait3A_88 : memref<632x128xf32, #tpu.memory_space<hbm>>)
      tpu.yield
    }) : () -> ()
    return
  }
}

#map = affine_map<(d0, d1) -> (0, 0, 0)>
#map1 = affine_map<(d0, d1) -> (0, 0)>
module attributes {stable_mosaic.version = 14 : i64} {
  func.func @_deg_kernel(%arg0: i32, %arg1: i32, %arg2: memref<32x80x128xi32, #tpu.memory_space<hbm>>, %arg3: memref<128x128xf32, #tpu.memory_space<hbm>>, %arg4: memref<10112x128xf32, #tpu.memory_space<hbm>>, %arg5: memref<2x10112x128xf32, #tpu.memory_space<hbm>>, %arg6: memref<80x128xi32, #tpu.memory_space<vmem>>, %arg7: memref<128x128xf32, #tpu.memory_space<vmem>>, %arg8: memref<10112x128xf32, #tpu.memory_space<vmem_shared>>) attributes {dimension_semantics = [#tpu.dimension_semantics<core_parallel>, #tpu.dimension_semantics<subcore_parallel>], iteration_bounds = array<i64: 2, 16>, scalar_prefetch = 0 : i64, scratch_operands = 3 : i64, tpu.core_type = #tpu.core_type<sc_vector_subcore>, window_params = [{transform_indices = #map}, {transform_indices = #map1}, {transform_indices = #map1}, {transform_indices = #map}]} {
    %mul3A = arith.constant 16 : i32
    %mul3A_0 = arith.muli %arg0, %mul3A : i32
    %add3A = arith.addi %mul3A_0, %arg1 : i32
    %mul3A_1 = arith.constant 632 : i32
    %mul3A_2 = arith.muli %arg1, %mul3A_1 : i32
    "tpu.region"() ({
      %run_scoped3A = tpu.sem_alloc : memref<!tpu.dma_semaphore, #tpu.memory_space<semaphore_mem>>
      %dma_start3A = arith.constant 0 : i32
      %dma_start3A_8 = tpu.memref_slice %arg8[%mul3A_2, %dma_start3A] : memref<10112x128xf32, #tpu.memory_space<vmem_shared>> -> memref<632x128xf32, #tpu.memory_space<vmem_shared>>
      %dma_start3A_9 = arith.constant 0 : i32
      %dma_start3A_10 = tpu.memref_slice %arg4[%mul3A_2, %dma_start3A_9] : memref<10112x128xf32, #tpu.memory_space<hbm>> -> memref<632x128xf32, #tpu.memory_space<hbm>>
      tpu.enqueue_dma source(%dma_start3A_10 : memref<632x128xf32, #tpu.memory_space<hbm>>) target(%dma_start3A_8 : memref<632x128xf32, #tpu.memory_space<vmem_shared>>) target_semaphore(%run_scoped3A : memref<!tpu.dma_semaphore, #tpu.memory_space<semaphore_mem>>)
      %dma_wait3A = arith.constant 0 : i32
      %dma_wait3A_11 = tpu.memref_slice %arg8[%mul3A_2, %dma_wait3A] : memref<10112x128xf32, #tpu.memory_space<vmem_shared>> -> memref<632x128xf32, #tpu.memory_space<vmem_shared>>
      %dma_wait3A_12 = arith.constant 0 : i32
      %dma_wait3A_13 = tpu.memref_slice %arg4[%mul3A_2, %dma_wait3A_12] : memref<10112x128xf32, #tpu.memory_space<hbm>> -> memref<632x128xf32, #tpu.memory_space<hbm>>
      tpu.wait_dma2 semaphore(%run_scoped3A : memref<!tpu.dma_semaphore, #tpu.memory_space<semaphore_mem>>) src(%dma_wait3A_13 : memref<632x128xf32, #tpu.memory_space<hbm>>) dst(%dma_wait3A_11 : memref<632x128xf32, #tpu.memory_space<vmem_shared>>)
      tpu.yield
    }) : () -> ()
    "tpu.region"() ({
      %run_scoped3A = tpu.sem_alloc : memref<!tpu.dma_semaphore, #tpu.memory_space<semaphore_mem>>
      tpu.enqueue_dma source(%arg3 : memref<128x128xf32, #tpu.memory_space<hbm>>) target(%arg7 : memref<128x128xf32, #tpu.memory_space<vmem>>) target_semaphore(%run_scoped3A : memref<!tpu.dma_semaphore, #tpu.memory_space<semaphore_mem>>)
      tpu.wait_dma2 semaphore(%run_scoped3A : memref<!tpu.dma_semaphore, #tpu.memory_space<semaphore_mem>>) src(%arg3 : memref<128x128xf32, #tpu.memory_space<hbm>>) dst(%arg7 : memref<128x128xf32, #tpu.memory_space<vmem>>)
      tpu.yield
    }) : () -> ()
    "tpu.region"() ({
      %run_scoped3A = tpu.sem_alloc : memref<!tpu.dma_semaphore, #tpu.memory_space<semaphore_mem>>
      %dma_start3A = arith.constant 0 : i32
      %dma_start3A_8 = arith.constant 0 : i32
      %dma_start3A_9 = tpu.memref_slice %arg2[%add3A, %dma_start3A, %dma_start3A_8] : memref<32x80x128xi32, #tpu.memory_space<hbm>> -> memref<1x80x128xi32, #tpu.memory_space<hbm>>
      %dma_start3A_10 = tpu.memref_squeeze %dma_start3A_9 : memref<1x80x128xi32, #tpu.memory_space<hbm>> -> memref<80x128xi32, #tpu.memory_space<hbm>>
      %dma_start3A_11 = arith.constant 0 : i32
      %dma_start3A_12 = arith.constant 0 : i32
      %dma_start3A_13 = tpu.memref_slice %arg2[%add3A, %dma_start3A_11, %dma_start3A_12] : memref<32x80x128xi32, #tpu.memory_space<hbm>> -> memref<1x80x128xi32, #tpu.memory_space<hbm>>
      %dma_start3A_14 = tpu.memref_squeeze %dma_start3A_13 : memref<1x80x128xi32, #tpu.memory_space<hbm>> -> memref<80x128xi32, #tpu.memory_space<hbm>>
      tpu.enqueue_dma source(%dma_start3A_14 : memref<80x128xi32, #tpu.memory_space<hbm>>) target(%arg6 : memref<80x128xi32, #tpu.memory_space<vmem>>) target_semaphore(%run_scoped3A : memref<!tpu.dma_semaphore, #tpu.memory_space<semaphore_mem>>)
      %dma_wait3A = arith.constant 0 : i32
      %dma_wait3A_15 = arith.constant 0 : i32
      %dma_wait3A_16 = tpu.memref_slice %arg2[%add3A, %dma_wait3A, %dma_wait3A_15] : memref<32x80x128xi32, #tpu.memory_space<hbm>> -> memref<1x80x128xi32, #tpu.memory_space<hbm>>
      %dma_wait3A_17 = tpu.memref_squeeze %dma_wait3A_16 : memref<1x80x128xi32, #tpu.memory_space<hbm>> -> memref<80x128xi32, #tpu.memory_space<hbm>>
      %dma_wait3A_18 = arith.constant 0 : i32
      %dma_wait3A_19 = arith.constant 0 : i32
      %dma_wait3A_20 = tpu.memref_slice %arg2[%add3A, %dma_wait3A_18, %dma_wait3A_19] : memref<32x80x128xi32, #tpu.memory_space<hbm>> -> memref<1x80x128xi32, #tpu.memory_space<hbm>>
      %dma_wait3A_21 = tpu.memref_squeeze %dma_wait3A_20 : memref<1x80x128xi32, #tpu.memory_space<hbm>> -> memref<80x128xi32, #tpu.memory_space<hbm>>
      tpu.wait_dma2 semaphore(%run_scoped3A : memref<!tpu.dma_semaphore, #tpu.memory_space<semaphore_mem>>) src(%dma_wait3A_21 : memref<80x128xi32, #tpu.memory_space<hbm>>) dst(%arg6 : memref<80x128xi32, #tpu.memory_space<vmem>>)
      tpu.yield
    }) : () -> ()
    %barrier3A = arith.constant 0 : index
    tpu.barrier barrier_id(%barrier3A)
    %scan3A = arith.constant 0 : i32
    %scan3A_3 = arith.constant 80 : i32
    %scan3A_4 = arith.addi %scan3A, %scan3A_3 : i32
    %scan3A_5 = arith.constant 1 : i32
    scf.for %scan3A_8 = %scan3A to %scan3A_4 step %scan3A_5  : i32 {
      "tpu.region"() ({
        %run_scoped3A = tpu.sem_alloc : memref<!tpu.dma_semaphore, #tpu.memory_space<semaphore_mem>>
        %dma_start3A = arith.constant 0 : i32
        %dma_start3A_9 = tpu.memref_slice %arg6[%scan3A_8, %dma_start3A] : memref<80x128xi32, #tpu.memory_space<vmem>> -> memref<1x128xi32, #tpu.memory_space<vmem>>
        %dma_start3A_10 = tpu.memref_squeeze %dma_start3A_9 : memref<1x128xi32, #tpu.memory_space<vmem>> -> memref<128xi32, #tpu.memory_space<vmem>>
        %dma_start3A_11 = arith.constant 0 : i32
        %dma_start3A_12 = arith.constant 0 : i32
        %dma_start3A_13 = tpu.memref_slice %arg8[%dma_start3A_11, %dma_start3A_12] : memref<10112x128xf32, #tpu.memory_space<vmem_shared>> -> memref<10112x128xf32, #tpu.memory_space<vmem_shared>>
        tpu.enqueue_indirect_dma source(%arg7 : memref<128x128xf32, #tpu.memory_space<vmem>>) target(%dma_start3A_13 : memref<10112x128xf32, #tpu.memory_space<vmem_shared>>) offsets(%dma_start3A_10 : memref<128xi32, #tpu.memory_space<vmem>>) semaphore(%run_scoped3A : memref<!tpu.dma_semaphore, #tpu.memory_space<semaphore_mem>>) {add = true}
        %dma_wait3A = arith.constant 0 : i32
        %dma_wait3A_14 = tpu.memref_slice %arg6[%scan3A_8, %dma_wait3A] : memref<80x128xi32, #tpu.memory_space<vmem>> -> memref<1x128xi32, #tpu.memory_space<vmem>>
        %dma_wait3A_15 = tpu.memref_squeeze %dma_wait3A_14 : memref<1x128xi32, #tpu.memory_space<vmem>> -> memref<128xi32, #tpu.memory_space<vmem>>
        %dma_wait3A_16 = arith.constant 0 : i32
        %dma_wait3A_17 = arith.constant 0 : i32
        %dma_wait3A_18 = tpu.memref_slice %arg8[%dma_wait3A_16, %dma_wait3A_17] : memref<10112x128xf32, #tpu.memory_space<vmem_shared>> -> memref<10112x128xf32, #tpu.memory_space<vmem_shared>>
        tpu.wait_indirect_dma semaphore(%run_scoped3A : memref<!tpu.dma_semaphore, #tpu.memory_space<semaphore_mem>>) src(%arg7 : memref<128x128xf32, #tpu.memory_space<vmem>>) dst(%dma_wait3A_18 : memref<10112x128xf32, #tpu.memory_space<vmem_shared>>)
        tpu.yield
      }) : () -> ()
    }
    %scan3A_6 = arith.constant 80 : i32
    %barrier3A_7 = arith.constant 0 : index
    tpu.barrier barrier_id(%barrier3A_7)
    "tpu.region"() ({
      %run_scoped3A = tpu.sem_alloc : memref<!tpu.dma_semaphore, #tpu.memory_space<semaphore_mem>>
      %dma_start3A = arith.constant 0 : i32
      %dma_start3A_8 = tpu.memref_slice %arg5[%arg0, %mul3A_2, %dma_start3A] : memref<2x10112x128xf32, #tpu.memory_space<hbm>> -> memref<1x632x128xf32, #tpu.memory_space<hbm>>
      %dma_start3A_9 = tpu.memref_squeeze %dma_start3A_8 : memref<1x632x128xf32, #tpu.memory_space<hbm>> -> memref<632x128xf32, #tpu.memory_space<hbm>>
      %dma_start3A_10 = arith.constant 0 : i32
      %dma_start3A_11 = tpu.memref_slice %arg8[%mul3A_2, %dma_start3A_10] : memref<10112x128xf32, #tpu.memory_space<vmem_shared>> -> memref<632x128xf32, #tpu.memory_space<vmem_shared>>
      tpu.enqueue_dma source(%dma_start3A_11 : memref<632x128xf32, #tpu.memory_space<vmem_shared>>) target(%dma_start3A_9 : memref<632x128xf32, #tpu.memory_space<hbm>>) target_semaphore(%run_scoped3A : memref<!tpu.dma_semaphore, #tpu.memory_space<semaphore_mem>>)
      %dma_wait3A = arith.constant 0 : i32
      %dma_wait3A_12 = tpu.memref_slice %arg5[%arg0, %mul3A_2, %dma_wait3A] : memref<2x10112x128xf32, #tpu.memory_space<hbm>> -> memref<1x632x128xf32, #tpu.memory_space<hbm>>
      %dma_wait3A_13 = tpu.memref_squeeze %dma_wait3A_12 : memref<1x632x128xf32, #tpu.memory_space<hbm>> -> memref<632x128xf32, #tpu.memory_space<hbm>>
      %dma_wait3A_14 = arith.constant 0 : i32
      %dma_wait3A_15 = tpu.memref_slice %arg8[%mul3A_2, %dma_wait3A_14] : memref<10112x128xf32, #tpu.memory_space<vmem_shared>> -> memref<632x128xf32, #tpu.memory_space<vmem_shared>>
      tpu.wait_dma2 semaphore(%run_scoped3A : memref<!tpu.dma_semaphore, #tpu.memory_space<semaphore_mem>>) src(%dma_wait3A_15 : memref<632x128xf32, #tpu.memory_space<vmem_shared>>) dst(%dma_wait3A_13 : memref<632x128xf32, #tpu.memory_space<hbm>>)
      tpu.yield
    }) : () -> ()
    return
  }
}

#map = affine_map<(d0, d1) -> (0, 0)>
#map1 = affine_map<(d0, d1) -> (0, 0, 0, 0)>
#map2 = affine_map<(d0, d1) -> (0, 0, 0)>
module attributes {stable_mosaic.version = 14 : i64} {
  func.func @_agg_kernel(%arg0: i32, %arg1: i32, %arg2: memref<10112x128xf32, #tpu.memory_space<hbm>>, %arg3: memref<10112x128xf32, #tpu.memory_space<hbm>>, %arg4: memref<32x2x40x128xi32, #tpu.memory_space<hbm>>, %arg5: memref<32x2x40x128xi32, #tpu.memory_space<hbm>>, %arg6: memref<2x10112x128xf32, #tpu.memory_space<hbm>>, %arg7: memref<40x128xi32, #tpu.memory_space<vmem>>, %arg8: memref<40x128xi32, #tpu.memory_space<vmem>>, %arg9: memref<2x128x128xf32, #tpu.memory_space<vmem>>, %arg10: memref<10112x128xf32, #tpu.memory_space<vmem_shared>>, %arg11: memref<2x!tpu.dma_semaphore, #tpu.memory_space<semaphore_mem>>, %arg12: memref<2x!tpu.dma_semaphore, #tpu.memory_space<semaphore_mem>>) attributes {dimension_semantics = [#tpu.dimension_semantics<core_parallel>, #tpu.dimension_semantics<subcore_parallel>], iteration_bounds = array<i64: 2, 16>, scalar_prefetch = 0 : i64, scratch_operands = 6 : i64, tpu.core_type = #tpu.core_type<sc_vector_subcore>, window_params = [{transform_indices = #map}, {transform_indices = #map}, {transform_indices = #map1}, {transform_indices = #map1}, {transform_indices = #map2}]} {
    %mul3A = arith.constant 16 : i32
    %mul3A_0 = arith.muli %arg0, %mul3A : i32
    %add3A = arith.addi %mul3A_0, %arg1 : i32
    %mul3A_1 = arith.constant 632 : i32
    %mul3A_2 = arith.muli %arg1, %mul3A_1 : i32
    %eq3A = arith.constant 0 : i32
    %eq3A_3 = arith.cmpi eq, %arg0, %eq3A : i32
    %convert_element_type3A = arith.extui %eq3A_3 : i1 to i32
    %cond3A = arith.constant 0 : i32
    %cond3A_4 = arith.cmpi ne, %convert_element_type3A, %cond3A : i32
    scf.if %cond3A_4 {
      "tpu.region"() ({
        %run_scoped3A_81 = tpu.sem_alloc : memref<!tpu.dma_semaphore, #tpu.memory_space<semaphore_mem>>
        %dma_start3A_82 = arith.constant 0 : i32
        %dma_start3A_83 = tpu.memref_slice %arg10[%mul3A_2, %dma_start3A_82] : memref<10112x128xf32, #tpu.memory_space<vmem_shared>> -> memref<632x128xf32, #tpu.memory_space<vmem_shared>>
        %dma_start3A_84 = arith.constant 0 : i32
        %dma_start3A_85 = tpu.memref_slice %arg2[%mul3A_2, %dma_start3A_84] : memref<10112x128xf32, #tpu.memory_space<hbm>> -> memref<632x128xf32, #tpu.memory_space<hbm>>
        tpu.enqueue_dma source(%dma_start3A_85 : memref<632x128xf32, #tpu.memory_space<hbm>>) target(%dma_start3A_83 : memref<632x128xf32, #tpu.memory_space<vmem_shared>>) target_semaphore(%run_scoped3A_81 : memref<!tpu.dma_semaphore, #tpu.memory_space<semaphore_mem>>)
        %dma_wait3A = arith.constant 0 : i32
        %dma_wait3A_86 = tpu.memref_slice %arg10[%mul3A_2, %dma_wait3A] : memref<10112x128xf32, #tpu.memory_space<vmem_shared>> -> memref<632x128xf32, #tpu.memory_space<vmem_shared>>
        %dma_wait3A_87 = arith.constant 0 : i32
        %dma_wait3A_88 = tpu.memref_slice %arg2[%mul3A_2, %dma_wait3A_87] : memref<10112x128xf32, #tpu.memory_space<hbm>> -> memref<632x128xf32, #tpu.memory_space<hbm>>
        tpu.wait_dma2 semaphore(%run_scoped3A_81 : memref<!tpu.dma_semaphore, #tpu.memory_space<semaphore_mem>>) src(%dma_wait3A_88 : memref<632x128xf32, #tpu.memory_space<hbm>>) dst(%dma_wait3A_86 : memref<632x128xf32, #tpu.memory_space<vmem_shared>>)
        tpu.yield
      }) : () -> ()
    } else {
    }
    %ne3A = arith.constant 0 : i32
    %ne3A_5 = arith.cmpi ne, %arg0, %ne3A : i32
    %convert_element_type3A_6 = arith.extui %ne3A_5 : i1 to i32
    %cond3A_7 = arith.constant 0 : i32
    %cond3A_8 = arith.cmpi ne, %convert_element_type3A_6, %cond3A_7 : i32
    scf.if %cond3A_8 {
      "tpu.region"() ({
        %run_scoped3A_81 = tpu.sem_alloc : memref<!tpu.dma_semaphore, #tpu.memory_space<semaphore_mem>>
        %dma_start3A_82 = arith.constant 0 : i32
        %dma_start3A_83 = tpu.memref_slice %arg10[%mul3A_2, %dma_start3A_82] : memref<10112x128xf32, #tpu.memory_space<vmem_shared>> -> memref<632x128xf32, #tpu.memory_space<vmem_shared>>
        %dma_start3A_84 = arith.constant 0 : i32
        %dma_start3A_85 = tpu.memref_slice %arg3[%mul3A_2, %dma_start3A_84] : memref<10112x128xf32, #tpu.memory_space<hbm>> -> memref<632x128xf32, #tpu.memory_space<hbm>>
        tpu.enqueue_dma source(%dma_start3A_85 : memref<632x128xf32, #tpu.memory_space<hbm>>) target(%dma_start3A_83 : memref<632x128xf32, #tpu.memory_space<vmem_shared>>) target_semaphore(%run_scoped3A_81 : memref<!tpu.dma_semaphore, #tpu.memory_space<semaphore_mem>>)
        %dma_wait3A = arith.constant 0 : i32
        %dma_wait3A_86 = tpu.memref_slice %arg10[%mul3A_2, %dma_wait3A] : memref<10112x128xf32, #tpu.memory_space<vmem_shared>> -> memref<632x128xf32, #tpu.memory_space<vmem_shared>>
        %dma_wait3A_87 = arith.constant 0 : i32
        %dma_wait3A_88 = tpu.memref_slice %arg3[%mul3A_2, %dma_wait3A_87] : memref<10112x128xf32, #tpu.memory_space<hbm>> -> memref<632x128xf32, #tpu.memory_space<hbm>>
        tpu.wait_dma2 semaphore(%run_scoped3A_81 : memref<!tpu.dma_semaphore, #tpu.memory_space<semaphore_mem>>) src(%dma_wait3A_88 : memref<632x128xf32, #tpu.memory_space<hbm>>) dst(%dma_wait3A_86 : memref<632x128xf32, #tpu.memory_space<vmem_shared>>)
        tpu.yield
      }) : () -> ()
    } else {
    }
    %barrier3A = arith.constant 0 : index
    tpu.barrier barrier_id(%barrier3A)
    %run_scoped3A = arith.constant 0 : i32
    "tpu.region"() ({
      %run_scoped3A_81 = tpu.sem_alloc : memref<!tpu.dma_semaphore, #tpu.memory_space<semaphore_mem>>
      %dma_start3A_82 = arith.constant 0 : i32
      %dma_start3A_83 = arith.constant 0 : i32
      %dma_start3A_84 = tpu.memref_slice %arg4[%add3A, %run_scoped3A, %dma_start3A_82, %dma_start3A_83] : memref<32x2x40x128xi32, #tpu.memory_space<hbm>> -> memref<1x1x40x128xi32, #tpu.memory_space<hbm>>
      %dma_start3A_85 = tpu.memref_squeeze %dma_start3A_84 : memref<1x1x40x128xi32, #tpu.memory_space<hbm>> -> memref<40x128xi32, #tpu.memory_space<hbm>>
      %dma_start3A_86 = arith.constant 0 : i32
      %dma_start3A_87 = arith.constant 0 : i32
      %dma_start3A_88 = tpu.memref_slice %arg4[%add3A, %run_scoped3A, %dma_start3A_86, %dma_start3A_87] : memref<32x2x40x128xi32, #tpu.memory_space<hbm>> -> memref<1x1x40x128xi32, #tpu.memory_space<hbm>>
      %dma_start3A_89 = tpu.memref_squeeze %dma_start3A_88 : memref<1x1x40x128xi32, #tpu.memory_space<hbm>> -> memref<40x128xi32, #tpu.memory_space<hbm>>
      tpu.enqueue_dma source(%dma_start3A_89 : memref<40x128xi32, #tpu.memory_space<hbm>>) target(%arg7 : memref<40x128xi32, #tpu.memory_space<vmem>>) target_semaphore(%run_scoped3A_81 : memref<!tpu.dma_semaphore, #tpu.memory_space<semaphore_mem>>)
      %dma_wait3A = arith.constant 0 : i32
      %dma_wait3A_90 = arith.constant 0 : i32
      %dma_wait3A_91 = tpu.memref_slice %arg4[%add3A, %run_scoped3A, %dma_wait3A, %dma_wait3A_90] : memref<32x2x40x128xi32, #tpu.memory_space<hbm>> -> memref<1x1x40x128xi32, #tpu.memory_space<hbm>>
      %dma_wait3A_92 = tpu.memref_squeeze %dma_wait3A_91 : memref<1x1x40x128xi32, #tpu.memory_space<hbm>> -> memref<40x128xi32, #tpu.memory_space<hbm>>
      %dma_wait3A_93 = arith.constant 0 : i32
      %dma_wait3A_94 = arith.constant 0 : i32
      %dma_wait3A_95 = tpu.memref_slice %arg4[%add3A, %run_scoped3A, %dma_wait3A_93, %dma_wait3A_94] : memref<32x2x40x128xi32, #tpu.memory_space<hbm>> -> memref<1x1x40x128xi32, #tpu.memory_space<hbm>>
      %dma_wait3A_96 = tpu.memref_squeeze %dma_wait3A_95 : memref<1x1x40x128xi32, #tpu.memory_space<hbm>> -> memref<40x128xi32, #tpu.memory_space<hbm>>
      tpu.wait_dma2 semaphore(%run_scoped3A_81 : memref<!tpu.dma_semaphore, #tpu.memory_space<semaphore_mem>>) src(%dma_wait3A_96 : memref<40x128xi32, #tpu.memory_space<hbm>>) dst(%arg7 : memref<40x128xi32, #tpu.memory_space<vmem>>)
      tpu.yield
    }) : () -> ()
    %run_scoped3A_9 = arith.constant 0 : i32
    "tpu.region"() ({
      %run_scoped3A_81 = tpu.sem_alloc : memref<!tpu.dma_semaphore, #tpu.memory_space<semaphore_mem>>
      %dma_start3A_82 = arith.constant 0 : i32
      %dma_start3A_83 = arith.constant 0 : i32
      %dma_start3A_84 = tpu.memref_slice %arg5[%add3A, %run_scoped3A_9, %dma_start3A_82, %dma_start3A_83] : memref<32x2x40x128xi32, #tpu.memory_space<hbm>> -> memref<1x1x40x128xi32, #tpu.memory_space<hbm>>
      %dma_start3A_85 = tpu.memref_squeeze %dma_start3A_84 : memref<1x1x40x128xi32, #tpu.memory_space<hbm>> -> memref<40x128xi32, #tpu.memory_space<hbm>>
      %dma_start3A_86 = arith.constant 0 : i32
      %dma_start3A_87 = arith.constant 0 : i32
      %dma_start3A_88 = tpu.memref_slice %arg5[%add3A, %run_scoped3A_9, %dma_start3A_86, %dma_start3A_87] : memref<32x2x40x128xi32, #tpu.memory_space<hbm>> -> memref<1x1x40x128xi32, #tpu.memory_space<hbm>>
      %dma_start3A_89 = tpu.memref_squeeze %dma_start3A_88 : memref<1x1x40x128xi32, #tpu.memory_space<hbm>> -> memref<40x128xi32, #tpu.memory_space<hbm>>
      tpu.enqueue_dma source(%dma_start3A_89 : memref<40x128xi32, #tpu.memory_space<hbm>>) target(%arg8 : memref<40x128xi32, #tpu.memory_space<vmem>>) target_semaphore(%run_scoped3A_81 : memref<!tpu.dma_semaphore, #tpu.memory_space<semaphore_mem>>)
      %dma_wait3A = arith.constant 0 : i32
      %dma_wait3A_90 = arith.constant 0 : i32
      %dma_wait3A_91 = tpu.memref_slice %arg5[%add3A, %run_scoped3A_9, %dma_wait3A, %dma_wait3A_90] : memref<32x2x40x128xi32, #tpu.memory_space<hbm>> -> memref<1x1x40x128xi32, #tpu.memory_space<hbm>>
      %dma_wait3A_92 = tpu.memref_squeeze %dma_wait3A_91 : memref<1x1x40x128xi32, #tpu.memory_space<hbm>> -> memref<40x128xi32, #tpu.memory_space<hbm>>
      %dma_wait3A_93 = arith.constant 0 : i32
      %dma_wait3A_94 = arith.constant 0 : i32
      %dma_wait3A_95 = tpu.memref_slice %arg5[%add3A, %run_scoped3A_9, %dma_wait3A_93, %dma_wait3A_94] : memref<32x2x40x128xi32, #tpu.memory_space<hbm>> -> memref<1x1x40x128xi32, #tpu.memory_space<hbm>>
      %dma_wait3A_96 = tpu.memref_squeeze %dma_wait3A_95 : memref<1x1x40x128xi32, #tpu.memory_space<hbm>> -> memref<40x128xi32, #tpu.memory_space<hbm>>
      tpu.wait_dma2 semaphore(%run_scoped3A_81 : memref<!tpu.dma_semaphore, #tpu.memory_space<semaphore_mem>>) src(%dma_wait3A_96 : memref<40x128xi32, #tpu.memory_space<hbm>>) dst(%arg8 : memref<40x128xi32, #tpu.memory_space<vmem>>)
      tpu.yield
    }) : () -> ()
    %dma_start3A = arith.constant 0 : i32
    %dma_start3A_10 = arith.constant 0 : i32
    %dma_start3A_11 = arith.constant 0 : i32
    %dma_start3A_12 = arith.constant 0 : i32
    %dma_start3A_13 = arith.constant 0 : i32
    %dma_start3A_14 = tpu.memref_slice %arg9[%dma_start3A_10, %dma_start3A_12, %dma_start3A_13] : memref<2x128x128xf32, #tpu.memory_space<vmem>> -> memref<1x128x128xf32, #tpu.memory_space<vmem>>
    %dma_start3A_15 = tpu.memref_squeeze %dma_start3A_14 : memref<1x128x128xf32, #tpu.memory_space<vmem>> -> memref<128x128xf32, #tpu.memory_space<vmem>>
    %dma_start3A_16 = arith.constant 0 : i32
    %dma_start3A_17 = tpu.memref_slice %arg7[%dma_start3A, %dma_start3A_16] : memref<40x128xi32, #tpu.memory_space<vmem>> -> memref<1x128xi32, #tpu.memory_space<vmem>>
    %dma_start3A_18 = tpu.memref_squeeze %dma_start3A_17 : memref<1x128xi32, #tpu.memory_space<vmem>> -> memref<128xi32, #tpu.memory_space<vmem>>
    %dma_start3A_19 = arith.constant 0 : i32
    %dma_start3A_20 = arith.constant 0 : i32
    %dma_start3A_21 = tpu.memref_slice %arg2[%dma_start3A_19, %dma_start3A_20] : memref<10112x128xf32, #tpu.memory_space<hbm>> -> memref<10112x128xf32, #tpu.memory_space<hbm>>
    %dma_start3A_22 = tpu.memref_slice %arg11[%dma_start3A_11] : memref<2x!tpu.dma_semaphore, #tpu.memory_space<semaphore_mem>> -> memref<1x!tpu.dma_semaphore, #tpu.memory_space<semaphore_mem>>
    %dma_start3A_23 = tpu.memref_squeeze %dma_start3A_22 : memref<1x!tpu.dma_semaphore, #tpu.memory_space<semaphore_mem>> -> memref<!tpu.dma_semaphore, #tpu.memory_space<semaphore_mem>>
    tpu.enqueue_indirect_dma source(%dma_start3A_21 : memref<10112x128xf32, #tpu.memory_space<hbm>>) target(%dma_start3A_15 : memref<128x128xf32, #tpu.memory_space<vmem>>) offsets(%dma_start3A_18 : memref<128xi32, #tpu.memory_space<vmem>>) semaphore(%dma_start3A_23 : memref<!tpu.dma_semaphore, #tpu.memory_space<semaphore_mem>>)
    %dma_start3A_24 = arith.constant 1 : i32
    %dma_start3A_25 = arith.constant 1 : i32
    %dma_start3A_26 = arith.constant 1 : i32
    %dma_start3A_27 = arith.constant 0 : i32
    %dma_start3A_28 = arith.constant 0 : i32
    %dma_start3A_29 = tpu.memref_slice %arg9[%dma_start3A_25, %dma_start3A_27, %dma_start3A_28] : memref<2x128x128xf32, #tpu.memory_space<vmem>> -> memref<1x128x128xf32, #tpu.memory_space<vmem>>
    %dma_start3A_30 = tpu.memref_squeeze %dma_start3A_29 : memref<1x128x128xf32, #tpu.memory_space<vmem>> -> memref<128x128xf32, #tpu.memory_space<vmem>>
    %dma_start3A_31 = arith.constant 0 : i32
    %dma_start3A_32 = tpu.memref_slice %arg7[%dma_start3A_24, %dma_start3A_31] : memref<40x128xi32, #tpu.memory_space<vmem>> -> memref<1x128xi32, #tpu.memory_space<vmem>>
    %dma_start3A_33 = tpu.memref_squeeze %dma_start3A_32 : memref<1x128xi32, #tpu.memory_space<vmem>> -> memref<128xi32, #tpu.memory_space<vmem>>
    %dma_start3A_34 = arith.constant 0 : i32
    %dma_start3A_35 = arith.constant 0 : i32
    %dma_start3A_36 = tpu.memref_slice %arg2[%dma_start3A_34, %dma_start3A_35] : memref<10112x128xf32, #tpu.memory_space<hbm>> -> memref<10112x128xf32, #tpu.memory_space<hbm>>
    %dma_start3A_37 = tpu.memref_slice %arg11[%dma_start3A_26] : memref<2x!tpu.dma_semaphore, #tpu.memory_space<semaphore_mem>> -> memref<1x!tpu.dma_semaphore, #tpu.memory_space<semaphore_mem>>
    %dma_start3A_38 = tpu.memref_squeeze %dma_start3A_37 : memref<1x!tpu.dma_semaphore, #tpu.memory_space<semaphore_mem>> -> memref<!tpu.dma_semaphore, #tpu.memory_space<semaphore_mem>>
    tpu.enqueue_indirect_dma source(%dma_start3A_36 : memref<10112x128xf32, #tpu.memory_space<hbm>>) target(%dma_start3A_30 : memref<128x128xf32, #tpu.memory_space<vmem>>) offsets(%dma_start3A_33 : memref<128xi32, #tpu.memory_space<vmem>>) semaphore(%dma_start3A_38 : memref<!tpu.dma_semaphore, #tpu.memory_space<semaphore_mem>>)
    %scan3A = arith.constant 0 : i32
    %scan3A_39 = arith.constant 20 : i32
    %scan3A_40 = arith.addi %scan3A, %scan3A_39 : i32
    %scan3A_41 = arith.constant 1 : i32
    scf.for %scan3A_81 = %scan3A to %scan3A_40 step %scan3A_41  : i32 {
      %mul3A_82 = arith.constant 2 : i32
      %mul3A_83 = arith.muli %scan3A_81, %mul3A_82 : i32
      %add3A_84 = arith.constant 0 : i32
      %add3A_85 = arith.addi %mul3A_83, %add3A_84 : i32
      %dma_wait3A = arith.constant 0 : i32
      %dma_wait3A_86 = arith.constant 0 : i32
      %dma_wait3A_87 = arith.constant 0 : i32
      %dma_wait3A_88 = arith.constant 0 : i32
      %dma_wait3A_89 = tpu.memref_slice %arg9[%dma_wait3A, %dma_wait3A_87, %dma_wait3A_88] : memref<2x128x128xf32, #tpu.memory_space<vmem>> -> memref<1x128x128xf32, #tpu.memory_space<vmem>>
      %dma_wait3A_90 = tpu.memref_squeeze %dma_wait3A_89 : memref<1x128x128xf32, #tpu.memory_space<vmem>> -> memref<128x128xf32, #tpu.memory_space<vmem>>
      %dma_wait3A_91 = arith.constant 0 : i32
      %dma_wait3A_92 = tpu.memref_slice %arg7[%add3A_85, %dma_wait3A_91] : memref<40x128xi32, #tpu.memory_space<vmem>> -> memref<1x128xi32, #tpu.memory_space<vmem>>
      %dma_wait3A_93 = tpu.memref_squeeze %dma_wait3A_92 : memref<1x128xi32, #tpu.memory_space<vmem>> -> memref<128xi32, #tpu.memory_space<vmem>>
      %dma_wait3A_94 = arith.constant 0 : i32
      %dma_wait3A_95 = arith.constant 0 : i32
      %dma_wait3A_96 = tpu.memref_slice %arg2[%dma_wait3A_94, %dma_wait3A_95] : memref<10112x128xf32, #tpu.memory_space<hbm>> -> memref<10112x128xf32, #tpu.memory_space<hbm>>
      %dma_wait3A_97 = tpu.memref_slice %arg11[%dma_wait3A_86] : memref<2x!tpu.dma_semaphore, #tpu.memory_space<semaphore_mem>> -> memref<1x!tpu.dma_semaphore, #tpu.memory_space<semaphore_mem>>
      %dma_wait3A_98 = tpu.memref_squeeze %dma_wait3A_97 : memref<1x!tpu.dma_semaphore, #tpu.memory_space<semaphore_mem>> -> memref<!tpu.dma_semaphore, #tpu.memory_space<semaphore_mem>>
      tpu.wait_indirect_dma semaphore(%dma_wait3A_98 : memref<!tpu.dma_semaphore, #tpu.memory_space<semaphore_mem>>) src(%dma_wait3A_96 : memref<10112x128xf32, #tpu.memory_space<hbm>>) dst(%dma_wait3A_90 : memref<128x128xf32, #tpu.memory_space<vmem>>)
      %dma_start3A_99 = arith.constant 0 : i32
      %dma_start3A_100 = arith.constant 0 : i32
      %dma_start3A_101 = arith.constant 0 : i32
      %dma_start3A_102 = arith.constant 0 : i32
      %dma_start3A_103 = tpu.memref_slice %arg9[%dma_start3A_99, %dma_start3A_101, %dma_start3A_102] : memref<2x128x128xf32, #tpu.memory_space<vmem>> -> memref<1x128x128xf32, #tpu.memory_space<vmem>>
      %dma_start3A_104 = tpu.memref_squeeze %dma_start3A_103 : memref<1x128x128xf32, #tpu.memory_space<vmem>> -> memref<128x128xf32, #tpu.memory_space<vmem>>
      %dma_start3A_105 = arith.constant 0 : i32
      %dma_start3A_106 = tpu.memref_slice %arg8[%add3A_85, %dma_start3A_105] : memref<40x128xi32, #tpu.memory_space<vmem>> -> memref<1x128xi32, #tpu.memory_space<vmem>>
      %dma_start3A_107 = tpu.memref_squeeze %dma_start3A_106 : memref<1x128xi32, #tpu.memory_space<vmem>> -> memref<128xi32, #tpu.memory_space<vmem>>
      %dma_start3A_108 = arith.constant 0 : i32
      %dma_start3A_109 = arith.constant 0 : i32
      %dma_start3A_110 = tpu.memref_slice %arg10[%dma_start3A_108, %dma_start3A_109] : memref<10112x128xf32, #tpu.memory_space<vmem_shared>> -> memref<10112x128xf32, #tpu.memory_space<vmem_shared>>
      %dma_start3A_111 = tpu.memref_slice %arg12[%dma_start3A_100] : memref<2x!tpu.dma_semaphore, #tpu.memory_space<semaphore_mem>> -> memref<1x!tpu.dma_semaphore, #tpu.memory_space<semaphore_mem>>
      %dma_start3A_112 = tpu.memref_squeeze %dma_start3A_111 : memref<1x!tpu.dma_semaphore, #tpu.memory_space<semaphore_mem>> -> memref<!tpu.dma_semaphore, #tpu.memory_space<semaphore_mem>>
      tpu.enqueue_indirect_dma source(%dma_start3A_104 : memref<128x128xf32, #tpu.memory_space<vmem>>) target(%dma_start3A_110 : memref<10112x128xf32, #tpu.memory_space<vmem_shared>>) offsets(%dma_start3A_107 : memref<128xi32, #tpu.memory_space<vmem>>) semaphore(%dma_start3A_112 : memref<!tpu.dma_semaphore, #tpu.memory_space<semaphore_mem>>) {add = true}
      %dma_wait3A_113 = arith.constant 0 : i32
      %dma_wait3A_114 = arith.constant 0 : i32
      %dma_wait3A_115 = arith.constant 0 : i32
      %dma_wait3A_116 = arith.constant 0 : i32
      %dma_wait3A_117 = tpu.memref_slice %arg9[%dma_wait3A_113, %dma_wait3A_115, %dma_wait3A_116] : memref<2x128x128xf32, #tpu.memory_space<vmem>> -> memref<1x128x128xf32, #tpu.memory_space<vmem>>
      %dma_wait3A_118 = tpu.memref_squeeze %dma_wait3A_117 : memref<1x128x128xf32, #tpu.memory_space<vmem>> -> memref<128x128xf32, #tpu.memory_space<vmem>>
      %dma_wait3A_119 = arith.constant 0 : i32
      %dma_wait3A_120 = tpu.memref_slice %arg8[%add3A_85, %dma_wait3A_119] : memref<40x128xi32, #tpu.memory_space<vmem>> -> memref<1x128xi32, #tpu.memory_space<vmem>>
      %dma_wait3A_121 = tpu.memref_squeeze %dma_wait3A_120 : memref<1x128xi32, #tpu.memory_space<vmem>> -> memref<128xi32, #tpu.memory_space<vmem>>
      %dma_wait3A_122 = arith.constant 0 : i32
      %dma_wait3A_123 = arith.constant 0 : i32
      %dma_wait3A_124 = tpu.memref_slice %arg10[%dma_wait3A_122, %dma_wait3A_123] : memref<10112x128xf32, #tpu.memory_space<vmem_shared>> -> memref<10112x128xf32, #tpu.memory_space<vmem_shared>>
      %dma_wait3A_125 = tpu.memref_slice %arg12[%dma_wait3A_114] : memref<2x!tpu.dma_semaphore, #tpu.memory_space<semaphore_mem>> -> memref<1x!tpu.dma_semaphore, #tpu.memory_space<semaphore_mem>>
      %dma_wait3A_126 = tpu.memref_squeeze %dma_wait3A_125 : memref<1x!tpu.dma_semaphore, #tpu.memory_space<semaphore_mem>> -> memref<!tpu.dma_semaphore, #tpu.memory_space<semaphore_mem>>
      tpu.wait_indirect_dma semaphore(%dma_wait3A_126 : memref<!tpu.dma_semaphore, #tpu.memory_space<semaphore_mem>>) src(%dma_wait3A_118 : memref<128x128xf32, #tpu.memory_space<vmem>>) dst(%dma_wait3A_124 : memref<10112x128xf32, #tpu.memory_space<vmem_shared>>)
      %add3A_127 = arith.constant 2 : i32
      %add3A_128 = arith.addi %add3A_85, %add3A_127 : i32
      %lt3A = arith.constant 40 : i32
      %lt3A_129 = arith.cmpi slt, %add3A_128, %lt3A : i32
      %convert_element_type3A_130 = arith.extui %lt3A_129 : i1 to i32
      %cond3A_131 = arith.constant 0 : i32
      %cond3A_132 = arith.cmpi ne, %convert_element_type3A_130, %cond3A_131 : i32
      scf.if %cond3A_132 {
        %dma_start3A_186 = arith.constant 0 : i32
        %dma_start3A_187 = arith.constant 0 : i32
        %dma_start3A_188 = arith.constant 0 : i32
        %dma_start3A_189 = arith.constant 0 : i32
        %dma_start3A_190 = tpu.memref_slice %arg9[%dma_start3A_186, %dma_start3A_188, %dma_start3A_189] : memref<2x128x128xf32, #tpu.memory_space<vmem>> -> memref<1x128x128xf32, #tpu.memory_space<vmem>>
        %dma_start3A_191 = tpu.memref_squeeze %dma_start3A_190 : memref<1x128x128xf32, #tpu.memory_space<vmem>> -> memref<128x128xf32, #tpu.memory_space<vmem>>
        %dma_start3A_192 = arith.constant 0 : i32
        %dma_start3A_193 = tpu.memref_slice %arg7[%add3A_128, %dma_start3A_192] : memref<40x128xi32, #tpu.memory_space<vmem>> -> memref<1x128xi32, #tpu.memory_space<vmem>>
        %dma_start3A_194 = tpu.memref_squeeze %dma_start3A_193 : memref<1x128xi32, #tpu.memory_space<vmem>> -> memref<128xi32, #tpu.memory_space<vmem>>
        %dma_start3A_195 = arith.constant 0 : i32
        %dma_start3A_196 = arith.constant 0 : i32
        %dma_start3A_197 = tpu.memref_slice %arg2[%dma_start3A_195, %dma_start3A_196] : memref<10112x128xf32, #tpu.memory_space<hbm>> -> memref<10112x128xf32, #tpu.memory_space<hbm>>
        %dma_start3A_198 = tpu.memref_slice %arg11[%dma_start3A_187] : memref<2x!tpu.dma_semaphore, #tpu.memory_space<semaphore_mem>> -> memref<1x!tpu.dma_semaphore, #tpu.memory_space<semaphore_mem>>
        %dma_start3A_199 = tpu.memref_squeeze %dma_start3A_198 : memref<1x!tpu.dma_semaphore, #tpu.memory_space<semaphore_mem>> -> memref<!tpu.dma_semaphore, #tpu.memory_space<semaphore_mem>>
        tpu.enqueue_indirect_dma source(%dma_start3A_197 : memref<10112x128xf32, #tpu.memory_space<hbm>>) target(%dma_start3A_191 : memref<128x128xf32, #tpu.memory_space<vmem>>) offsets(%dma_start3A_194 : memref<128xi32, #tpu.memory_space<vmem>>) semaphore(%dma_start3A_199 : memref<!tpu.dma_semaphore, #tpu.memory_space<semaphore_mem>>)
      } else {
      }
      %mul3A_133 = arith.constant 2 : i32
      %mul3A_134 = arith.muli %scan3A_81, %mul3A_133 : i32
      %add3A_135 = arith.constant 1 : i32
      %add3A_136 = arith.addi %mul3A_134, %add3A_135 : i32
      %dma_wait3A_137 = arith.constant 1 : i32
      %dma_wait3A_138 = arith.constant 1 : i32
      %dma_wait3A_139 = arith.constant 0 : i32
      %dma_wait3A_140 = arith.constant 0 : i32
      %dma_wait3A_141 = tpu.memref_slice %arg9[%dma_wait3A_137, %dma_wait3A_139, %dma_wait3A_140] : memref<2x128x128xf32, #tpu.memory_space<vmem>> -> memref<1x128x128xf32, #tpu.memory_space<vmem>>
      %dma_wait3A_142 = tpu.memref_squeeze %dma_wait3A_141 : memref<1x128x128xf32, #tpu.memory_space<vmem>> -> memref<128x128xf32, #tpu.memory_space<vmem>>
      %dma_wait3A_143 = arith.constant 0 : i32
      %dma_wait3A_144 = tpu.memref_slice %arg7[%add3A_136, %dma_wait3A_143] : memref<40x128xi32, #tpu.memory_space<vmem>> -> memref<1x128xi32, #tpu.memory_space<vmem>>
      %dma_wait3A_145 = tpu.memref_squeeze %dma_wait3A_144 : memref<1x128xi32, #tpu.memory_space<vmem>> -> memref<128xi32, #tpu.memory_space<vmem>>
      %dma_wait3A_146 = arith.constant 0 : i32
      %dma_wait3A_147 = arith.constant 0 : i32
      %dma_wait3A_148 = tpu.memref_slice %arg2[%dma_wait3A_146, %dma_wait3A_147] : memref<10112x128xf32, #tpu.memory_space<hbm>> -> memref<10112x128xf32, #tpu.memory_space<hbm>>
      %dma_wait3A_149 = tpu.memref_slice %arg11[%dma_wait3A_138] : memref<2x!tpu.dma_semaphore, #tpu.memory_space<semaphore_mem>> -> memref<1x!tpu.dma_semaphore, #tpu.memory_space<semaphore_mem>>
      %dma_wait3A_150 = tpu.memref_squeeze %dma_wait3A_149 : memref<1x!tpu.dma_semaphore, #tpu.memory_space<semaphore_mem>> -> memref<!tpu.dma_semaphore, #tpu.memory_space<semaphore_mem>>
      tpu.wait_indirect_dma semaphore(%dma_wait3A_150 : memref<!tpu.dma_semaphore, #tpu.memory_space<semaphore_mem>>) src(%dma_wait3A_148 : memref<10112x128xf32, #tpu.memory_space<hbm>>) dst(%dma_wait3A_142 : memref<128x128xf32, #tpu.memory_space<vmem>>)
      %dma_start3A_151 = arith.constant 1 : i32
      %dma_start3A_152 = arith.constant 1 : i32
      %dma_start3A_153 = arith.constant 0 : i32
      %dma_start3A_154 = arith.constant 0 : i32
      %dma_start3A_155 = tpu.memref_slice %arg9[%dma_start3A_151, %dma_start3A_153, %dma_start3A_154] : memref<2x128x128xf32, #tpu.memory_space<vmem>> -> memref<1x128x128xf32, #tpu.memory_space<vmem>>
      %dma_start3A_156 = tpu.memref_squeeze %dma_start3A_155 : memref<1x128x128xf32, #tpu.memory_space<vmem>> -> memref<128x128xf32, #tpu.memory_space<vmem>>
      %dma_start3A_157 = arith.constant 0 : i32
      %dma_start3A_158 = tpu.memref_slice %arg8[%add3A_136, %dma_start3A_157] : memref<40x128xi32, #tpu.memory_space<vmem>> -> memref<1x128xi32, #tpu.memory_space<vmem>>
      %dma_start3A_159 = tpu.memref_squeeze %dma_start3A_158 : memref<1x128xi32, #tpu.memory_space<vmem>> -> memref<128xi32, #tpu.memory_space<vmem>>
      %dma_start3A_160 = arith.constant 0 : i32
      %dma_start3A_161 = arith.constant 0 : i32
      %dma_start3A_162 = tpu.memref_slice %arg10[%dma_start3A_160, %dma_start3A_161] : memref<10112x128xf32, #tpu.memory_space<vmem_shared>> -> memref<10112x128xf32, #tpu.memory_space<vmem_shared>>
      %dma_start3A_163 = tpu.memref_slice %arg12[%dma_start3A_152] : memref<2x!tpu.dma_semaphore, #tpu.memory_space<semaphore_mem>> -> memref<1x!tpu.dma_semaphore, #tpu.memory_space<semaphore_mem>>
      %dma_start3A_164 = tpu.memref_squeeze %dma_start3A_163 : memref<1x!tpu.dma_semaphore, #tpu.memory_space<semaphore_mem>> -> memref<!tpu.dma_semaphore, #tpu.memory_space<semaphore_mem>>
      tpu.enqueue_indirect_dma source(%dma_start3A_156 : memref<128x128xf32, #tpu.memory_space<vmem>>) target(%dma_start3A_162 : memref<10112x128xf32, #tpu.memory_space<vmem_shared>>) offsets(%dma_start3A_159 : memref<128xi32, #tpu.memory_space<vmem>>) semaphore(%dma_start3A_164 : memref<!tpu.dma_semaphore, #tpu.memory_space<semaphore_mem>>) {add = true}
      %dma_wait3A_165 = arith.constant 1 : i32
      %dma_wait3A_166 = arith.constant 1 : i32
      %dma_wait3A_167 = arith.constant 0 : i32
      %dma_wait3A_168 = arith.constant 0 : i32
      %dma_wait3A_169 = tpu.memref_slice %arg9[%dma_wait3A_165, %dma_wait3A_167, %dma_wait3A_168] : memref<2x128x128xf32, #tpu.memory_space<vmem>> -> memref<1x128x128xf32, #tpu.memory_space<vmem>>
      %dma_wait3A_170 = tpu.memref_squeeze %dma_wait3A_169 : memref<1x128x128xf32, #tpu.memory_space<vmem>> -> memref<128x128xf32, #tpu.memory_space<vmem>>
      %dma_wait3A_171 = arith.constant 0 : i32
      %dma_wait3A_172 = tpu.memref_slice %arg8[%add3A_136, %dma_wait3A_171] : memref<40x128xi32, #tpu.memory_space<vmem>> -> memref<1x128xi32, #tpu.memory_space<vmem>>
      %dma_wait3A_173 = tpu.memref_squeeze %dma_wait3A_172 : memref<1x128xi32, #tpu.memory_space<vmem>> -> memref<128xi32, #tpu.memory_space<vmem>>
      %dma_wait3A_174 = arith.constant 0 : i32
      %dma_wait3A_175 = arith.constant 0 : i32
      %dma_wait3A_176 = tpu.memref_slice %arg10[%dma_wait3A_174, %dma_wait3A_175] : memref<10112x128xf32, #tpu.memory_space<vmem_shared>> -> memref<10112x128xf32, #tpu.memory_space<vmem_shared>>
      %dma_wait3A_177 = tpu.memref_slice %arg12[%dma_wait3A_166] : memref<2x!tpu.dma_semaphore, #tpu.memory_space<semaphore_mem>> -> memref<1x!tpu.dma_semaphore, #tpu.memory_space<semaphore_mem>>
      %dma_wait3A_178 = tpu.memref_squeeze %dma_wait3A_177 : memref<1x!tpu.dma_semaphore, #tpu.memory_space<semaphore_mem>> -> memref<!tpu.dma_semaphore, #tpu.memory_space<semaphore_mem>>
      tpu.wait_indirect_dma semaphore(%dma_wait3A_178 : memref<!tpu.dma_semaphore, #tpu.memory_space<semaphore_mem>>) src(%dma_wait3A_170 : memref<128x128xf32, #tpu.memory_space<vmem>>) dst(%dma_wait3A_176 : memref<10112x128xf32, #tpu.memory_space<vmem_shared>>)
      %add3A_179 = arith.constant 2 : i32
      %add3A_180 = arith.addi %add3A_136, %add3A_179 : i32
      %lt3A_181 = arith.constant 40 : i32
      %lt3A_182 = arith.cmpi slt, %add3A_180, %lt3A_181 : i32
      %convert_element_type3A_183 = arith.extui %lt3A_182 : i1 to i32
      %cond3A_184 = arith.constant 0 : i32
      %cond3A_185 = arith.cmpi ne, %convert_element_type3A_183, %cond3A_184 : i32
      scf.if %cond3A_185 {
        %dma_start3A_186 = arith.constant 1 : i32
        %dma_start3A_187 = arith.constant 1 : i32
        %dma_start3A_188 = arith.constant 0 : i32
        %dma_start3A_189 = arith.constant 0 : i32
        %dma_start3A_190 = tpu.memref_slice %arg9[%dma_start3A_186, %dma_start3A_188, %dma_start3A_189] : memref<2x128x128xf32, #tpu.memory_space<vmem>> -> memref<1x128x128xf32, #tpu.memory_space<vmem>>
        %dma_start3A_191 = tpu.memref_squeeze %dma_start3A_190 : memref<1x128x128xf32, #tpu.memory_space<vmem>> -> memref<128x128xf32, #tpu.memory_space<vmem>>
        %dma_start3A_192 = arith.constant 0 : i32
        %dma_start3A_193 = tpu.memref_slice %arg7[%add3A_180, %dma_start3A_192] : memref<40x128xi32, #tpu.memory_space<vmem>> -> memref<1x128xi32, #tpu.memory_space<vmem>>
        %dma_start3A_194 = tpu.memref_squeeze %dma_start3A_193 : memref<1x128xi32, #tpu.memory_space<vmem>> -> memref<128xi32, #tpu.memory_space<vmem>>
        %dma_start3A_195 = arith.constant 0 : i32
        %dma_start3A_196 = arith.constant 0 : i32
        %dma_start3A_197 = tpu.memref_slice %arg2[%dma_start3A_195, %dma_start3A_196] : memref<10112x128xf32, #tpu.memory_space<hbm>> -> memref<10112x128xf32, #tpu.memory_space<hbm>>
        %dma_start3A_198 = tpu.memref_slice %arg11[%dma_start3A_187] : memref<2x!tpu.dma_semaphore, #tpu.memory_space<semaphore_mem>> -> memref<1x!tpu.dma_semaphore, #tpu.memory_space<semaphore_mem>>
        %dma_start3A_199 = tpu.memref_squeeze %dma_start3A_198 : memref<1x!tpu.dma_semaphore, #tpu.memory_space<semaphore_mem>> -> memref<!tpu.dma_semaphore, #tpu.memory_space<semaphore_mem>>
        tpu.enqueue_indirect_dma source(%dma_start3A_197 : memref<10112x128xf32, #tpu.memory_space<hbm>>) target(%dma_start3A_191 : memref<128x128xf32, #tpu.memory_space<vmem>>) offsets(%dma_start3A_194 : memref<128xi32, #tpu.memory_space<vmem>>) semaphore(%dma_start3A_199 : memref<!tpu.dma_semaphore, #tpu.memory_space<semaphore_mem>>)
      } else {
      }
    }
    %scan3A_42 = arith.constant 20 : i32
    %run_scoped3A_43 = arith.constant 1 : i32
    "tpu.region"() ({
      %run_scoped3A_81 = tpu.sem_alloc : memref<!tpu.dma_semaphore, #tpu.memory_space<semaphore_mem>>
      %dma_start3A_82 = arith.constant 0 : i32
      %dma_start3A_83 = arith.constant 0 : i32
      %dma_start3A_84 = tpu.memref_slice %arg4[%add3A, %run_scoped3A_43, %dma_start3A_82, %dma_start3A_83] : memref<32x2x40x128xi32, #tpu.memory_space<hbm>> -> memref<1x1x40x128xi32, #tpu.memory_space<hbm>>
      %dma_start3A_85 = tpu.memref_squeeze %dma_start3A_84 : memref<1x1x40x128xi32, #tpu.memory_space<hbm>> -> memref<40x128xi32, #tpu.memory_space<hbm>>
      %dma_start3A_86 = arith.constant 0 : i32
      %dma_start3A_87 = arith.constant 0 : i32
      %dma_start3A_88 = tpu.memref_slice %arg4[%add3A, %run_scoped3A_43, %dma_start3A_86, %dma_start3A_87] : memref<32x2x40x128xi32, #tpu.memory_space<hbm>> -> memref<1x1x40x128xi32, #tpu.memory_space<hbm>>
      %dma_start3A_89 = tpu.memref_squeeze %dma_start3A_88 : memref<1x1x40x128xi32, #tpu.memory_space<hbm>> -> memref<40x128xi32, #tpu.memory_space<hbm>>
      tpu.enqueue_dma source(%dma_start3A_89 : memref<40x128xi32, #tpu.memory_space<hbm>>) target(%arg7 : memref<40x128xi32, #tpu.memory_space<vmem>>) target_semaphore(%run_scoped3A_81 : memref<!tpu.dma_semaphore, #tpu.memory_space<semaphore_mem>>)
      %dma_wait3A = arith.constant 0 : i32
      %dma_wait3A_90 = arith.constant 0 : i32
      %dma_wait3A_91 = tpu.memref_slice %arg4[%add3A, %run_scoped3A_43, %dma_wait3A, %dma_wait3A_90] : memref<32x2x40x128xi32, #tpu.memory_space<hbm>> -> memref<1x1x40x128xi32, #tpu.memory_space<hbm>>
      %dma_wait3A_92 = tpu.memref_squeeze %dma_wait3A_91 : memref<1x1x40x128xi32, #tpu.memory_space<hbm>> -> memref<40x128xi32, #tpu.memory_space<hbm>>
      %dma_wait3A_93 = arith.constant 0 : i32
      %dma_wait3A_94 = arith.constant 0 : i32
      %dma_wait3A_95 = tpu.memref_slice %arg4[%add3A, %run_scoped3A_43, %dma_wait3A_93, %dma_wait3A_94] : memref<32x2x40x128xi32, #tpu.memory_space<hbm>> -> memref<1x1x40x128xi32, #tpu.memory_space<hbm>>
      %dma_wait3A_96 = tpu.memref_squeeze %dma_wait3A_95 : memref<1x1x40x128xi32, #tpu.memory_space<hbm>> -> memref<40x128xi32, #tpu.memory_space<hbm>>
      tpu.wait_dma2 semaphore(%run_scoped3A_81 : memref<!tpu.dma_semaphore, #tpu.memory_space<semaphore_mem>>) src(%dma_wait3A_96 : memref<40x128xi32, #tpu.memory_space<hbm>>) dst(%arg7 : memref<40x128xi32, #tpu.memory_space<vmem>>)
      tpu.yield
    }) : () -> ()
    %run_scoped3A_44 = arith.constant 1 : i32
    "tpu.region"() ({
      %run_scoped3A_81 = tpu.sem_alloc : memref<!tpu.dma_semaphore, #tpu.memory_space<semaphore_mem>>
      %dma_start3A_82 = arith.constant 0 : i32
      %dma_start3A_83 = arith.constant 0 : i32
      %dma_start3A_84 = tpu.memref_slice %arg5[%add3A, %run_scoped3A_44, %dma_start3A_82, %dma_start3A_83] : memref<32x2x40x128xi32, #tpu.memory_space<hbm>> -> memref<1x1x40x128xi32, #tpu.memory_space<hbm>>
      %dma_start3A_85 = tpu.memref_squeeze %dma_start3A_84 : memref<1x1x40x128xi32, #tpu.memory_space<hbm>> -> memref<40x128xi32, #tpu.memory_space<hbm>>
      %dma_start3A_86 = arith.constant 0 : i32
      %dma_start3A_87 = arith.constant 0 : i32
      %dma_start3A_88 = tpu.memref_slice %arg5[%add3A, %run_scoped3A_44, %dma_start3A_86, %dma_start3A_87] : memref<32x2x40x128xi32, #tpu.memory_space<hbm>> -> memref<1x1x40x128xi32, #tpu.memory_space<hbm>>
      %dma_start3A_89 = tpu.memref_squeeze %dma_start3A_88 : memref<1x1x40x128xi32, #tpu.memory_space<hbm>> -> memref<40x128xi32, #tpu.memory_space<hbm>>
      tpu.enqueue_dma source(%dma_start3A_89 : memref<40x128xi32, #tpu.memory_space<hbm>>) target(%arg8 : memref<40x128xi32, #tpu.memory_space<vmem>>) target_semaphore(%run_scoped3A_81 : memref<!tpu.dma_semaphore, #tpu.memory_space<semaphore_mem>>)
      %dma_wait3A = arith.constant 0 : i32
      %dma_wait3A_90 = arith.constant 0 : i32
      %dma_wait3A_91 = tpu.memref_slice %arg5[%add3A, %run_scoped3A_44, %dma_wait3A, %dma_wait3A_90] : memref<32x2x40x128xi32, #tpu.memory_space<hbm>> -> memref<1x1x40x128xi32, #tpu.memory_space<hbm>>
      %dma_wait3A_92 = tpu.memref_squeeze %dma_wait3A_91 : memref<1x1x40x128xi32, #tpu.memory_space<hbm>> -> memref<40x128xi32, #tpu.memory_space<hbm>>
      %dma_wait3A_93 = arith.constant 0 : i32
      %dma_wait3A_94 = arith.constant 0 : i32
      %dma_wait3A_95 = tpu.memref_slice %arg5[%add3A, %run_scoped3A_44, %dma_wait3A_93, %dma_wait3A_94] : memref<32x2x40x128xi32, #tpu.memory_space<hbm>> -> memref<1x1x40x128xi32, #tpu.memory_space<hbm>>
      %dma_wait3A_96 = tpu.memref_squeeze %dma_wait3A_95 : memref<1x1x40x128xi32, #tpu.memory_space<hbm>> -> memref<40x128xi32, #tpu.memory_space<hbm>>
      tpu.wait_dma2 semaphore(%run_scoped3A_81 : memref<!tpu.dma_semaphore, #tpu.memory_space<semaphore_mem>>) src(%dma_wait3A_96 : memref<40x128xi32, #tpu.memory_space<hbm>>) dst(%arg8 : memref<40x128xi32, #tpu.memory_space<vmem>>)
      tpu.yield
    }) : () -> ()
    %dma_start3A_45 = arith.constant 0 : i32
    %dma_start3A_46 = arith.constant 0 : i32
    %dma_start3A_47 = arith.constant 0 : i32
    %dma_start3A_48 = arith.constant 0 : i32
    %dma_start3A_49 = arith.constant 0 : i32
    %dma_start3A_50 = tpu.memref_slice %arg9[%dma_start3A_46, %dma_start3A_48, %dma_start3A_49] : memref<2x128x128xf32, #tpu.memory_space<vmem>> -> memref<1x128x128xf32, #tpu.memory_space<vmem>>
    %dma_start3A_51 = tpu.memref_squeeze %dma_start3A_50 : memref<1x128x128xf32, #tpu.memory_space<vmem>> -> memref<128x128xf32, #tpu.memory_space<vmem>>
    %dma_start3A_52 = arith.constant 0 : i32
    %dma_start3A_53 = tpu.memref_slice %arg7[%dma_start3A_45, %dma_start3A_52] : memref<40x128xi32, #tpu.memory_space<vmem>> -> memref<1x128xi32, #tpu.memory_space<vmem>>
    %dma_start3A_54 = tpu.memref_squeeze %dma_start3A_53 : memref<1x128xi32, #tpu.memory_space<vmem>> -> memref<128xi32, #tpu.memory_space<vmem>>
    %dma_start3A_55 = arith.constant 0 : i32
    %dma_start3A_56 = arith.constant 0 : i32
    %dma_start3A_57 = tpu.memref_slice %arg2[%dma_start3A_55, %dma_start3A_56] : memref<10112x128xf32, #tpu.memory_space<hbm>> -> memref<10112x128xf32, #tpu.memory_space<hbm>>
    %dma_start3A_58 = tpu.memref_slice %arg11[%dma_start3A_47] : memref<2x!tpu.dma_semaphore, #tpu.memory_space<semaphore_mem>> -> memref<1x!tpu.dma_semaphore, #tpu.memory_space<semaphore_mem>>
    %dma_start3A_59 = tpu.memref_squeeze %dma_start3A_58 : memref<1x!tpu.dma_semaphore, #tpu.memory_space<semaphore_mem>> -> memref<!tpu.dma_semaphore, #tpu.memory_space<semaphore_mem>>
    tpu.enqueue_indirect_dma source(%dma_start3A_57 : memref<10112x128xf32, #tpu.memory_space<hbm>>) target(%dma_start3A_51 : memref<128x128xf32, #tpu.memory_space<vmem>>) offsets(%dma_start3A_54 : memref<128xi32, #tpu.memory_space<vmem>>) semaphore(%dma_start3A_59 : memref<!tpu.dma_semaphore, #tpu.memory_space<semaphore_mem>>)
    %dma_start3A_60 = arith.constant 1 : i32
    %dma_start3A_61 = arith.constant 1 : i32
    %dma_start3A_62 = arith.constant 1 : i32
    %dma_start3A_63 = arith.constant 0 : i32
    %dma_start3A_64 = arith.constant 0 : i32
    %dma_start3A_65 = tpu.memref_slice %arg9[%dma_start3A_61, %dma_start3A_63, %dma_start3A_64] : memref<2x128x128xf32, #tpu.memory_space<vmem>> -> memref<1x128x128xf32, #tpu.memory_space<vmem>>
    %dma_start3A_66 = tpu.memref_squeeze %dma_start3A_65 : memref<1x128x128xf32, #tpu.memory_space<vmem>> -> memref<128x128xf32, #tpu.memory_space<vmem>>
    %dma_start3A_67 = arith.constant 0 : i32
    %dma_start3A_68 = tpu.memref_slice %arg7[%dma_start3A_60, %dma_start3A_67] : memref<40x128xi32, #tpu.memory_space<vmem>> -> memref<1x128xi32, #tpu.memory_space<vmem>>
    %dma_start3A_69 = tpu.memref_squeeze %dma_start3A_68 : memref<1x128xi32, #tpu.memory_space<vmem>> -> memref<128xi32, #tpu.memory_space<vmem>>
    %dma_start3A_70 = arith.constant 0 : i32
    %dma_start3A_71 = arith.constant 0 : i32
    %dma_start3A_72 = tpu.memref_slice %arg2[%dma_start3A_70, %dma_start3A_71] : memref<10112x128xf32, #tpu.memory_space<hbm>> -> memref<10112x128xf32, #tpu.memory_space<hbm>>
    %dma_start3A_73 = tpu.memref_slice %arg11[%dma_start3A_62] : memref<2x!tpu.dma_semaphore, #tpu.memory_space<semaphore_mem>> -> memref<1x!tpu.dma_semaphore, #tpu.memory_space<semaphore_mem>>
    %dma_start3A_74 = tpu.memref_squeeze %dma_start3A_73 : memref<1x!tpu.dma_semaphore, #tpu.memory_space<semaphore_mem>> -> memref<!tpu.dma_semaphore, #tpu.memory_space<semaphore_mem>>
    tpu.enqueue_indirect_dma source(%dma_start3A_72 : memref<10112x128xf32, #tpu.memory_space<hbm>>) target(%dma_start3A_66 : memref<128x128xf32, #tpu.memory_space<vmem>>) offsets(%dma_start3A_69 : memref<128xi32, #tpu.memory_space<vmem>>) semaphore(%dma_start3A_74 : memref<!tpu.dma_semaphore, #tpu.memory_space<semaphore_mem>>)
    %scan3A_75 = arith.constant 0 : i32
    %scan3A_76 = arith.constant 20 : i32
    %scan3A_77 = arith.addi %scan3A_75, %scan3A_76 : i32
    %scan3A_78 = arith.constant 1 : i32
    scf.for %scan3A_81 = %scan3A_75 to %scan3A_77 step %scan3A_78  : i32 {
      %mul3A_82 = arith.constant 2 : i32
      %mul3A_83 = arith.muli %scan3A_81, %mul3A_82 : i32
      %add3A_84 = arith.constant 0 : i32
      %add3A_85 = arith.addi %mul3A_83, %add3A_84 : i32
      %dma_wait3A = arith.constant 0 : i32
      %dma_wait3A_86 = arith.constant 0 : i32
      %dma_wait3A_87 = arith.constant 0 : i32
      %dma_wait3A_88 = arith.constant 0 : i32
      %dma_wait3A_89 = tpu.memref_slice %arg9[%dma_wait3A, %dma_wait3A_87, %dma_wait3A_88] : memref<2x128x128xf32, #tpu.memory_space<vmem>> -> memref<1x128x128xf32, #tpu.memory_space<vmem>>
      %dma_wait3A_90 = tpu.memref_squeeze %dma_wait3A_89 : memref<1x128x128xf32, #tpu.memory_space<vmem>> -> memref<128x128xf32, #tpu.memory_space<vmem>>
      %dma_wait3A_91 = arith.constant 0 : i32
      %dma_wait3A_92 = tpu.memref_slice %arg7[%add3A_85, %dma_wait3A_91] : memref<40x128xi32, #tpu.memory_space<vmem>> -> memref<1x128xi32, #tpu.memory_space<vmem>>
      %dma_wait3A_93 = tpu.memref_squeeze %dma_wait3A_92 : memref<1x128xi32, #tpu.memory_space<vmem>> -> memref<128xi32, #tpu.memory_space<vmem>>
      %dma_wait3A_94 = arith.constant 0 : i32
      %dma_wait3A_95 = arith.constant 0 : i32
      %dma_wait3A_96 = tpu.memref_slice %arg2[%dma_wait3A_94, %dma_wait3A_95] : memref<10112x128xf32, #tpu.memory_space<hbm>> -> memref<10112x128xf32, #tpu.memory_space<hbm>>
      %dma_wait3A_97 = tpu.memref_slice %arg11[%dma_wait3A_86] : memref<2x!tpu.dma_semaphore, #tpu.memory_space<semaphore_mem>> -> memref<1x!tpu.dma_semaphore, #tpu.memory_space<semaphore_mem>>
      %dma_wait3A_98 = tpu.memref_squeeze %dma_wait3A_97 : memref<1x!tpu.dma_semaphore, #tpu.memory_space<semaphore_mem>> -> memref<!tpu.dma_semaphore, #tpu.memory_space<semaphore_mem>>
      tpu.wait_indirect_dma semaphore(%dma_wait3A_98 : memref<!tpu.dma_semaphore, #tpu.memory_space<semaphore_mem>>) src(%dma_wait3A_96 : memref<10112x128xf32, #tpu.memory_space<hbm>>) dst(%dma_wait3A_90 : memref<128x128xf32, #tpu.memory_space<vmem>>)
      %dma_start3A_99 = arith.constant 0 : i32
      %dma_start3A_100 = arith.constant 0 : i32
      %dma_start3A_101 = arith.constant 0 : i32
      %dma_start3A_102 = arith.constant 0 : i32
      %dma_start3A_103 = tpu.memref_slice %arg9[%dma_start3A_99, %dma_start3A_101, %dma_start3A_102] : memref<2x128x128xf32, #tpu.memory_space<vmem>> -> memref<1x128x128xf32, #tpu.memory_space<vmem>>
      %dma_start3A_104 = tpu.memref_squeeze %dma_start3A_103 : memref<1x128x128xf32, #tpu.memory_space<vmem>> -> memref<128x128xf32, #tpu.memory_space<vmem>>
      %dma_start3A_105 = arith.constant 0 : i32
      %dma_start3A_106 = tpu.memref_slice %arg8[%add3A_85, %dma_start3A_105] : memref<40x128xi32, #tpu.memory_space<vmem>> -> memref<1x128xi32, #tpu.memory_space<vmem>>
      %dma_start3A_107 = tpu.memref_squeeze %dma_start3A_106 : memref<1x128xi32, #tpu.memory_space<vmem>> -> memref<128xi32, #tpu.memory_space<vmem>>
      %dma_start3A_108 = arith.constant 0 : i32
      %dma_start3A_109 = arith.constant 0 : i32
      %dma_start3A_110 = tpu.memref_slice %arg10[%dma_start3A_108, %dma_start3A_109] : memref<10112x128xf32, #tpu.memory_space<vmem_shared>> -> memref<10112x128xf32, #tpu.memory_space<vmem_shared>>
      %dma_start3A_111 = tpu.memref_slice %arg12[%dma_start3A_100] : memref<2x!tpu.dma_semaphore, #tpu.memory_space<semaphore_mem>> -> memref<1x!tpu.dma_semaphore, #tpu.memory_space<semaphore_mem>>
      %dma_start3A_112 = tpu.memref_squeeze %dma_start3A_111 : memref<1x!tpu.dma_semaphore, #tpu.memory_space<semaphore_mem>> -> memref<!tpu.dma_semaphore, #tpu.memory_space<semaphore_mem>>
      tpu.enqueue_indirect_dma source(%dma_start3A_104 : memref<128x128xf32, #tpu.memory_space<vmem>>) target(%dma_start3A_110 : memref<10112x128xf32, #tpu.memory_space<vmem_shared>>) offsets(%dma_start3A_107 : memref<128xi32, #tpu.memory_space<vmem>>) semaphore(%dma_start3A_112 : memref<!tpu.dma_semaphore, #tpu.memory_space<semaphore_mem>>) {add = true}
      %dma_wait3A_113 = arith.constant 0 : i32
      %dma_wait3A_114 = arith.constant 0 : i32
      %dma_wait3A_115 = arith.constant 0 : i32
      %dma_wait3A_116 = arith.constant 0 : i32
      %dma_wait3A_117 = tpu.memref_slice %arg9[%dma_wait3A_113, %dma_wait3A_115, %dma_wait3A_116] : memref<2x128x128xf32, #tpu.memory_space<vmem>> -> memref<1x128x128xf32, #tpu.memory_space<vmem>>
      %dma_wait3A_118 = tpu.memref_squeeze %dma_wait3A_117 : memref<1x128x128xf32, #tpu.memory_space<vmem>> -> memref<128x128xf32, #tpu.memory_space<vmem>>
      %dma_wait3A_119 = arith.constant 0 : i32
      %dma_wait3A_120 = tpu.memref_slice %arg8[%add3A_85, %dma_wait3A_119] : memref<40x128xi32, #tpu.memory_space<vmem>> -> memref<1x128xi32, #tpu.memory_space<vmem>>
      %dma_wait3A_121 = tpu.memref_squeeze %dma_wait3A_120 : memref<1x128xi32, #tpu.memory_space<vmem>> -> memref<128xi32, #tpu.memory_space<vmem>>
      %dma_wait3A_122 = arith.constant 0 : i32
      %dma_wait3A_123 = arith.constant 0 : i32
      %dma_wait3A_124 = tpu.memref_slice %arg10[%dma_wait3A_122, %dma_wait3A_123] : memref<10112x128xf32, #tpu.memory_space<vmem_shared>> -> memref<10112x128xf32, #tpu.memory_space<vmem_shared>>
      %dma_wait3A_125 = tpu.memref_slice %arg12[%dma_wait3A_114] : memref<2x!tpu.dma_semaphore, #tpu.memory_space<semaphore_mem>> -> memref<1x!tpu.dma_semaphore, #tpu.memory_space<semaphore_mem>>
      %dma_wait3A_126 = tpu.memref_squeeze %dma_wait3A_125 : memref<1x!tpu.dma_semaphore, #tpu.memory_space<semaphore_mem>> -> memref<!tpu.dma_semaphore, #tpu.memory_space<semaphore_mem>>
      tpu.wait_indirect_dma semaphore(%dma_wait3A_126 : memref<!tpu.dma_semaphore, #tpu.memory_space<semaphore_mem>>) src(%dma_wait3A_118 : memref<128x128xf32, #tpu.memory_space<vmem>>) dst(%dma_wait3A_124 : memref<10112x128xf32, #tpu.memory_space<vmem_shared>>)
      %add3A_127 = arith.constant 2 : i32
      %add3A_128 = arith.addi %add3A_85, %add3A_127 : i32
      %lt3A = arith.constant 40 : i32
      %lt3A_129 = arith.cmpi slt, %add3A_128, %lt3A : i32
      %convert_element_type3A_130 = arith.extui %lt3A_129 : i1 to i32
      %cond3A_131 = arith.constant 0 : i32
      %cond3A_132 = arith.cmpi ne, %convert_element_type3A_130, %cond3A_131 : i32
      scf.if %cond3A_132 {
        %dma_start3A_186 = arith.constant 0 : i32
        %dma_start3A_187 = arith.constant 0 : i32
        %dma_start3A_188 = arith.constant 0 : i32
        %dma_start3A_189 = arith.constant 0 : i32
        %dma_start3A_190 = tpu.memref_slice %arg9[%dma_start3A_186, %dma_start3A_188, %dma_start3A_189] : memref<2x128x128xf32, #tpu.memory_space<vmem>> -> memref<1x128x128xf32, #tpu.memory_space<vmem>>
        %dma_start3A_191 = tpu.memref_squeeze %dma_start3A_190 : memref<1x128x128xf32, #tpu.memory_space<vmem>> -> memref<128x128xf32, #tpu.memory_space<vmem>>
        %dma_start3A_192 = arith.constant 0 : i32
        %dma_start3A_193 = tpu.memref_slice %arg7[%add3A_128, %dma_start3A_192] : memref<40x128xi32, #tpu.memory_space<vmem>> -> memref<1x128xi32, #tpu.memory_space<vmem>>
        %dma_start3A_194 = tpu.memref_squeeze %dma_start3A_193 : memref<1x128xi32, #tpu.memory_space<vmem>> -> memref<128xi32, #tpu.memory_space<vmem>>
        %dma_start3A_195 = arith.constant 0 : i32
        %dma_start3A_196 = arith.constant 0 : i32
        %dma_start3A_197 = tpu.memref_slice %arg2[%dma_start3A_195, %dma_start3A_196] : memref<10112x128xf32, #tpu.memory_space<hbm>> -> memref<10112x128xf32, #tpu.memory_space<hbm>>
        %dma_start3A_198 = tpu.memref_slice %arg11[%dma_start3A_187] : memref<2x!tpu.dma_semaphore, #tpu.memory_space<semaphore_mem>> -> memref<1x!tpu.dma_semaphore, #tpu.memory_space<semaphore_mem>>
        %dma_start3A_199 = tpu.memref_squeeze %dma_start3A_198 : memref<1x!tpu.dma_semaphore, #tpu.memory_space<semaphore_mem>> -> memref<!tpu.dma_semaphore, #tpu.memory_space<semaphore_mem>>
        tpu.enqueue_indirect_dma source(%dma_start3A_197 : memref<10112x128xf32, #tpu.memory_space<hbm>>) target(%dma_start3A_191 : memref<128x128xf32, #tpu.memory_space<vmem>>) offsets(%dma_start3A_194 : memref<128xi32, #tpu.memory_space<vmem>>) semaphore(%dma_start3A_199 : memref<!tpu.dma_semaphore, #tpu.memory_space<semaphore_mem>>)
      } else {
      }
      %mul3A_133 = arith.constant 2 : i32
      %mul3A_134 = arith.muli %scan3A_81, %mul3A_133 : i32
      %add3A_135 = arith.constant 1 : i32
      %add3A_136 = arith.addi %mul3A_134, %add3A_135 : i32
      %dma_wait3A_137 = arith.constant 1 : i32
      %dma_wait3A_138 = arith.constant 1 : i32
      %dma_wait3A_139 = arith.constant 0 : i32
      %dma_wait3A_140 = arith.constant 0 : i32
      %dma_wait3A_141 = tpu.memref_slice %arg9[%dma_wait3A_137, %dma_wait3A_139, %dma_wait3A_140] : memref<2x128x128xf32, #tpu.memory_space<vmem>> -> memref<1x128x128xf32, #tpu.memory_space<vmem>>
      %dma_wait3A_142 = tpu.memref_squeeze %dma_wait3A_141 : memref<1x128x128xf32, #tpu.memory_space<vmem>> -> memref<128x128xf32, #tpu.memory_space<vmem>>
      %dma_wait3A_143 = arith.constant 0 : i32
      %dma_wait3A_144 = tpu.memref_slice %arg7[%add3A_136, %dma_wait3A_143] : memref<40x128xi32, #tpu.memory_space<vmem>> -> memref<1x128xi32, #tpu.memory_space<vmem>>
      %dma_wait3A_145 = tpu.memref_squeeze %dma_wait3A_144 : memref<1x128xi32, #tpu.memory_space<vmem>> -> memref<128xi32, #tpu.memory_space<vmem>>
      %dma_wait3A_146 = arith.constant 0 : i32
      %dma_wait3A_147 = arith.constant 0 : i32
      %dma_wait3A_148 = tpu.memref_slice %arg2[%dma_wait3A_146, %dma_wait3A_147] : memref<10112x128xf32, #tpu.memory_space<hbm>> -> memref<10112x128xf32, #tpu.memory_space<hbm>>
      %dma_wait3A_149 = tpu.memref_slice %arg11[%dma_wait3A_138] : memref<2x!tpu.dma_semaphore, #tpu.memory_space<semaphore_mem>> -> memref<1x!tpu.dma_semaphore, #tpu.memory_space<semaphore_mem>>
      %dma_wait3A_150 = tpu.memref_squeeze %dma_wait3A_149 : memref<1x!tpu.dma_semaphore, #tpu.memory_space<semaphore_mem>> -> memref<!tpu.dma_semaphore, #tpu.memory_space<semaphore_mem>>
      tpu.wait_indirect_dma semaphore(%dma_wait3A_150 : memref<!tpu.dma_semaphore, #tpu.memory_space<semaphore_mem>>) src(%dma_wait3A_148 : memref<10112x128xf32, #tpu.memory_space<hbm>>) dst(%dma_wait3A_142 : memref<128x128xf32, #tpu.memory_space<vmem>>)
      %dma_start3A_151 = arith.constant 1 : i32
      %dma_start3A_152 = arith.constant 1 : i32
      %dma_start3A_153 = arith.constant 0 : i32
      %dma_start3A_154 = arith.constant 0 : i32
      %dma_start3A_155 = tpu.memref_slice %arg9[%dma_start3A_151, %dma_start3A_153, %dma_start3A_154] : memref<2x128x128xf32, #tpu.memory_space<vmem>> -> memref<1x128x128xf32, #tpu.memory_space<vmem>>
      %dma_start3A_156 = tpu.memref_squeeze %dma_start3A_155 : memref<1x128x128xf32, #tpu.memory_space<vmem>> -> memref<128x128xf32, #tpu.memory_space<vmem>>
      %dma_start3A_157 = arith.constant 0 : i32
      %dma_start3A_158 = tpu.memref_slice %arg8[%add3A_136, %dma_start3A_157] : memref<40x128xi32, #tpu.memory_space<vmem>> -> memref<1x128xi32, #tpu.memory_space<vmem>>
      %dma_start3A_159 = tpu.memref_squeeze %dma_start3A_158 : memref<1x128xi32, #tpu.memory_space<vmem>> -> memref<128xi32, #tpu.memory_space<vmem>>
      %dma_start3A_160 = arith.constant 0 : i32
      %dma_start3A_161 = arith.constant 0 : i32
      %dma_start3A_162 = tpu.memref_slice %arg10[%dma_start3A_160, %dma_start3A_161] : memref<10112x128xf32, #tpu.memory_space<vmem_shared>> -> memref<10112x128xf32, #tpu.memory_space<vmem_shared>>
      %dma_start3A_163 = tpu.memref_slice %arg12[%dma_start3A_152] : memref<2x!tpu.dma_semaphore, #tpu.memory_space<semaphore_mem>> -> memref<1x!tpu.dma_semaphore, #tpu.memory_space<semaphore_mem>>
      %dma_start3A_164 = tpu.memref_squeeze %dma_start3A_163 : memref<1x!tpu.dma_semaphore, #tpu.memory_space<semaphore_mem>> -> memref<!tpu.dma_semaphore, #tpu.memory_space<semaphore_mem>>
      tpu.enqueue_indirect_dma source(%dma_start3A_156 : memref<128x128xf32, #tpu.memory_space<vmem>>) target(%dma_start3A_162 : memref<10112x128xf32, #tpu.memory_space<vmem_shared>>) offsets(%dma_start3A_159 : memref<128xi32, #tpu.memory_space<vmem>>) semaphore(%dma_start3A_164 : memref<!tpu.dma_semaphore, #tpu.memory_space<semaphore_mem>>) {add = true}
      %dma_wait3A_165 = arith.constant 1 : i32
      %dma_wait3A_166 = arith.constant 1 : i32
      %dma_wait3A_167 = arith.constant 0 : i32
      %dma_wait3A_168 = arith.constant 0 : i32
      %dma_wait3A_169 = tpu.memref_slice %arg9[%dma_wait3A_165, %dma_wait3A_167, %dma_wait3A_168] : memref<2x128x128xf32, #tpu.memory_space<vmem>> -> memref<1x128x128xf32, #tpu.memory_space<vmem>>
      %dma_wait3A_170 = tpu.memref_squeeze %dma_wait3A_169 : memref<1x128x128xf32, #tpu.memory_space<vmem>> -> memref<128x128xf32, #tpu.memory_space<vmem>>
      %dma_wait3A_171 = arith.constant 0 : i32
      %dma_wait3A_172 = tpu.memref_slice %arg8[%add3A_136, %dma_wait3A_171] : memref<40x128xi32, #tpu.memory_space<vmem>> -> memref<1x128xi32, #tpu.memory_space<vmem>>
      %dma_wait3A_173 = tpu.memref_squeeze %dma_wait3A_172 : memref<1x128xi32, #tpu.memory_space<vmem>> -> memref<128xi32, #tpu.memory_space<vmem>>
      %dma_wait3A_174 = arith.constant 0 : i32
      %dma_wait3A_175 = arith.constant 0 : i32
      %dma_wait3A_176 = tpu.memref_slice %arg10[%dma_wait3A_174, %dma_wait3A_175] : memref<10112x128xf32, #tpu.memory_space<vmem_shared>> -> memref<10112x128xf32, #tpu.memory_space<vmem_shared>>
      %dma_wait3A_177 = tpu.memref_slice %arg12[%dma_wait3A_166] : memref<2x!tpu.dma_semaphore, #tpu.memory_space<semaphore_mem>> -> memref<1x!tpu.dma_semaphore, #tpu.memory_space<semaphore_mem>>
      %dma_wait3A_178 = tpu.memref_squeeze %dma_wait3A_177 : memref<1x!tpu.dma_semaphore, #tpu.memory_space<semaphore_mem>> -> memref<!tpu.dma_semaphore, #tpu.memory_space<semaphore_mem>>
      tpu.wait_indirect_dma semaphore(%dma_wait3A_178 : memref<!tpu.dma_semaphore, #tpu.memory_space<semaphore_mem>>) src(%dma_wait3A_170 : memref<128x128xf32, #tpu.memory_space<vmem>>) dst(%dma_wait3A_176 : memref<10112x128xf32, #tpu.memory_space<vmem_shared>>)
      %add3A_179 = arith.constant 2 : i32
      %add3A_180 = arith.addi %add3A_136, %add3A_179 : i32
      %lt3A_181 = arith.constant 40 : i32
      %lt3A_182 = arith.cmpi slt, %add3A_180, %lt3A_181 : i32
      %convert_element_type3A_183 = arith.extui %lt3A_182 : i1 to i32
      %cond3A_184 = arith.constant 0 : i32
      %cond3A_185 = arith.cmpi ne, %convert_element_type3A_183, %cond3A_184 : i32
      scf.if %cond3A_185 {
        %dma_start3A_186 = arith.constant 1 : i32
        %dma_start3A_187 = arith.constant 1 : i32
        %dma_start3A_188 = arith.constant 0 : i32
        %dma_start3A_189 = arith.constant 0 : i32
        %dma_start3A_190 = tpu.memref_slice %arg9[%dma_start3A_186, %dma_start3A_188, %dma_start3A_189] : memref<2x128x128xf32, #tpu.memory_space<vmem>> -> memref<1x128x128xf32, #tpu.memory_space<vmem>>
        %dma_start3A_191 = tpu.memref_squeeze %dma_start3A_190 : memref<1x128x128xf32, #tpu.memory_space<vmem>> -> memref<128x128xf32, #tpu.memory_space<vmem>>
        %dma_start3A_192 = arith.constant 0 : i32
        %dma_start3A_193 = tpu.memref_slice %arg7[%add3A_180, %dma_start3A_192] : memref<40x128xi32, #tpu.memory_space<vmem>> -> memref<1x128xi32, #tpu.memory_space<vmem>>
        %dma_start3A_194 = tpu.memref_squeeze %dma_start3A_193 : memref<1x128xi32, #tpu.memory_space<vmem>> -> memref<128xi32, #tpu.memory_space<vmem>>
        %dma_start3A_195 = arith.constant 0 : i32
        %dma_start3A_196 = arith.constant 0 : i32
        %dma_start3A_197 = tpu.memref_slice %arg2[%dma_start3A_195, %dma_start3A_196] : memref<10112x128xf32, #tpu.memory_space<hbm>> -> memref<10112x128xf32, #tpu.memory_space<hbm>>
        %dma_start3A_198 = tpu.memref_slice %arg11[%dma_start3A_187] : memref<2x!tpu.dma_semaphore, #tpu.memory_space<semaphore_mem>> -> memref<1x!tpu.dma_semaphore, #tpu.memory_space<semaphore_mem>>
        %dma_start3A_199 = tpu.memref_squeeze %dma_start3A_198 : memref<1x!tpu.dma_semaphore, #tpu.memory_space<semaphore_mem>> -> memref<!tpu.dma_semaphore, #tpu.memory_space<semaphore_mem>>
        tpu.enqueue_indirect_dma source(%dma_start3A_197 : memref<10112x128xf32, #tpu.memory_space<hbm>>) target(%dma_start3A_191 : memref<128x128xf32, #tpu.memory_space<vmem>>) offsets(%dma_start3A_194 : memref<128xi32, #tpu.memory_space<vmem>>) semaphore(%dma_start3A_199 : memref<!tpu.dma_semaphore, #tpu.memory_space<semaphore_mem>>)
      } else {
      }
    }
    %scan3A_79 = arith.constant 20 : i32
    %barrier3A_80 = arith.constant 0 : index
    tpu.barrier barrier_id(%barrier3A_80)
    "tpu.region"() ({
      %run_scoped3A_81 = tpu.sem_alloc : memref<!tpu.dma_semaphore, #tpu.memory_space<semaphore_mem>>
      %dma_start3A_82 = arith.constant 0 : i32
      %dma_start3A_83 = tpu.memref_slice %arg6[%arg0, %mul3A_2, %dma_start3A_82] : memref<2x10112x128xf32, #tpu.memory_space<hbm>> -> memref<1x632x128xf32, #tpu.memory_space<hbm>>
      %dma_start3A_84 = tpu.memref_squeeze %dma_start3A_83 : memref<1x632x128xf32, #tpu.memory_space<hbm>> -> memref<632x128xf32, #tpu.memory_space<hbm>>
      %dma_start3A_85 = arith.constant 0 : i32
      %dma_start3A_86 = tpu.memref_slice %arg10[%mul3A_2, %dma_start3A_85] : memref<10112x128xf32, #tpu.memory_space<vmem_shared>> -> memref<632x128xf32, #tpu.memory_space<vmem_shared>>
      tpu.enqueue_dma source(%dma_start3A_86 : memref<632x128xf32, #tpu.memory_space<vmem_shared>>) target(%dma_start3A_84 : memref<632x128xf32, #tpu.memory_space<hbm>>) target_semaphore(%run_scoped3A_81 : memref<!tpu.dma_semaphore, #tpu.memory_space<semaphore_mem>>)
      %dma_wait3A = arith.constant 0 : i32
      %dma_wait3A_87 = tpu.memref_slice %arg6[%arg0, %mul3A_2, %dma_wait3A] : memref<2x10112x128xf32, #tpu.memory_space<hbm>> -> memref<1x632x128xf32, #tpu.memory_space<hbm>>
      %dma_wait3A_88 = tpu.memref_squeeze %dma_wait3A_87 : memref<1x632x128xf32, #tpu.memory_space<hbm>> -> memref<632x128xf32, #tpu.memory_space<hbm>>
      %dma_wait3A_89 = arith.constant 0 : i32
      %dma_wait3A_90 = tpu.memref_slice %arg10[%mul3A_2, %dma_wait3A_89] : memref<10112x128xf32, #tpu.memory_space<vmem_shared>> -> memref<632x128xf32, #tpu.memory_space<vmem_shared>>
      tpu.wait_dma2 semaphore(%run_scoped3A_81 : memref<!tpu.dma_semaphore, #tpu.memory_space<semaphore_mem>>) src(%dma_wait3A_90 : memref<632x128xf32, #tpu.memory_space<vmem_shared>>) dst(%dma_wait3A_88 : memref<632x128xf32, #tpu.memory_space<hbm>>)
      tpu.yield
    }) : () -> ()
    return
  }
}

module attributes {stable_mosaic.version = 14 : i64} {
  func.func @_tc1_body(%arg0: i32, %arg1: memref<256x128xf32, #tpu.memory_space<vmem>>, %arg2: memref<128x128xf32, #tpu.memory_space<vmem>>, %arg3: memref<2x256x128xf32, #tpu.memory_space<vmem>>, %arg4: memref<256x128xf32, #tpu.memory_space<vmem>>) attributes {dimension_semantics = [#tpu.dimension_semantics<arbitrary>], iteration_bounds = array<i64: 40>, scalar_prefetch = 0 : i64, scratch_operands = 0 : i64, tpu.core_type = #tpu.core_type<tc>, window_params = [{transform_indices = @transform_0, window_bounds = array<i64: 256, 128>}, {pipeline_mode = #tpu.pipeline_mode<synchronous>, transform_indices = @transform_1, window_bounds = array<i64: 128, 128>}, {transform_indices = @transform_2, window_bounds = array<i64: 2, 256, 128>}, {transform_indices = @transform_3, window_bounds = array<i64: 256, 128>}]} {
    %get3A = arith.constant 0 : index
    %get3A_0 = arith.constant 0 : index
    %get3A_1 = arith.constant 0 : index
    %get3A_2 = vector.load %arg3[%get3A, %get3A_0, %get3A_1] : memref<2x256x128xf32, #tpu.memory_space<vmem>>, vector<2x256x128xf32>
    %slice3A = vector.extract_strided_slice %get3A_2 {offsets = [0, 0, 0], sizes = [1, 256, 1], strides = [1, 1, 1]} : vector<2x256x128xf32> to vector<1x256x1xf32>
    %squeeze3A = vector.shape_cast %slice3A : vector<1x256x1xf32> to vector<256x1xf32>
    %slice3A_3 = vector.extract_strided_slice %get3A_2 {offsets = [1, 0, 0], sizes = [1, 256, 1], strides = [1, 1, 1]} : vector<2x256x128xf32> to vector<1x256x1xf32>
    %squeeze3A_4 = vector.shape_cast %slice3A_3 : vector<1x256x1xf32> to vector<256x1xf32>
    %add3A = arith.addf %squeeze3A, %squeeze3A_4 : vector<256x1xf32>
    %add3A_5 = arith.constant 1.000000e+00 : f32
    %add3A_6 = vector.broadcast %add3A_5 : f32 to vector<256x1xf32>
    %add3A_7 = arith.addf %add3A, %add3A_6 : vector<256x1xf32>
    %rsqrt3A = math.rsqrt %add3A_7 : vector<256x1xf32>
    %get3A_8 = arith.constant 0 : index
    %get3A_9 = arith.constant 0 : index
    %get3A_10 = vector.load %arg1[%get3A_8, %get3A_9] : memref<256x128xf32, #tpu.memory_space<vmem>>, vector<256x128xf32>
    %get3A_11 = arith.constant 0 : index
    %get3A_12 = arith.constant 0 : index
    %get3A_13 = vector.load %arg2[%get3A_11, %get3A_12] : memref<128x128xf32, #tpu.memory_space<vmem>>, vector<128x128xf32>
    %dot_general3A = arith.constant dense<0.000000e+00> : vector<256x128xf32>
    %dot_general3A_14 = tpu.matmul %get3A_10, %get3A_13, %dot_general3A {dimension_numbers = #tpu.dot_dimension_numbers<[1], [0], [0], [1], [0, 0, 1, 1], [], []>, transpose_lhs_hint = false} : vector<256x128xf32>, vector<128x128xf32>, vector<256x128xf32> -> vector<256x128xf32>
    %mul3A = vector.broadcast %rsqrt3A : vector<256x1xf32> to vector<256x128xf32>
    %mul3A_15 = arith.mulf %dot_general3A_14, %mul3A : vector<256x128xf32>
    %swap3A = arith.constant 0 : index
    %swap3A_16 = arith.constant 0 : index
    %swap3A_17 = vector.load %arg4[%swap3A, %swap3A_16] : memref<256x128xf32, #tpu.memory_space<vmem>>, vector<256x128xf32>
    tpu.vector_store %arg4[%swap3A, %swap3A_16], %mul3A_15 {strides = array<i32>} : memref<256x128xf32, #tpu.memory_space<vmem>>, vector<256x128xf32>,
    return
  }
  func.func @transform_0(%arg0: i32) -> (i32, i32) {
    %c0_i32 = arith.constant 0 : i32
    %c0_i32_0 = arith.constant 0 : i32
    return %arg0, %c0_i32 : i32, i32
  }
  func.func @transform_1(%arg0: i32) -> (i32, i32) {
    %c0_i32 = arith.constant 0 : i32
    %c0_i32_0 = arith.constant 0 : i32
    %c0_i32_1 = arith.constant 0 : i32
    return %c0_i32, %c0_i32_0 : i32, i32
  }
  func.func @transform_2(%arg0: i32) -> (i32, i32, i32) {
    %c0_i32 = arith.constant 0 : i32
    %c0_i32_0 = arith.constant 0 : i32
    %c0_i32_1 = arith.constant 0 : i32
    return %c0_i32, %arg0, %c0_i32_0 : i32, i32, i32
  }
  func.func @transform_3(%arg0: i32) -> (i32, i32) {
    %c0_i32 = arith.constant 0 : i32
    %c0_i32_0 = arith.constant 0 : i32
    return %arg0, %c0_i32 : i32, i32
  }
}

module attributes {stable_mosaic.version = 14 : i64} {
  func.func @_tc2_body(%arg0: i32, %arg1: memref<2x256x128xf32, #tpu.memory_space<vmem>>, %arg2: memref<2x256x128xf32, #tpu.memory_space<vmem>>, %arg3: memref<128x128xf32, #tpu.memory_space<vmem>>, %arg4: memref<1x128xf32, #tpu.memory_space<vmem>>, %arg5: memref<256x128xf32, #tpu.memory_space<vmem>>) attributes {dimension_semantics = [#tpu.dimension_semantics<arbitrary>], iteration_bounds = array<i64: 40>, scalar_prefetch = 0 : i64, scratch_operands = 0 : i64, tpu.core_type = #tpu.core_type<tc>, window_params = [{transform_indices = @transform_0, window_bounds = array<i64: 2, 256, 128>}, {transform_indices = @transform_1, window_bounds = array<i64: 2, 256, 128>}, {pipeline_mode = #tpu.pipeline_mode<synchronous>, transform_indices = @transform_2, window_bounds = array<i64: 128, 128>}, {pipeline_mode = #tpu.pipeline_mode<synchronous>, transform_indices = @transform_3, window_bounds = array<i64: 1, 128>}, {transform_indices = @transform_4, window_bounds = array<i64: 256, 128>}]} {
    %get3A = arith.constant 0 : index
    %get3A_0 = arith.constant 0 : index
    %get3A_1 = arith.constant 0 : index
    %get3A_2 = vector.load %arg2[%get3A, %get3A_0, %get3A_1] : memref<2x256x128xf32, #tpu.memory_space<vmem>>, vector<2x256x128xf32>
    %slice3A = vector.extract_strided_slice %get3A_2 {offsets = [0, 0, 0], sizes = [1, 256, 1], strides = [1, 1, 1]} : vector<2x256x128xf32> to vector<1x256x1xf32>
    %squeeze3A = vector.shape_cast %slice3A : vector<1x256x1xf32> to vector<256x1xf32>
    %slice3A_3 = vector.extract_strided_slice %get3A_2 {offsets = [1, 0, 0], sizes = [1, 256, 1], strides = [1, 1, 1]} : vector<2x256x128xf32> to vector<1x256x1xf32>
    %squeeze3A_4 = vector.shape_cast %slice3A_3 : vector<1x256x1xf32> to vector<256x1xf32>
    %add3A = arith.addf %squeeze3A, %squeeze3A_4 : vector<256x1xf32>
    %add3A_5 = arith.constant 1.000000e+00 : f32
    %add3A_6 = vector.broadcast %add3A_5 : f32 to vector<256x1xf32>
    %add3A_7 = arith.addf %add3A, %add3A_6 : vector<256x1xf32>
    %rsqrt3A = math.rsqrt %add3A_7 : vector<256x1xf32>
    %get3A_8 = arith.constant 0 : index
    %get3A_9 = arith.constant 0 : index
    %get3A_10 = arith.constant 0 : index
    %get3A_11 = vector.load %arg1[%get3A_8, %get3A_9, %get3A_10] : memref<2x256x128xf32, #tpu.memory_space<vmem>>, vector<1x256x128xf32>
    %get3A_12 = vector.shape_cast %get3A_11 : vector<1x256x128xf32> to vector<256x128xf32>
    %get3A_13 = arith.constant 1 : index
    %get3A_14 = arith.constant 0 : index
    %get3A_15 = arith.constant 0 : index
    %get3A_16 = vector.load %arg1[%get3A_13, %get3A_14, %get3A_15] : memref<2x256x128xf32, #tpu.memory_space<vmem>>, vector<1x256x128xf32>
    %get3A_17 = vector.shape_cast %get3A_16 : vector<1x256x128xf32> to vector<256x128xf32>
    %add3A_18 = arith.addf %get3A_12, %get3A_17 : vector<256x128xf32>
    %mul3A = vector.broadcast %rsqrt3A : vector<256x1xf32> to vector<256x128xf32>
    %mul3A_19 = arith.mulf %add3A_18, %mul3A : vector<256x128xf32>
    %get3A_20 = arith.constant 0 : index
    %get3A_21 = arith.constant 0 : index
    %get3A_22 = vector.load %arg4[%get3A_20, %get3A_21] : memref<1x128xf32, #tpu.memory_space<vmem>>, vector<1x128xf32>
    %add3A_23 = vector.broadcast %get3A_22 : vector<1x128xf32> to vector<256x128xf32>
    %add3A_24 = arith.addf %mul3A_19, %add3A_23 : vector<256x128xf32>
    %max3A = arith.constant 0.000000e+00 : f32
    %max3A_25 = vector.broadcast %max3A : f32 to vector<256x128xf32>
    %max3A_26 = arith.maximumf %add3A_24, %max3A_25 : vector<256x128xf32>
    %get3A_27 = arith.constant 0 : index
    %get3A_28 = arith.constant 0 : index
    %get3A_29 = vector.load %arg3[%get3A_27, %get3A_28] : memref<128x128xf32, #tpu.memory_space<vmem>>, vector<128x128xf32>
    %dot_general3A = arith.constant dense<0.000000e+00> : vector<256x128xf32>
    %dot_general3A_30 = tpu.matmul %max3A_26, %get3A_29, %dot_general3A {dimension_numbers = #tpu.dot_dimension_numbers<[1], [0], [0], [1], [0, 0, 1, 1], [], []>, transpose_lhs_hint = false} : vector<256x128xf32>, vector<128x128xf32>, vector<256x128xf32> -> vector<256x128xf32>
    %mul3A_31 = vector.broadcast %rsqrt3A : vector<256x1xf32> to vector<256x128xf32>
    %mul3A_32 = arith.mulf %dot_general3A_30, %mul3A_31 : vector<256x128xf32>
    %swap3A = arith.constant 0 : index
    %swap3A_33 = arith.constant 0 : index
    %swap3A_34 = vector.load %arg5[%swap3A, %swap3A_33] : memref<256x128xf32, #tpu.memory_space<vmem>>, vector<256x128xf32>
    tpu.vector_store %arg5[%swap3A, %swap3A_33], %mul3A_32 {strides = array<i32>} : memref<256x128xf32, #tpu.memory_space<vmem>>, vector<256x128xf32>,
    return
  }
  func.func @transform_0(%arg0: i32) -> (i32, i32, i32) {
    %c0_i32 = arith.constant 0 : i32
    %c0_i32_0 = arith.constant 0 : i32
    %c0_i32_1 = arith.constant 0 : i32
    return %c0_i32, %arg0, %c0_i32_0 : i32, i32, i32
  }
  func.func @transform_1(%arg0: i32) -> (i32, i32, i32) {
    %c0_i32 = arith.constant 0 : i32
    %c0_i32_0 = arith.constant 0 : i32
    %c0_i32_1 = arith.constant 0 : i32
    return %c0_i32, %arg0, %c0_i32_0 : i32, i32, i32
  }
  func.func @transform_2(%arg0: i32) -> (i32, i32) {
    %c0_i32 = arith.constant 0 : i32
    %c0_i32_0 = arith.constant 0 : i32
    %c0_i32_1 = arith.constant 0 : i32
    return %c0_i32, %c0_i32_0 : i32, i32
  }
  func.func @transform_3(%arg0: i32) -> (i32, i32) {
    %c0_i32 = arith.constant 0 : i32
    %c0_i32_0 = arith.constant 0 : i32
    %c0_i32_1 = arith.constant 0 : i32
    return %c0_i32, %c0_i32_0 : i32, i32
  }
  func.func @transform_4(%arg0: i32) -> (i32, i32) {
    %c0_i32 = arith.constant 0 : i32
    %c0_i32_0 = arith.constant 0 : i32
    return %arg0, %c0_i32 : i32, i32
  }
}

module attributes {stable_mosaic.version = 14 : i64} {
  func.func @_tc3_body(%arg0: i32, %arg1: memref<2x256x128xf32, #tpu.memory_space<vmem>>, %arg2: memref<2x256x128xf32, #tpu.memory_space<vmem>>, %arg3: memref<1x64xf32, #tpu.memory_space<vmem>>, %arg4: memref<256x64xf32, #tpu.memory_space<vmem>>) attributes {dimension_semantics = [#tpu.dimension_semantics<arbitrary>], iteration_bounds = array<i64: 40>, scalar_prefetch = 0 : i64, scratch_operands = 0 : i64, tpu.core_type = #tpu.core_type<tc>, window_params = [{transform_indices = @transform_0, window_bounds = array<i64: 2, 256, 128>}, {transform_indices = @transform_1, window_bounds = array<i64: 2, 256, 128>}, {pipeline_mode = #tpu.pipeline_mode<synchronous>, transform_indices = @transform_2, window_bounds = array<i64: 1, 64>}, {transform_indices = @transform_3, window_bounds = array<i64: 256, 64>}]} {
    %get3A = arith.constant 0 : index
    %get3A_0 = arith.constant 0 : index
    %get3A_1 = arith.constant 0 : index
    %get3A_2 = vector.load %arg2[%get3A, %get3A_0, %get3A_1] : memref<2x256x128xf32, #tpu.memory_space<vmem>>, vector<2x256x128xf32>
    %slice3A = vector.extract_strided_slice %get3A_2 {offsets = [0, 0, 0], sizes = [1, 256, 1], strides = [1, 1, 1]} : vector<2x256x128xf32> to vector<1x256x1xf32>
    %squeeze3A = vector.shape_cast %slice3A : vector<1x256x1xf32> to vector<256x1xf32>
    %slice3A_3 = vector.extract_strided_slice %get3A_2 {offsets = [1, 0, 0], sizes = [1, 256, 1], strides = [1, 1, 1]} : vector<2x256x128xf32> to vector<1x256x1xf32>
    %squeeze3A_4 = vector.shape_cast %slice3A_3 : vector<1x256x1xf32> to vector<256x1xf32>
    %add3A = arith.addf %squeeze3A, %squeeze3A_4 : vector<256x1xf32>
    %add3A_5 = arith.constant 1.000000e+00 : f32
    %add3A_6 = vector.broadcast %add3A_5 : f32 to vector<256x1xf32>
    %add3A_7 = arith.addf %add3A, %add3A_6 : vector<256x1xf32>
    %rsqrt3A = math.rsqrt %add3A_7 : vector<256x1xf32>
    %get3A_8 = arith.constant 0 : index
    %get3A_9 = arith.constant 0 : index
    %get3A_10 = arith.constant 0 : index
    %get3A_11 = vector.load %arg1[%get3A_8, %get3A_9, %get3A_10] : memref<2x256x128xf32, #tpu.memory_space<vmem>>, vector<1x256x64xf32>
    %get3A_12 = vector.shape_cast %get3A_11 : vector<1x256x64xf32> to vector<256x64xf32>
    %get3A_13 = arith.constant 1 : index
    %get3A_14 = arith.constant 0 : index
    %get3A_15 = arith.constant 0 : index
    %get3A_16 = vector.load %arg1[%get3A_13, %get3A_14, %get3A_15] : memref<2x256x128xf32, #tpu.memory_space<vmem>>, vector<1x256x64xf32>
    %get3A_17 = vector.shape_cast %get3A_16 : vector<1x256x64xf32> to vector<256x64xf32>
    %add3A_18 = arith.addf %get3A_12, %get3A_17 : vector<256x64xf32>
    %mul3A = vector.broadcast %rsqrt3A : vector<256x1xf32> to vector<256x64xf32>
    %mul3A_19 = arith.mulf %add3A_18, %mul3A : vector<256x64xf32>
    %get3A_20 = arith.constant 0 : index
    %get3A_21 = arith.constant 0 : index
    %get3A_22 = vector.load %arg3[%get3A_20, %get3A_21] : memref<1x64xf32, #tpu.memory_space<vmem>>, vector<1x64xf32>
    %add3A_23 = vector.broadcast %get3A_22 : vector<1x64xf32> to vector<256x64xf32>
    %add3A_24 = arith.addf %mul3A_19, %add3A_23 : vector<256x64xf32>
    %swap3A = arith.constant 0 : index
    %swap3A_25 = arith.constant 0 : index
    %swap3A_26 = vector.load %arg4[%swap3A, %swap3A_25] : memref<256x64xf32, #tpu.memory_space<vmem>>, vector<256x64xf32>
    tpu.vector_store %arg4[%swap3A, %swap3A_25], %add3A_24 {strides = array<i32>} : memref<256x64xf32, #tpu.memory_space<vmem>>, vector<256x64xf32>,
    return
  }
  func.func @transform_0(%arg0: i32) -> (i32, i32, i32) {
    %c0_i32 = arith.constant 0 : i32
    %c0_i32_0 = arith.constant 0 : i32
    %c0_i32_1 = arith.constant 0 : i32
    return %c0_i32, %arg0, %c0_i32_0 : i32, i32, i32
  }
  func.func @transform_1(%arg0: i32) -> (i32, i32, i32) {
    %c0_i32 = arith.constant 0 : i32
    %c0_i32_0 = arith.constant 0 : i32
    %c0_i32_1 = arith.constant 0 : i32
    return %c0_i32, %arg0, %c0_i32_0 : i32, i32, i32
  }
  func.func @transform_2(%arg0: i32) -> (i32, i32) {
    %c0_i32 = arith.constant 0 : i32
    %c0_i32_0 = arith.constant 0 : i32
    %c0_i32_1 = arith.constant 0 : i32
    return %c0_i32, %c0_i32_0 : i32, i32
  }
  func.func @transform_3(%arg0: i32) -> (i32, i32) {
    %c0_i32 = arith.constant 0 : i32
    %c0_i32_0 = arith.constant 0 : i32
    return %arg0, %c0_i32 : i32, i32
  }
}

</mosaic_0001>

<sc_bundles>
// kernel: kernel.11.cloned.1.call-start
scs
__scs_entry_jumppad:
0x0: {  	(pc) =	sbr.rel $0x88, $3  }
0x1: {  	(tag) =	ssettag $0x0;
	lr =	simm.s32 $0x1  }
0x2: {  	[smem:$0x3F9B] =	sst lr;
	_ =	strace $0xD0000000  }
0x3: {  	_ = 	snop  }
0x4: {  	_ = 	snop  }
0x5: {  	_ = 	snop  }
0x6: {  	_ = 	snop  }
0x7: {  	_ = 	snop  }
__scs_overlays_trampoline_lowered:
0x8: {  	[smem:$0x3FAA] =	sst s0  }
0x9: {  	[smem:$0x3FAB] =	sst s1  }
0xa: {  	[smem:$0x3FAC] =	sst s2  }
0xb: {  	[smem:$0x3FAD] =	sst s3  }
0xc: {  	[smem:$0x3FAE] =	sst s4  }
0xd: {  	[smem:$0x3FAF] =	sst s5  }
0xe: {  	[smem:$0x3FB0] =	sst s6  }
0xf: {  	[smem:$0x3FB1] =	sst s7  }
0x10: {  	[smem:$0x3FB2] =	sst s8  }
0x11: {  	[smem:$0x3FB3] =	sst s9;
	s0 =	simm.s32 @!p0 $0x0  }
0x12: {  	s1 =	sld [smem:$0x3F99];
	s0 =	simm.s32 @p0 $0x1  }
0x13: {  	[smem:$0x3FB4] =	sst s0;
	s0 =	simm.s32 @!p1 $0x0  }
0x14: {  	s2 =	sld [smem:$0x3F98];
	s0 =	simm.s32 @p1 $0x1  }
0x15: {  	[smem:$0x3FB5] =	sst s0;
	s0 =	simm.s32 @!p2 $0x0  }
0x16: {  	s3 =	sld [smem:$0x3FDB];
	s0 =	simm.s32 @p2 $0x1  }
0x17: {  	s4 =	simm.s32 $0x1BF5;
	[smem:$0x3FB7] =	sst s0  }
0x18: {  	s0 =	sld [smem:$0x3F9A];
	_ =	swait.ge [sflag:s4], $0x0  }
0x19: {  	s7 =	sld [smem:$0x3F9B]  }
0x1a: {  	s8 =	sadd.s32 $0xFFFFE003, lr  }
0x1b: {  	s9 =	sadd.s32 $0xFFFFFEF7, lr;
	s5 =	simm.s32 $0xFFFFFFFF;
	p2 =	slt.u32 s8, $0xFFFFF086  }
0x1c: {  	p1 =	slt.u32 s9, $0xF7A;
	s5 =	simm.s32 @!p2 $0x0  }
0x1d: {  	s5 =	simm.s32 @p1 $0x1;
	p0 =	seq.s32 s7, s2  }
0x1e: {  	s7 =	smul.u32 @!p0 $0xF7A, s2;
	p2 =	seq.s32 @!p0 s5, $0x0  }
0x1f: {  	s9 =	smul.u32 $0xF7A, s1;
	s8 =	simm.s32 @!p0 $0x1BF5;
	p2 =	por !p2, p0  }
0x20: {  	[sflag:s8] =	ssyncset.s32 @!p0 $0xFFFFF086;
	s6 =	sadd.s32 @!p0 s3, s7;
	s7 =	simm.s32 @!p0 $0x108  }
0x21: {  	s3 =	sadd.s32 s3, s9;
	s6 =	sadd.s32 @!p0 $0x88, s6;
	s7 =	simm.s32 @p2 $0x1082  }
0x22: {  	[simem:s7], [sflag:s8] =	dma.local @!p0 [hbm:s6], $0xF7A  }
0x23: {  	s9 =	sor.u32 $0xD0000000, s2;
	s6 =	simm.s32 $0x108;
	_ =	swait.ge @!p0 [sflag:s8], $0x0  }
0x24: {  	s3 =	sadd.s32 $0x88, s3;
	s6 =	simm.s32 @!p1 $0x1082;
	[sflag:s4] =	ssyncset.s32 $0xFFFFF086  }
0x25: {  	[simem:s6], [sflag:s4] =	dma.local [hbm:s3], $0xF7A  }
0x26: {  	[smem:$0x3F9B] =	sst s1;
	(tag) =	ssettag s2;
	_ =	strace s9  }
0x27: {  	s1 =	sld [smem:$0x3FAB]  }
0x28: {  	s2 =	sld [smem:$0x3FAC]  }
0x29: {  	s4 =	sld [smem:$0x3FAE]  }
0x2a: {  	p0 =	seq.s32 s5, $0x0;
	s5 =	sld [smem:$0x3FAF]  }
0x2b: {  	s6 =	sld [smem:$0x3FB0]  }
0x2c: {  	s7 =	sld [smem:$0x3FB1]  }
0x2d: {  	s3 =	simm.s32 $0x108;
	s8 =	sld [smem:$0x3FB2]  }
0x2e: {  	s3 =	simm.s32 @!p0 $0x1082;
	s9 =	sld [smem:$0x3FB3]  }
0x2f: {  	lr =	sadd.s32 s0, s3;
	s0 =	sld [smem:$0x3FAA]  }
0x30: {  	s3 =	sld [smem:$0x3FAD]  }
0x31: {  	[smem:$0x3FB6] =	sst s10  }
0x32: {  	s10 =	sld [smem:$0x3FB4];
	_ =	sdelay $0x3  }
0x33: {  	p0 =	seq.s32 s10, $0x1;
	s10 =	sld [smem:$0x3FB6];
	_ =	sdelay $0x3  }
0x34: {  	[smem:$0x3FB6] =	sst s10  }
0x35: {  	s10 =	sld [smem:$0x3FB5];
	_ =	sdelay $0x3  }
0x36: {  	p1 =	seq.s32 s10, $0x1;
	s10 =	sld [smem:$0x3FB6];
	_ =	sdelay $0x3  }
0x37: {  	[smem:$0x3FB6] =	sst s10  }
0x38: {  	s10 =	sld [smem:$0x3FB7]  }
0x39: {  	_ = 	snop;
	(pc) =	sbr.ind lr, $3  }
0x3a: {  	_ = 	snop  }
0x3b: {  	_ = 	snop  }
0x3c: {  	p2 =	seq.s32 s10, $0x1;
	s10 =	sld [smem:$0x3FB6]  }
0x3d: {  	_ =	shalt  }
0x3e: {  	_ =	shalt  }
0x3f: {  	_ =	shalt  }
0x40: {  	_ =	shalt  }
0x41: {  	_ =	shalt  }
0x42: {  	_ =	shalt  }
0x43: {  	_ =	shalt  }
0x44: {  	_ =	shalt  }
0x45: {  	_ =	shalt  }
0x46: {  	_ =	shalt  }
0x47: {  	_ =	shalt  }
0x48: {  	_ =	shalt  }
0x49: {  	_ =	shalt  }
0x4a: {  	_ =	shalt  }
0x4b: {  	_ =	shalt  }
0x4c: {  	_ =	shalt  }
0x4d: {  	_ =	shalt  }
0x4e: {  	_ =	shalt  }
0x4f: {  	_ =	shalt  }
0x50: {  	_ =	shalt  }
0x51: {  	_ =	shalt  }
0x52: {  	_ =	shalt  }
0x53: {  	_ =	shalt  }
0x54: {  	_ =	shalt  }
0x55: {  	_ =	shalt  }
0x56: {  	_ =	shalt  }
0x57: {  	_ =	shalt  }
0x58: {  	_ =	shalt  }
0x59: {  	_ =	shalt  }
0x5a: {  	_ =	shalt  }
0x5b: {  	_ =	shalt  }
0x5c: {  	_ =	shalt  }
0x5d: {  	_ =	shalt  }
0x5e: {  	_ =	shalt  }
0x5f: {  	_ =	shalt  }
0x60: {  	_ =	shalt  }
0x61: {  	_ =	shalt  }
0x62: {  	_ =	shalt  }
0x63: {  	_ =	shalt  }
0x64: {  	_ =	shalt  }
0x65: {  	_ =	shalt  }
0x66: {  	_ =	shalt  }
0x67: {  	_ =	shalt  }
0x68: {  	_ =	shalt  }
0x69: {  	_ =	shalt  }
0x6a: {  	_ =	shalt  }
0x6b: {  	_ =	shalt  }
0x6c: {  	_ =	shalt  }
0x6d: {  	_ =	shalt  }
0x6e: {  	_ =	shalt  }
0x6f: {  	_ =	shalt  }
0x70: {  	_ =	shalt  }
0x71: {  	_ =	shalt  }
0x72: {  	_ =	shalt  }
0x73: {  	_ =	shalt  }
0x74: {  	_ =	shalt  }
0x75: {  	_ =	shalt  }
0x76: {  	_ =	shalt  }
0x77: {  	_ =	shalt  }
0x78: {  	_ =	shalt  }
0x79: {  	_ =	shalt  }
0x7a: {  	_ =	shalt  }
0x7b: {  	_ =	shalt  }
0x7c: {  	_ =	shalt  }
0x7d: {  	_ =	shalt  }
0x7e: {  	_ =	shalt  }
0x7f: {  	_ =	shalt  }
0x80: {  	_ =	shalt  }
0x81: {  	_ =	shalt  }
0x82: {  	_ =	shalt  }
0x83: {  	_ =	shalt  }
0x84: {  	_ =	shalt  }
0x85: {  	_ =	shalt  }
0x86: {  	_ =	shalt  }
0x87: {  	_ =	shalt  }
.Lfunc_end0:
.L_simem_size_0:
called_computation.1_lowered:
.L_overlay_start_0:
0x88: {  	s2 =	sld [smem:$0x3FD9]  }
0x89: {  	s3 =	sld [smem:$0x3FFE];
	_ =	sdelay $0x1  }
0x8a: {  	s1 =	srdreg.scid  }
0x8b: {  	s0 =	sand.u32 $0x1, s1  }
0x8c: {  	s17 =	sshll.u32 s0, $0xA;
	s2 =	sadd.s32 s3, s2  }
0x8d: {  	s2 =	sadd.s32 s2, s17  }
0x8e: {  	[smem:$0x3FC2] =	sst s2  }
0x8f: {  	_ = 	snop  }
0x90: {  	s2 =	sld [smem:$0x3FD0];
	(tm) =	ssettm $0x1  }
0x91: {  	s18 =	sld [smem:$0x3FFB];
	_ =	sdelay $0x3  }
0x92: {  	_ =	strace s18  }
0x93: {  	s3 =	sld [smem:$0x3FFC];
	_ =	sdelay $0x3  }
0x94: {  	_ =	strace s3  }
0x95: {  	s3 =	sld [smem:$0x3FFD];
	_ =	sdelay $0x3  }
0x96: {  	_ =	strace s3  }
0x97: {  	_ =	strace $0x8FFFFFFF  }
0x98: {  	s19 =	sld [smem:$0x3FDB];
	_ =	sdelay $0x1  }
0x99: {  	s4 =	simm.s32 $_scs_section_size  }
0x9a: {  	s5 =	simm.s32 $_size__tile_overlayer_lowered;
	s6 =	simm.s32 $_tile_overlayer_lowered  }
0x9b: {  	s22 =	simm.s32 $0x1BFF;
	s21 =	sshll.u32 s6, $0x1;
	s3 =	sadd.s32 s4, s19  }
0x9c: {  	s7 =	simm.s32 $0x0;
	s20 =	sshll.u32 s5, $0x1;
	s5 =	sadd.s32 s21, s3  }
0x9d: {  	[timem:s7], [sflag:s22] =	dma.local [hbm:s5], s20  }
0x9e: {  	_ =	swait.ge [sflag:s22], s20  }
0x9f: {  	s4 =	ssub.s32 $0x0, s20;
	[sflag:s22] =	ssyncset.done $0x0  }
0xa0: {  	[sflag:s22] =	ssyncadd.s32 s4;
	_ =	sdelay $0x1  }
0xa1: {  	s23 =	simm.s32 $0x1B8B  }
0xa2: {  	_ =	swait.ge [sflag:s23], $0x1  }
0xa3: {  	[sflag:s23] =	ssyncset.done $0x0  }
0xa4: {  	s25 =	simm.s32 $0x1B8E;
	s24 =	sld [smem:$0x3FFE];
	[sflag:s23] =	ssyncadd.s32 $0xFFFFFFFF  }
0xa5: {  	s26 =	simm.s32 $execute0_lowered;
	[smem:$0x3FD2] =	sst s25  }
0xa6: {  	s5 =	sshll.u32 s26, $0x1;
	_ =	strace $0x80000049;
	[dreg:$0x1] =	wrdreg $0xFFFFFFFF  }
0xa7: {  	s28 =	simm.s32 $_size_execute0_lowered;
	s3 =	sadd.s32 s3, s5;
	[dreg:$0x0] =	wrdreg $0x0  }
0xa8: {  	s5 =	sshll.u32 s28, $0x1;
	[dreg:$0x2] =	wrdreg s3  }
0xa9: {  	[dreg:$0x3] =	wrdreg s5  }
0xaa: {  	[dreg:$0x4] =	wrdreg $0xC0  }
0xab: {  	_ =	task [dreg:s7], $0x5FFFF  }
0xac: {  	[dreg:$0x1] =	wrdreg $0xFFFFFFFF  }
0xad: {  	[dreg:$0x0] =	wrdreg $0x60  }
0xae: {  	[dreg:$0x2] =	wrdreg s24  }
0xaf: {  	[dreg:$0x3] =	wrdreg s2  }
0xb0: {  	[dreg:$0x4] =	wrdreg $0xA8000  }
0xb1: {  	[dreg:$0x5] =	wrdreg $0x9  }
0xb2: {  	_ =	task.clear_ibuf [dreg:s7], $0x6FFFF;
	_ =	strace $0x90000049  }
0xb3: {  	s29 =	simm.s32 $0x9;
	_ =	strace $0x8000004B  }
0xb4: {  	_ =	swait.ge [sflag:s29], $0x1  }
0xb5: {  	[sflag:s29] =	ssyncadd.s32 $0xFFFFFFFF  }
0xb6: {  	_ =	strace $0x9000004B  }
0xb7: {  	_ =	sfence  }
0xb8: {  	s30 =	sld [smem:$0x0];
	_ =	sdelay $0x2  }
0xb9: {  	s31 =	sshll.u32 s1, $0xD;
	s1 =	sshrl.u32 s1, $0x2  }
0xba: {  	s3 =	sand.u32 $0x4000, s31;
	s1 =	sadd.s32 s1, s30  }
0xbb: {  	s0 =	sor.u32 s3, s0;
	s1 =	sshll.u32 s1, $0x11  }
0xbc: {  	s0 =	sor.u32 s1, s0  }
0xbd: {  	s0 =	sadd.s32 $0x8F2B, s0  }
0xbe: {  	[sflag:s0] =	ssyncadd.remote.s32 $0x1  }
0xbf: {  	_ =	sfence.sel $0xFFFF  }
0xc0: {  	[dreg:$0x0] =	wrdreg $0xFFFFFFFF;
	(pc) =	sbr.abs _section_cstart, $3  }
0xc1: {  	[dreg:$0x1] =	wrdreg $0xFFFFFFFF  }
0xc2: {  	_ =	task.clear_ibuf [dreg:s7], $0x2FFFF;
	_ =	strace $0x9FFFFFFF  }
0xc3: {  	(tm) =	ssettm $0x7FFFFFFF  }
tec
execute0_lowered:
.L_overlay_start_1:
0x0: {  	(tag) =	ssettag $0x1  }
0x1: {  	s5 =	rddreg [dreg:$0x0]  }
0x2: {  	s8 =	rddreg [dreg:$0x1]  }
0x3: {  	s1 =	rddreg [dreg:$0x2]  }
0x4: {  	s2 =	srdreg.scid;
	s0 =	rddreg [dreg:$0x3];
	s3 =	simm.s32 $0x0  }
0x5: {  	s16 =	simm.s32 $0x80;
	s17 =	simm.s32 $0x2800;
	s18 =	simm.s32 $0x6800  }
0x6: {  	s19 =	simm.s32 $0x1;
	s20 =	simm.s32 $0x3;
	s21 =	simm.s32 $0x2  }
0x7: {  	s22 =	simm.s32 $0x4;
	s23 =	simm.s32 $0x2700;
	s6 =	sand.u32 $0x1, s2  }
0x8: {  	s2 =	stileid.u32;
	[smem:$0x7FF] =	sst s3;
	s4 =	sadd.s32 $0x82E00, s5  }
0x9: {  	s11 =	sadd.s32 $0x1E00, s5;
	s24 =	sadd.s32 $0x78E00, s5;
	s7 =	smul.u32 $0x13C000, s6  }
0xa: {  	s9 =	smul.u32 $0x13C00, s2;
	_ =	strace $0x8000004A;
	s10 =	sshll.u32 s6, $0x4  }
0xb: {  	s12 =	ssub.s32 $0x2, s6;
	s13 =	smul.u32 $0x4F000, s2;
	p0 =	seq.s32 s6, $0x0  }
0xc: {  	s30 =	smul.u32 $0x2780, s2;
	s31 =	sshll.u32 s2, $0x6;
	s10 =	sor.u32 s2, s10  }
0xd: {  	s25 =	sshrl.u32 s12, $0x1;
	s11 =	smov.u32 @p0 s4;
	s7 =	sadd.s32 s9, s7  }
0xe: {  	s26 =	smul.u32 $0x2800, s10;
	s28 =	ssub.s32 s12, s25;
	s29 =	sshrl.u32 s13, $0x2  }
0xf: {  	s11 =	sadd.s32 s11, s30;
	s12 =	sor.u32 $0x1C05, s31;
	s25 =	simm.s32 $0x0  }
0x10: {  	s7 =	sshrl.u32 s7, $0x3;
	s13 =	sadd.s32 s29, s1;
	s10 =	smax.u32 s28, $0x1  }
0x11: {  	s14 =	sadd.s32 s7, s5;
	s7 =	sshrl.u32 s26, $0x3;
	s13 =	sshrl.u32 s13, $0x3  }
0x12: {  	s5 =	sadd.s32 s24, s7;
	s6 =	sadd.s32 s8, s7;
	s15 =	sadd.s32 $0x280, s7  }
0x13: {  	s9 =	sadd.s32 $0xAA600, s14;
	s14 =	simm.s32 $0x5;
	s7 =	sadd.s32 s24, s15  }
0x14: {  	s8 =	sadd.s32 s8, s15;
	s15 =	simm.s32 $0x1400;
	s24 =	simm.s32 $0x2780  }
.LBB2_1:
0x15: {  	[spmem:s13], [sflag:s12] =	dma.local [hbm:s11], $0x2780  }
0x16: {  	_ =	swait.ge [sflag:s14], $0x2780  }
0x17: {  	[sflag:s14] =	ssyncset.done $0x0  }
0x18: {  	[sflag:s14] =	ssyncadd.s32 $0xFFFFD880  }
0x19: {  	[bflag:$0x0] =	sbarrier.arrive $0xFFFF  }
0x1a: {  	[tilespmem:s3], [sflag:$0x5] =	stream.linear.gather [hbm4b:s5+s3], $0x1400, $0x38;
	[tilespmem:$0x1E400] =	vst v63  }
0x1b: {  	_ =	swait.ge [sflag:s14], $0x1400  }
0x1c: {  	[sflag:s14] =	ssyncset.done $0x0  }
0x1d: {  	[sflag:s14] =	ssyncadd.s32 $0xFFFFEC00  }
0x1e: {  	[tilespmem:s15], [sflag:$0x5] =	stream.linear.gather [hbm4b:s6+s3], $0x1400, $0x38;
	[tilespmem:$0x1E400] =	vst v63  }
0x1f: {  	_ =	swait.ge [sflag:s14], $0x1400  }
0x20: {  	[sflag:s14] =	ssyncset.done $0x0  }
0x21: {  	[sflag:s14] =	ssyncadd.s32 $0xFFFFEC00  }
0x22: {  	[tilespmem:s17], [sflag:$0x1] =	stream.indirect.gather [hbm4b:s4+s16], $0x80, s3, s16, $0xb8;
	[tilespmem:$0x1E400] =	vst v63  }
0x23: {  	_ = 	snop  }
0x24: {  	[tilespmem:s18], [sflag:$0x2] =	stream.indirect.gather [hbm4b:s4+s16], $0x80, s16, s16, $0xb8;
	[tilespmem:$0x1E400] =	vst v63  }
0x25: {  	_ =	swait.ge [sflag:s19], $0x4000  }
0x26: {  	[sflag:s19] =	ssyncset.done $0x0  }
0x27: {  	s26 =	simm.s32 $0x1400;
	[sflag:s19] =	ssyncadd.s32 $0xFFFFC000  }
0x28: {  	[spmem:s1] =	stream.indirect.scatter.add.f32 [tilespmem:s17], [sflag:$0x3], $0x80, s26, s16, $0xb8;
	[tilespmem:$0x1E400] =	vst v63  }
0x29: {  	_ =	swait.ge [sflag:s20], $0x4000  }
0x2a: {  	[sflag:s20] =	ssyncset.done $0x0  }
0x2b: {  	s30 =	simm.s32 $0x100;
	[sflag:s20] =	ssyncadd.s32 $0xFFFFC000  }
0x2c: {  	[tilespmem:s17], [sflag:$0x1] =	stream.indirect.gather [hbm4b:s4+s16], $0x80, s30, s16, $0xb8;
	[tilespmem:$0x1E400] =	vst v63  }
0x2d: {  	_ =	swait.ge [sflag:s21], $0x4000  }
0x2e: {  	[sflag:s21] =	ssyncset.done $0x0  }
0x2f: {  	s31 =	simm.s32 $0x1480;
	[sflag:s21] =	ssyncadd.s32 $0xFFFFC000  }
0x30: {  	[spmem:s1] =	stream.indirect.scatter.add.f32 [tilespmem:s18], [sflag:$0x4], $0x80, s31, s16, $0xb8;
	[tilespmem:$0x1E400] =	vst v63  }
0x31: {  	_ =	swait.ge [sflag:s22], $0x4000  }
0x32: {  	[sflag:s22] =	ssyncset.done $0x0  }
0x33: {  	s28 =	simm.s32 $0x180;
	s26 =	simm.s32 $0x400;
	[sflag:s22] =	ssyncadd.s32 $0xFFFFC000  }
.LBB2_2:
0x34: {  	[tilespmem:s18], [sflag:$0x2] =	stream.indirect.gather [hbm4b:s4+s16], $0x80, s28, s16, $0xb8;
	[tilespmem:$0x1E400] =	vst v63  }
0x35: {  	s28 =	smov.u32 s26  }
0x36: {  	p0 =	sne.s32 s26, $0x4800;
	s26 =	sadd.s32 $0x400, s26;
	_ =	swait.ge [sflag:s19], $0x4000  }
0x37: {  	s28 =	sshra.s32 s28, $0x2;
	[sflag:s19] =	ssyncset.done $0x0  }
0x38: {  	s29 =	sadd.s32 $0x1400, s28;
	[sflag:s19] =	ssyncadd.s32 $0xFFFFC000  }
0x39: {  	[spmem:s1] =	stream.indirect.scatter.add.f32 [tilespmem:s17], [sflag:$0x3], $0x80, s29, s16, $0xb8;
	[tilespmem:$0x1E400] =	vst v63  }
0x3a: {  	_ =	swait.ge [sflag:s20], $0x4000  }
0x3b: {  	[sflag:s20] =	ssyncset.done $0x0  }
0x3c: {  	s29 =	sadd.s32 $0x100, s28;
	[sflag:s20] =	ssyncadd.s32 $0xFFFFC000  }
0x3d: {  	[tilespmem:s17], [sflag:$0x1] =	stream.indirect.gather [hbm4b:s4+s16], $0x80, s29, s16, $0xb8;
	[tilespmem:$0x1E400] =	vst v63  }
0x3e: {  	_ =	swait.ge [sflag:s21], $0x4000  }
0x3f: {  	[sflag:s21] =	ssyncset.done $0x0  }
.Ltmp0:
0x40: {  	s29 =	sadd.s32 $0x1480, s28;
	[sflag:s21] =	ssyncadd.s32 $0xFFFFC000;
	(pc) =	sbr.rel @p0 .LBB2_2-.Ltmp0, $4  }
0x41: {  	[spmem:s1] =	stream.indirect.scatter.add.f32 [tilespmem:s18], [sflag:$0x4], $0x80, s29, s16, $0xb8;
	[tilespmem:$0x1E400] =	vst v63  }
0x42: {  	_ =	swait.ge [sflag:s22], $0x4000  }
0x43: {  	[sflag:s22] =	ssyncset.done $0x0  }
0x44: {  	s28 =	sadd.s32 $0x180, s28;
	[sflag:s22] =	ssyncadd.s32 $0xFFFFC000  }
0x45: {  	[tilespmem:s18], [sflag:$0x2] =	stream.indirect.gather [hbm4b:s4+s16], $0x80, s28, s16, $0xb8;
	[tilespmem:$0x1E400] =	vst v63  }
0x46: {  	_ =	swait.ge [sflag:s19], $0x4000  }
0x47: {  	[sflag:s19] =	ssyncset.done $0x0  }
0x48: {  	[sflag:s19] =	ssyncadd.s32 $0xFFFFC000  }
0x49: {  	[spmem:s1] =	stream.indirect.scatter.add.f32 [tilespmem:s17], [sflag:$0x3], $0x80, s23, s16, $0xb8;
	[tilespmem:$0x1E400] =	vst v63  }
0x4a: {  	_ =	swait.ge [sflag:s20], $0x4000  }
0x4b: {  	[sflag:s20] =	ssyncset.done $0x0  }
0x4c: {  	[sflag:s20] =	ssyncadd.s32 $0xFFFFC000  }
0x4d: {  	_ =	swait.ge [sflag:s21], $0x4000  }
0x4e: {  	[sflag:s21] =	ssyncset.done $0x0  }
0x4f: {  	[sflag:s21] =	ssyncadd.s32 $0xFFFFC000  }
0x50: {  	[spmem:s1] =	stream.indirect.scatter.add.f32 [tilespmem:s18], [sflag:$0x4], $0x80, s24, s16, $0xb8;
	[tilespmem:$0x1E400] =	vst v63  }
0x51: {  	_ =	swait.ge [sflag:s22], $0x4000  }
0x52: {  	[sflag:s22] =	ssyncset.done $0x0  }
0x53: {  	s26 =	simm.s32 $0x0;
	[sflag:s22] =	ssyncadd.s32 $0xFFFFC000  }
0x54: {  	[tilespmem:s26], [sflag:$0x5] =	stream.linear.gather [hbm4b:s7+s26], $0x1400, $0x38;
	[tilespmem:$0x1E400] =	vst v63  }
0x55: {  	_ =	swait.ge [sflag:s14], $0x1400  }
0x56: {  	[sflag:s14] =	ssyncset.done $0x0  }
0x57: {  	[sflag:s14] =	ssyncadd.s32 $0xFFFFEC00  }
0x58: {  	[tilespmem:s15], [sflag:$0x5] =	stream.linear.gather [hbm4b:s8+s26], $0x1400, $0x38;
	[tilespmem:$0x1E400] =	vst v63  }
0x59: {  	_ =	swait.ge [sflag:s14], $0x1400  }
0x5a: {  	[sflag:s14] =	ssyncset.done $0x0  }
0x5b: {  	[sflag:s14] =	ssyncadd.s32 $0xFFFFEC00  }
0x5c: {  	[tilespmem:s17], [sflag:$0x1] =	stream.indirect.gather [hbm4b:s4+s16], $0x80, s26, s16, $0xb8;
	[tilespmem:$0x1E400] =	vst v63  }
0x5d: {  	_ = 	snop  }
0x5e: {  	[tilespmem:s18], [sflag:$0x2] =	stream.indirect.gather [hbm4b:s4+s16], $0x80, s16, s16, $0xb8;
	[tilespmem:$0x1E400] =	vst v63  }
0x5f: {  	_ =	swait.ge [sflag:s19], $0x4000  }
0x60: {  	[sflag:s19] =	ssyncset.done $0x0  }
0x61: {  	s29 =	simm.s32 $0x1400;
	[sflag:s19] =	ssyncadd.s32 $0xFFFFC000  }
0x62: {  	[spmem:s1] =	stream.indirect.scatter.add.f32 [tilespmem:s17], [sflag:$0x3], $0x80, s29, s16, $0xb8;
	[tilespmem:$0x1E400] =	vst v63  }
0x63: {  	_ =	swait.ge [sflag:s20], $0x4000  }
0x64: {  	[sflag:s20] =	ssyncset.done $0x0  }
0x65: {  	s30 =	simm.s32 $0x100;
	[sflag:s20] =	ssyncadd.s32 $0xFFFFC000  }
0x66: {  	[tilespmem:s17], [sflag:$0x1] =	stream.indirect.gather [hbm4b:s4+s16], $0x80, s30, s16, $0xb8;
	[tilespmem:$0x1E400] =	vst v63  }
0x67: {  	_ =	swait.ge [sflag:s21], $0x4000  }
0x68: {  	[sflag:s21] =	ssyncset.done $0x0  }
0x69: {  	s31 =	simm.s32 $0x1480;
	[sflag:s21] =	ssyncadd.s32 $0xFFFFC000  }
0x6a: {  	[spmem:s1] =	stream.indirect.scatter.add.f32 [tilespmem:s18], [sflag:$0x4], $0x80, s31, s16, $0xb8;
	[tilespmem:$0x1E400] =	vst v63  }
0x6b: {  	_ =	swait.ge [sflag:s22], $0x4000  }
0x6c: {  	[sflag:s22] =	ssyncset.done $0x0  }
0x6d: {  	s28 =	simm.s32 $0x180;
	s26 =	simm.s32 $0x400;
	[sflag:s22] =	ssyncadd.s32 $0xFFFFC000  }
.LBB2_4:
0x6e: {  	[tilespmem:s18], [sflag:$0x2] =	stream.indirect.gather [hbm4b:s4+s16], $0x80, s28, s16, $0xb8;
	[tilespmem:$0x1E400] =	vst v63  }
0x6f: {  	s28 =	smov.u32 s26  }
0x70: {  	p0 =	sne.s32 s26, $0x4800;
	s26 =	sadd.s32 $0x400, s26;
	_ =	swait.ge [sflag:s19], $0x4000  }
0x71: {  	s28 =	sshra.s32 s28, $0x2;
	[sflag:s19] =	ssyncset.done $0x0  }
0x72: {  	s29 =	sadd.s32 $0x1400, s28;
	[sflag:s19] =	ssyncadd.s32 $0xFFFFC000  }
0x73: {  	[spmem:s1] =	stream.indirect.scatter.add.f32 [tilespmem:s17], [sflag:$0x3], $0x80, s29, s16, $0xb8;
	[tilespmem:$0x1E400] =	vst v63  }
0x74: {  	_ =	swait.ge [sflag:s20], $0x4000  }
0x75: {  	[sflag:s20] =	ssyncset.done $0x0  }
0x76: {  	s29 =	sadd.s32 $0x100, s28;
	[sflag:s20] =	ssyncadd.s32 $0xFFFFC000  }
0x77: {  	[tilespmem:s17], [sflag:$0x1] =	stream.indirect.gather [hbm4b:s4+s16], $0x80, s29, s16, $0xb8;
	[tilespmem:$0x1E400] =	vst v63  }
0x78: {  	_ =	swait.ge [sflag:s21], $0x4000  }
0x79: {  	[sflag:s21] =	ssyncset.done $0x0  }
.Ltmp1:
0x7a: {  	s29 =	sadd.s32 $0x1480, s28;
	[sflag:s21] =	ssyncadd.s32 $0xFFFFC000;
	(pc) =	sbr.rel @p0 .LBB2_4-.Ltmp1, $4  }
0x7b: {  	[spmem:s1] =	stream.indirect.scatter.add.f32 [tilespmem:s18], [sflag:$0x4], $0x80, s29, s16, $0xb8;
	[tilespmem:$0x1E400] =	vst v63  }
0x7c: {  	_ =	swait.ge [sflag:s22], $0x4000  }
0x7d: {  	[sflag:s22] =	ssyncset.done $0x0  }
0x7e: {  	s28 =	sadd.s32 $0x180, s28;
	[sflag:s22] =	ssyncadd.s32 $0xFFFFC000  }
0x7f: {  	[tilespmem:s18], [sflag:$0x2] =	stream.indirect.gather [hbm4b:s4+s16], $0x80, s28, s16, $0xb8;
	[tilespmem:$0x1E400] =	vst v63  }
0x80: {  	_ =	swait.ge [sflag:s19], $0x4000  }
0x81: {  	[sflag:s19] =	ssyncset.done $0x0  }
0x82: {  	[sflag:s19] =	ssyncadd.s32 $0xFFFFC000  }
0x83: {  	[spmem:s1] =	stream.indirect.scatter.add.f32 [tilespmem:s17], [sflag:$0x3], $0x80, s23, s16, $0xb8;
	[tilespmem:$0x1E400] =	vst v63  }
0x84: {  	_ =	swait.ge [sflag:s20], $0x4000  }
0x85: {  	[sflag:s20] =	ssyncset.done $0x0  }
0x86: {  	[sflag:s20] =	ssyncadd.s32 $0xFFFFC000  }
0x87: {  	_ =	swait.ge [sflag:s21], $0x4000  }
0x88: {  	[sflag:s21] =	ssyncset.done $0x0  }
0x89: {  	[sflag:s21] =	ssyncadd.s32 $0xFFFFC000  }
0x8a: {  	[spmem:s1] =	stream.indirect.scatter.add.f32 [tilespmem:s18], [sflag:$0x4], $0x80, s24, s16, $0xb8;
	[tilespmem:$0x1E400] =	vst v63  }
0x8b: {  	_ =	swait.ge [sflag:s22], $0x4000  }
0x8c: {  	s25 =	sadd.s32 $0x1, s25;
	[sflag:s22] =	ssyncset.done $0x0  }
0x8d: {  	p0 =	sne.s32 s25, s10;
	[sflag:s22] =	ssyncadd.s32 $0xFFFFC000  }
.Ltmp2:
0x8e: {  	[bflag:$0x0] =	sbarrier.arrive $0xFFFF;
	(pc) =	sbr.rel @p0 .LBB2_1-.Ltmp2, $4  }
0x8f: {  	[hbm:s9], [sflag:s12] =	dma.local [spmem:s13], $0x2780  }
0x90: {  	_ =	swait.ge [sflag:s14], $0x2780  }
0x91: {  	[sflag:s14] =	ssyncset.done $0x0  }
0x92: {  	[sflag:s14] =	ssyncadd.s32 $0xFFFFD880  }
0x93: {  	_ =	sfence.sel $0x180000  }
0x94: {  	[bflag:$0x0] =	sbarrier.arrive $0xFFFF  }
0x95: {  	p0 =	sne.s32 s2, $0x0;
	_ =	strace $0x9000004A  }
0x96: {  	s0 =	sadd.s32 @!p0 $0x100000, s0;
	[bflag:$0x2] =	sbarrier.arrive $0xFFFF  }
0x97: {  	[sflag:s0] =	ssyncadd.tile.s32 @!p0 $0x1;
	_ =	shalt  }
.Lfunc_end2:
_tile_overlayer_lowered:
.L_overlay_start_2:
0x98: {  	(tag) =	ssettag $0x2  }
0x99: {  	s0 =	rddreg [dreg:$0x0];
	s2 =	stileid.u32  }
0x9a: {  	s1 =	rddreg [dreg:$0x1];
	p0 =	sne.s32 s2, $0x0  }
0x9b: {  	s3 =	rddreg [dreg:$0x2];
	[bflag:$0x3] =	sbarrier.arrive $0xFFFF;
	s2 =	simm.s32 @!p0 $0x1C05  }
0x9c: {  	[timem:s3], [sflag:s2] =	dma.local @!p0 [hbm:s0], s1  }
0x9d: {  	s0 =	simm.s32 @!p0 $0x5  }
0x9e: {  	_ =	swait.ge @!p0 [sflag:s0], s1  }
0x9f: {  	s1 =	ssub.s32 @!p0 $0x0, s1;
	[sflag:s0] =	ssyncset.done @!p0 $0x0  }
0xa0: {  	[sflag:s0] =	ssyncadd.s32 @!p0 s1  }
0xa1: {  	[bflag:$0x3] =	sbarrier.arrive $0xFFFF  }
0xa2: {  	_ =	shalt  }

// kernel: kernel.14.cloned.1.call-start
scs
__scs_entry_jumppad:
0x0: {  	(pc) =	sbr.rel $0x88, $3  }
0x1: {  	(tag) =	ssettag $0x0;
	lr =	simm.s32 $0x1  }
0x2: {  	[smem:$0x3F9B] =	sst lr;
	_ =	strace $0xD0000000  }
0x3: {  	_ = 	snop  }
0x4: {  	_ = 	snop  }
0x5: {  	_ = 	snop  }
0x6: {  	_ = 	snop  }
0x7: {  	_ = 	snop  }
__scs_overlays_trampoline_lowered:
0x8: {  	[smem:$0x3FAA] =	sst s0  }
0x9: {  	[smem:$0x3FAB] =	sst s1  }
0xa: {  	[smem:$0x3FAC] =	sst s2  }
0xb: {  	[smem:$0x3FAD] =	sst s3  }
0xc: {  	[smem:$0x3FAE] =	sst s4  }
0xd: {  	[smem:$0x3FAF] =	sst s5  }
0xe: {  	[smem:$0x3FB0] =	sst s6  }
0xf: {  	[smem:$0x3FB1] =	sst s7  }
0x10: {  	[smem:$0x3FB2] =	sst s8  }
0x11: {  	[smem:$0x3FB3] =	sst s9;
	s0 =	simm.s32 @!p0 $0x0  }
0x12: {  	s1 =	sld [smem:$0x3F99];
	s0 =	simm.s32 @p0 $0x1  }
0x13: {  	[smem:$0x3FB4] =	sst s0;
	s0 =	simm.s32 @!p1 $0x0  }
0x14: {  	s2 =	sld [smem:$0x3F98];
	s0 =	simm.s32 @p1 $0x1  }
0x15: {  	[smem:$0x3FB5] =	sst s0;
	s0 =	simm.s32 @!p2 $0x0  }
0x16: {  	s3 =	sld [smem:$0x3FDB];
	s0 =	simm.s32 @p2 $0x1  }
0x17: {  	s4 =	simm.s32 $0x1BF5;
	[smem:$0x3FB7] =	sst s0  }
0x18: {  	s0 =	sld [smem:$0x3F9A];
	_ =	swait.ge [sflag:s4], $0x0  }
0x19: {  	s7 =	sld [smem:$0x3F9B]  }
0x1a: {  	s8 =	sadd.s32 $0xFFFFE003, lr  }
0x1b: {  	s9 =	sadd.s32 $0xFFFFFEF7, lr;
	s5 =	simm.s32 $0xFFFFFFFF;
	p2 =	slt.u32 s8, $0xFFFFF086  }
0x1c: {  	p1 =	slt.u32 s9, $0xF7A;
	s5 =	simm.s32 @!p2 $0x0  }
0x1d: {  	s5 =	simm.s32 @p1 $0x1;
	p0 =	seq.s32 s7, s2  }
0x1e: {  	s7 =	smul.u32 @!p0 $0xF7A, s2;
	p2 =	seq.s32 @!p0 s5, $0x0  }
0x1f: {  	s9 =	smul.u32 $0xF7A, s1;
	s8 =	simm.s32 @!p0 $0x1BF5;
	p2 =	por !p2, p0  }
0x20: {  	[sflag:s8] =	ssyncset.s32 @!p0 $0xFFFFF086;
	s6 =	sadd.s32 @!p0 s3, s7;
	s7 =	simm.s32 @!p0 $0x108  }
0x21: {  	s3 =	sadd.s32 s3, s9;
	s6 =	sadd.s32 @!p0 $0x88, s6;
	s7 =	simm.s32 @p2 $0x1082  }
0x22: {  	[simem:s7], [sflag:s8] =	dma.local @!p0 [hbm:s6], $0xF7A  }
0x23: {  	s9 =	sor.u32 $0xD0000000, s2;
	s6 =	simm.s32 $0x108;
	_ =	swait.ge @!p0 [sflag:s8], $0x0  }
0x24: {  	s3 =	sadd.s32 $0x88, s3;
	s6 =	simm.s32 @!p1 $0x1082;
	[sflag:s4] =	ssyncset.s32 $0xFFFFF086  }
0x25: {  	[simem:s6], [sflag:s4] =	dma.local [hbm:s3], $0xF7A  }
0x26: {  	[smem:$0x3F9B] =	sst s1;
	(tag) =	ssettag s2;
	_ =	strace s9  }
0x27: {  	s1 =	sld [smem:$0x3FAB]  }
0x28: {  	s2 =	sld [smem:$0x3FAC]  }
0x29: {  	s4 =	sld [smem:$0x3FAE]  }
0x2a: {  	p0 =	seq.s32 s5, $0x0;
	s5 =	sld [smem:$0x3FAF]  }
0x2b: {  	s6 =	sld [smem:$0x3FB0]  }
0x2c: {  	s7 =	sld [smem:$0x3FB1]  }
0x2d: {  	s3 =	simm.s32 $0x108;
	s8 =	sld [smem:$0x3FB2]  }
0x2e: {  	s3 =	simm.s32 @!p0 $0x1082;
	s9 =	sld [smem:$0x3FB3]  }
0x2f: {  	lr =	sadd.s32 s0, s3;
	s0 =	sld [smem:$0x3FAA]  }
0x30: {  	s3 =	sld [smem:$0x3FAD]  }
0x31: {  	[smem:$0x3FB6] =	sst s10  }
0x32: {  	s10 =	sld [smem:$0x3FB4];
	_ =	sdelay $0x3  }
0x33: {  	p0 =	seq.s32 s10, $0x1;
	s10 =	sld [smem:$0x3FB6];
	_ =	sdelay $0x3  }
0x34: {  	[smem:$0x3FB6] =	sst s10  }
0x35: {  	s10 =	sld [smem:$0x3FB5];
	_ =	sdelay $0x3  }
0x36: {  	p1 =	seq.s32 s10, $0x1;
	s10 =	sld [smem:$0x3FB6];
	_ =	sdelay $0x3  }
0x37: {  	[smem:$0x3FB6] =	sst s10  }
0x38: {  	s10 =	sld [smem:$0x3FB7]  }
0x39: {  	_ = 	snop;
	(pc) =	sbr.ind lr, $3  }
0x3a: {  	_ = 	snop  }
0x3b: {  	_ = 	snop  }
0x3c: {  	p2 =	seq.s32 s10, $0x1;
	s10 =	sld [smem:$0x3FB6]  }
0x3d: {  	_ =	shalt  }
0x3e: {  	_ =	shalt  }
0x3f: {  	_ =	shalt  }
0x40: {  	_ =	shalt  }
0x41: {  	_ =	shalt  }
0x42: {  	_ =	shalt  }
0x43: {  	_ =	shalt  }
0x44: {  	_ =	shalt  }
0x45: {  	_ =	shalt  }
0x46: {  	_ =	shalt  }
0x47: {  	_ =	shalt  }
0x48: {  	_ =	shalt  }
0x49: {  	_ =	shalt  }
0x4a: {  	_ =	shalt  }
0x4b: {  	_ =	shalt  }
0x4c: {  	_ =	shalt  }
0x4d: {  	_ =	shalt  }
0x4e: {  	_ =	shalt  }
0x4f: {  	_ =	shalt  }
0x50: {  	_ =	shalt  }
0x51: {  	_ =	shalt  }
0x52: {  	_ =	shalt  }
0x53: {  	_ =	shalt  }
0x54: {  	_ =	shalt  }
0x55: {  	_ =	shalt  }
0x56: {  	_ =	shalt  }
0x57: {  	_ =	shalt  }
0x58: {  	_ =	shalt  }
0x59: {  	_ =	shalt  }
0x5a: {  	_ =	shalt  }
0x5b: {  	_ =	shalt  }
0x5c: {  	_ =	shalt  }
0x5d: {  	_ =	shalt  }
0x5e: {  	_ =	shalt  }
0x5f: {  	_ =	shalt  }
0x60: {  	_ =	shalt  }
0x61: {  	_ =	shalt  }
0x62: {  	_ =	shalt  }
0x63: {  	_ =	shalt  }
0x64: {  	_ =	shalt  }
0x65: {  	_ =	shalt  }
0x66: {  	_ =	shalt  }
0x67: {  	_ =	shalt  }
0x68: {  	_ =	shalt  }
0x69: {  	_ =	shalt  }
0x6a: {  	_ =	shalt  }
0x6b: {  	_ =	shalt  }
0x6c: {  	_ =	shalt  }
0x6d: {  	_ =	shalt  }
0x6e: {  	_ =	shalt  }
0x6f: {  	_ =	shalt  }
0x70: {  	_ =	shalt  }
0x71: {  	_ =	shalt  }
0x72: {  	_ =	shalt  }
0x73: {  	_ =	shalt  }
0x74: {  	_ =	shalt  }
0x75: {  	_ =	shalt  }
0x76: {  	_ =	shalt  }
0x77: {  	_ =	shalt  }
0x78: {  	_ =	shalt  }
0x79: {  	_ =	shalt  }
0x7a: {  	_ =	shalt  }
0x7b: {  	_ =	shalt  }
0x7c: {  	_ =	shalt  }
0x7d: {  	_ =	shalt  }
0x7e: {  	_ =	shalt  }
0x7f: {  	_ =	shalt  }
0x80: {  	_ =	shalt  }
0x81: {  	_ =	shalt  }
0x82: {  	_ =	shalt  }
0x83: {  	_ =	shalt  }
0x84: {  	_ =	shalt  }
0x85: {  	_ =	shalt  }
0x86: {  	_ =	shalt  }
0x87: {  	_ =	shalt  }
.Lfunc_end0:
.L_simem_size_0:
called_computation.2_lowered:
.L_overlay_start_0:
0x88: {  	s2 =	sld [smem:$0x3FD9]  }
0x89: {  	s3 =	sld [smem:$0x3FFE];
	_ =	sdelay $0x1  }
0x8a: {  	s1 =	srdreg.scid  }
0x8b: {  	s0 =	sand.u32 $0x1, s1  }
0x8c: {  	s17 =	sshll.u32 s0, $0xA;
	s2 =	sadd.s32 s3, s2  }
0x8d: {  	s2 =	sadd.s32 s2, s17  }
0x8e: {  	[smem:$0x3FC2] =	sst s2  }
0x8f: {  	_ = 	snop  }
0x90: {  	s2 =	sld [smem:$0x3FD0];
	(tm) =	ssettm $0x1  }
0x91: {  	s18 =	sld [smem:$0x3FFB];
	_ =	sdelay $0x3  }
0x92: {  	_ =	strace s18  }
0x93: {  	s3 =	sld [smem:$0x3FFC];
	_ =	sdelay $0x3  }
0x94: {  	_ =	strace s3  }
0x95: {  	s3 =	sld [smem:$0x3FFD];
	_ =	sdelay $0x3  }
0x96: {  	_ =	strace s3  }
0x97: {  	_ =	strace $0x8FFFFFFF  }
0x98: {  	s19 =	sld [smem:$0x3FDB];
	_ =	sdelay $0x1  }
0x99: {  	s4 =	simm.s32 $_scs_section_size  }
0x9a: {  	s5 =	simm.s32 $_size__tile_overlayer_lowered;
	s6 =	simm.s32 $_tile_overlayer_lowered  }
0x9b: {  	s22 =	simm.s32 $0x1BFF;
	s21 =	sshll.u32 s6, $0x1;
	s3 =	sadd.s32 s4, s19  }
0x9c: {  	s7 =	simm.s32 $0x0;
	s20 =	sshll.u32 s5, $0x1;
	s5 =	sadd.s32 s21, s3  }
0x9d: {  	[timem:s7], [sflag:s22] =	dma.local [hbm:s5], s20  }
0x9e: {  	_ =	swait.ge [sflag:s22], s20  }
0x9f: {  	s4 =	ssub.s32 $0x0, s20;
	[sflag:s22] =	ssyncset.done $0x0  }
0xa0: {  	[sflag:s22] =	ssyncadd.s32 s4;
	_ =	sdelay $0x1  }
0xa1: {  	s23 =	simm.s32 $0x1B8B  }
0xa2: {  	_ =	swait.ge [sflag:s23], $0x1  }
0xa3: {  	[sflag:s23] =	ssyncset.done $0x0  }
0xa4: {  	s25 =	simm.s32 $0x1B8E;
	s24 =	sld [smem:$0x3FFE];
	[sflag:s23] =	ssyncadd.s32 $0xFFFFFFFF  }
0xa5: {  	s26 =	simm.s32 $execute0_lowered;
	[smem:$0x3FD2] =	sst s25  }
0xa6: {  	s5 =	sshll.u32 s26, $0x1;
	_ =	strace $0x8000004C;
	[dreg:$0x1] =	wrdreg $0xFFFFFFFF  }
0xa7: {  	s28 =	simm.s32 $_size_execute0_lowered;
	s3 =	sadd.s32 s3, s5;
	[dreg:$0x0] =	wrdreg $0x0  }
0xa8: {  	s5 =	sshll.u32 s28, $0x1;
	[dreg:$0x2] =	wrdreg s3  }
0xa9: {  	[dreg:$0x3] =	wrdreg s5  }
0xaa: {  	[dreg:$0x4] =	wrdreg $0xC0  }
0xab: {  	_ =	task [dreg:s7], $0x5FFFF  }
0xac: {  	[dreg:$0x1] =	wrdreg $0xFFFFFFFF  }
0xad: {  	[dreg:$0x0] =	wrdreg $0x60  }
0xae: {  	[dreg:$0x2] =	wrdreg s24  }
0xaf: {  	[dreg:$0x3] =	wrdreg s2  }
0xb0: {  	[dreg:$0x4] =	wrdreg $0xA8000  }
0xb1: {  	[dreg:$0x5] =	wrdreg $0x9  }
0xb2: {  	_ =	task.clear_ibuf [dreg:s7], $0x6FFFF;
	_ =	strace $0x9000004C  }
0xb3: {  	s29 =	simm.s32 $0x9;
	_ =	strace $0x8000004E  }
0xb4: {  	_ =	swait.ge [sflag:s29], $0x1  }
0xb5: {  	[sflag:s29] =	ssyncadd.s32 $0xFFFFFFFF  }
0xb6: {  	_ =	strace $0x9000004E  }
0xb7: {  	_ =	sfence  }
0xb8: {  	s30 =	sld [smem:$0x0];
	_ =	sdelay $0x2  }
0xb9: {  	s31 =	sshll.u32 s1, $0xD;
	s1 =	sshrl.u32 s1, $0x2  }
0xba: {  	s3 =	sand.u32 $0x4000, s31;
	s1 =	sadd.s32 s1, s30  }
0xbb: {  	s0 =	sor.u32 s3, s0;
	s1 =	sshll.u32 s1, $0x11  }
0xbc: {  	s0 =	sor.u32 s1, s0  }
0xbd: {  	s0 =	sadd.s32 $0x8F2B, s0  }
0xbe: {  	[sflag:s0] =	ssyncadd.remote.s32 $0x1  }
0xbf: {  	_ =	sfence.sel $0xFFFF  }
0xc0: {  	[dreg:$0x0] =	wrdreg $0xFFFFFFFF;
	(pc) =	sbr.abs _section_cstart, $3  }
0xc1: {  	[dreg:$0x1] =	wrdreg $0xFFFFFFFF  }
0xc2: {  	_ =	task.clear_ibuf [dreg:s7], $0x2FFFF;
	_ =	strace $0x9FFFFFFF  }
0xc3: {  	(tm) =	ssettm $0x7FFFFFFF  }
tec
execute0_lowered:
.L_overlay_start_1:
0x0: {  	(tag) =	ssettag $0x1  }
0x1: {  	s5 =	rddreg [dreg:$0x0]  }
0x2: {  	s8 =	rddreg [dreg:$0x1]  }
0x3: {  	s1 =	rddreg [dreg:$0x2]  }
0x4: {  	s2 =	srdreg.scid;
	s0 =	rddreg [dreg:$0x3];
	s3 =	simm.s32 $0x0  }
0x5: {  	s16 =	simm.s32 $0x80;
	s17 =	simm.s32 $0x2800;
	s18 =	simm.s32 $0x6800  }
0x6: {  	s19 =	simm.s32 $0x1;
	s20 =	simm.s32 $0x3;
	s21 =	simm.s32 $0x2  }
0x7: {  	s22 =	simm.s32 $0x4;
	s23 =	simm.s32 $0x2700;
	s6 =	sand.u32 $0x1, s2  }
0x8: {  	s2 =	stileid.u32;
	[smem:$0x7FF] =	sst s3;
	s4 =	sadd.s32 $0x82E00, s5  }
0x9: {  	s11 =	sadd.s32 $0x1E00, s5;
	s24 =	sadd.s32 $0x78E00, s5;
	s7 =	smul.u32 $0x13C000, s6  }
0xa: {  	s9 =	smul.u32 $0x13C00, s2;
	_ =	strace $0x8000004D;
	s10 =	sshll.u32 s6, $0x4  }
0xb: {  	s12 =	ssub.s32 $0x2, s6;
	s13 =	smul.u32 $0x4F000, s2;
	p0 =	seq.s32 s6, $0x0  }
0xc: {  	s30 =	smul.u32 $0x2780, s2;
	s31 =	sshll.u32 s2, $0x6;
	s10 =	sor.u32 s2, s10  }
0xd: {  	s25 =	sshrl.u32 s12, $0x1;
	s11 =	smov.u32 @p0 s4;
	s7 =	sadd.s32 s9, s7  }
0xe: {  	s26 =	smul.u32 $0x2800, s10;
	s28 =	ssub.s32 s12, s25;
	s29 =	sshrl.u32 s13, $0x2  }
0xf: {  	s11 =	sadd.s32 s11, s30;
	s12 =	sor.u32 $0x1C05, s31;
	s25 =	simm.s32 $0x0  }
0x10: {  	s7 =	sshrl.u32 s7, $0x3;
	s13 =	sadd.s32 s29, s1;
	s10 =	smax.u32 s28, $0x1  }
0x11: {  	s14 =	sadd.s32 s7, s5;
	s7 =	sshrl.u32 s26, $0x3;
	s13 =	sshrl.u32 s13, $0x3  }
0x12: {  	s5 =	sadd.s32 s24, s7;
	s6 =	sadd.s32 s8, s7;
	s15 =	sadd.s32 $0x280, s7  }
0x13: {  	s9 =	sadd.s32 $0xAA600, s14;
	s14 =	simm.s32 $0x5;
	s7 =	sadd.s32 s24, s15  }
0x14: {  	s8 =	sadd.s32 s8, s15;
	s15 =	simm.s32 $0x1400;
	s24 =	simm.s32 $0x2780  }
.LBB2_1:
0x15: {  	[spmem:s13], [sflag:s12] =	dma.local [hbm:s11], $0x2780  }
0x16: {  	_ =	swait.ge [sflag:s14], $0x2780  }
0x17: {  	[sflag:s14] =	ssyncset.done $0x0  }
0x18: {  	[sflag:s14] =	ssyncadd.s32 $0xFFFFD880  }
0x19: {  	[bflag:$0x0] =	sbarrier.arrive $0xFFFF  }
0x1a: {  	[tilespmem:s3], [sflag:$0x5] =	stream.linear.gather [hbm4b:s5+s3], $0x1400, $0x38;
	[tilespmem:$0x1E400] =	vst v63  }
0x1b: {  	_ =	swait.ge [sflag:s14], $0x1400  }
0x1c: {  	[sflag:s14] =	ssyncset.done $0x0  }
0x1d: {  	[sflag:s14] =	ssyncadd.s32 $0xFFFFEC00  }
0x1e: {  	[tilespmem:s15], [sflag:$0x5] =	stream.linear.gather [hbm4b:s6+s3], $0x1400, $0x38;
	[tilespmem:$0x1E400] =	vst v63  }
0x1f: {  	_ =	swait.ge [sflag:s14], $0x1400  }
0x20: {  	[sflag:s14] =	ssyncset.done $0x0  }
0x21: {  	[sflag:s14] =	ssyncadd.s32 $0xFFFFEC00  }
0x22: {  	[tilespmem:s17], [sflag:$0x1] =	stream.indirect.gather [hbm4b:s4+s16], $0x80, s3, s16, $0xb8;
	[tilespmem:$0x1E400] =	vst v63  }
0x23: {  	_ = 	snop  }
0x24: {  	[tilespmem:s18], [sflag:$0x2] =	stream.indirect.gather [hbm4b:s4+s16], $0x80, s16, s16, $0xb8;
	[tilespmem:$0x1E400] =	vst v63  }
0x25: {  	_ =	swait.ge [sflag:s19], $0x4000  }
0x26: {  	[sflag:s19] =	ssyncset.done $0x0  }
0x27: {  	s26 =	simm.s32 $0x1400;
	[sflag:s19] =	ssyncadd.s32 $0xFFFFC000  }
0x28: {  	[spmem:s1] =	stream.indirect.scatter.add.f32 [tilespmem:s17], [sflag:$0x3], $0x80, s26, s16, $0xb8;
	[tilespmem:$0x1E400] =	vst v63  }
0x29: {  	_ =	swait.ge [sflag:s20], $0x4000  }
0x2a: {  	[sflag:s20] =	ssyncset.done $0x0  }
0x2b: {  	s30 =	simm.s32 $0x100;
	[sflag:s20] =	ssyncadd.s32 $0xFFFFC000  }
0x2c: {  	[tilespmem:s17], [sflag:$0x1] =	stream.indirect.gather [hbm4b:s4+s16], $0x80, s30, s16, $0xb8;
	[tilespmem:$0x1E400] =	vst v63  }
0x2d: {  	_ =	swait.ge [sflag:s21], $0x4000  }
0x2e: {  	[sflag:s21] =	ssyncset.done $0x0  }
0x2f: {  	s31 =	simm.s32 $0x1480;
	[sflag:s21] =	ssyncadd.s32 $0xFFFFC000  }
0x30: {  	[spmem:s1] =	stream.indirect.scatter.add.f32 [tilespmem:s18], [sflag:$0x4], $0x80, s31, s16, $0xb8;
	[tilespmem:$0x1E400] =	vst v63  }
0x31: {  	_ =	swait.ge [sflag:s22], $0x4000  }
0x32: {  	[sflag:s22] =	ssyncset.done $0x0  }
0x33: {  	s28 =	simm.s32 $0x180;
	s26 =	simm.s32 $0x400;
	[sflag:s22] =	ssyncadd.s32 $0xFFFFC000  }
.LBB2_2:
0x34: {  	[tilespmem:s18], [sflag:$0x2] =	stream.indirect.gather [hbm4b:s4+s16], $0x80, s28, s16, $0xb8;
	[tilespmem:$0x1E400] =	vst v63  }
0x35: {  	s28 =	smov.u32 s26  }
0x36: {  	p0 =	sne.s32 s26, $0x4800;
	s26 =	sadd.s32 $0x400, s26;
	_ =	swait.ge [sflag:s19], $0x4000  }
0x37: {  	s28 =	sshra.s32 s28, $0x2;
	[sflag:s19] =	ssyncset.done $0x0  }
0x38: {  	s29 =	sadd.s32 $0x1400, s28;
	[sflag:s19] =	ssyncadd.s32 $0xFFFFC000  }
0x39: {  	[spmem:s1] =	stream.indirect.scatter.add.f32 [tilespmem:s17], [sflag:$0x3], $0x80, s29, s16, $0xb8;
	[tilespmem:$0x1E400] =	vst v63  }
0x3a: {  	_ =	swait.ge [sflag:s20], $0x4000  }
0x3b: {  	[sflag:s20] =	ssyncset.done $0x0  }
0x3c: {  	s29 =	sadd.s32 $0x100, s28;
	[sflag:s20] =	ssyncadd.s32 $0xFFFFC000  }
0x3d: {  	[tilespmem:s17], [sflag:$0x1] =	stream.indirect.gather [hbm4b:s4+s16], $0x80, s29, s16, $0xb8;
	[tilespmem:$0x1E400] =	vst v63  }
0x3e: {  	_ =	swait.ge [sflag:s21], $0x4000  }
0x3f: {  	[sflag:s21] =	ssyncset.done $0x0  }
.Ltmp0:
0x40: {  	s29 =	sadd.s32 $0x1480, s28;
	[sflag:s21] =	ssyncadd.s32 $0xFFFFC000;
	(pc) =	sbr.rel @p0 .LBB2_2-.Ltmp0, $4  }
0x41: {  	[spmem:s1] =	stream.indirect.scatter.add.f32 [tilespmem:s18], [sflag:$0x4], $0x80, s29, s16, $0xb8;
	[tilespmem:$0x1E400] =	vst v63  }
0x42: {  	_ =	swait.ge [sflag:s22], $0x4000  }
0x43: {  	[sflag:s22] =	ssyncset.done $0x0  }
0x44: {  	s28 =	sadd.s32 $0x180, s28;
	[sflag:s22] =	ssyncadd.s32 $0xFFFFC000  }
0x45: {  	[tilespmem:s18], [sflag:$0x2] =	stream.indirect.gather [hbm4b:s4+s16], $0x80, s28, s16, $0xb8;
	[tilespmem:$0x1E400] =	vst v63  }
0x46: {  	_ =	swait.ge [sflag:s19], $0x4000  }
0x47: {  	[sflag:s19] =	ssyncset.done $0x0  }
0x48: {  	[sflag:s19] =	ssyncadd.s32 $0xFFFFC000  }
0x49: {  	[spmem:s1] =	stream.indirect.scatter.add.f32 [tilespmem:s17], [sflag:$0x3], $0x80, s23, s16, $0xb8;
	[tilespmem:$0x1E400] =	vst v63  }
0x4a: {  	_ =	swait.ge [sflag:s20], $0x4000  }
0x4b: {  	[sflag:s20] =	ssyncset.done $0x0  }
0x4c: {  	[sflag:s20] =	ssyncadd.s32 $0xFFFFC000  }
0x4d: {  	_ =	swait.ge [sflag:s21], $0x4000  }
0x4e: {  	[sflag:s21] =	ssyncset.done $0x0  }
0x4f: {  	[sflag:s21] =	ssyncadd.s32 $0xFFFFC000  }
0x50: {  	[spmem:s1] =	stream.indirect.scatter.add.f32 [tilespmem:s18], [sflag:$0x4], $0x80, s24, s16, $0xb8;
	[tilespmem:$0x1E400] =	vst v63  }
0x51: {  	_ =	swait.ge [sflag:s22], $0x4000  }
0x52: {  	[sflag:s22] =	ssyncset.done $0x0  }
0x53: {  	s26 =	simm.s32 $0x0;
	[sflag:s22] =	ssyncadd.s32 $0xFFFFC000  }
0x54: {  	[tilespmem:s26], [sflag:$0x5] =	stream.linear.gather [hbm4b:s7+s26], $0x1400, $0x38;
	[tilespmem:$0x1E400] =	vst v63  }
0x55: {  	_ =	swait.ge [sflag:s14], $0x1400  }
0x56: {  	[sflag:s14] =	ssyncset.done $0x0  }
0x57: {  	[sflag:s14] =	ssyncadd.s32 $0xFFFFEC00  }
0x58: {  	[tilespmem:s15], [sflag:$0x5] =	stream.linear.gather [hbm4b:s8+s26], $0x1400, $0x38;
	[tilespmem:$0x1E400] =	vst v63  }
0x59: {  	_ =	swait.ge [sflag:s14], $0x1400  }
0x5a: {  	[sflag:s14] =	ssyncset.done $0x0  }
0x5b: {  	[sflag:s14] =	ssyncadd.s32 $0xFFFFEC00  }
0x5c: {  	[tilespmem:s17], [sflag:$0x1] =	stream.indirect.gather [hbm4b:s4+s16], $0x80, s26, s16, $0xb8;
	[tilespmem:$0x1E400] =	vst v63  }
0x5d: {  	_ = 	snop  }
0x5e: {  	[tilespmem:s18], [sflag:$0x2] =	stream.indirect.gather [hbm4b:s4+s16], $0x80, s16, s16, $0xb8;
	[tilespmem:$0x1E400] =	vst v63  }
0x5f: {  	_ =	swait.ge [sflag:s19], $0x4000  }
0x60: {  	[sflag:s19] =	ssyncset.done $0x0  }
0x61: {  	s29 =	simm.s32 $0x1400;
	[sflag:s19] =	ssyncadd.s32 $0xFFFFC000  }
0x62: {  	[spmem:s1] =	stream.indirect.scatter.add.f32 [tilespmem:s17], [sflag:$0x3], $0x80, s29, s16, $0xb8;
	[tilespmem:$0x1E400] =	vst v63  }
0x63: {  	_ =	swait.ge [sflag:s20], $0x4000  }
0x64: {  	[sflag:s20] =	ssyncset.done $0x0  }
0x65: {  	s30 =	simm.s32 $0x100;
	[sflag:s20] =	ssyncadd.s32 $0xFFFFC000  }
0x66: {  	[tilespmem:s17], [sflag:$0x1] =	stream.indirect.gather [hbm4b:s4+s16], $0x80, s30, s16, $0xb8;
	[tilespmem:$0x1E400] =	vst v63  }
0x67: {  	_ =	swait.ge [sflag:s21], $0x4000  }
0x68: {  	[sflag:s21] =	ssyncset.done $0x0  }
0x69: {  	s31 =	simm.s32 $0x1480;
	[sflag:s21] =	ssyncadd.s32 $0xFFFFC000  }
0x6a: {  	[spmem:s1] =	stream.indirect.scatter.add.f32 [tilespmem:s18], [sflag:$0x4], $0x80, s31, s16, $0xb8;
	[tilespmem:$0x1E400] =	vst v63  }
0x6b: {  	_ =	swait.ge [sflag:s22], $0x4000  }
0x6c: {  	[sflag:s22] =	ssyncset.done $0x0  }
0x6d: {  	s28 =	simm.s32 $0x180;
	s26 =	simm.s32 $0x400;
	[sflag:s22] =	ssyncadd.s32 $0xFFFFC000  }
.LBB2_4:
0x6e: {  	[tilespmem:s18], [sflag:$0x2] =	stream.indirect.gather [hbm4b:s4+s16], $0x80, s28, s16, $0xb8;
	[tilespmem:$0x1E400] =	vst v63  }
0x6f: {  	s28 =	smov.u32 s26  }
0x70: {  	p0 =	sne.s32 s26, $0x4800;
	s26 =	sadd.s32 $0x400, s26;
	_ =	swait.ge [sflag:s19], $0x4000  }
0x71: {  	s28 =	sshra.s32 s28, $0x2;
	[sflag:s19] =	ssyncset.done $0x0  }
0x72: {  	s29 =	sadd.s32 $0x1400, s28;
	[sflag:s19] =	ssyncadd.s32 $0xFFFFC000  }
0x73: {  	[spmem:s1] =	stream.indirect.scatter.add.f32 [tilespmem:s17], [sflag:$0x3], $0x80, s29, s16, $0xb8;
	[tilespmem:$0x1E400] =	vst v63  }
0x74: {  	_ =	swait.ge [sflag:s20], $0x4000  }
0x75: {  	[sflag:s20] =	ssyncset.done $0x0  }
0x76: {  	s29 =	sadd.s32 $0x100, s28;
	[sflag:s20] =	ssyncadd.s32 $0xFFFFC000  }
0x77: {  	[tilespmem:s17], [sflag:$0x1] =	stream.indirect.gather [hbm4b:s4+s16], $0x80, s29, s16, $0xb8;
	[tilespmem:$0x1E400] =	vst v63  }
0x78: {  	_ =	swait.ge [sflag:s21], $0x4000  }
0x79: {  	[sflag:s21] =	ssyncset.done $0x0  }
.Ltmp1:
0x7a: {  	s29 =	sadd.s32 $0x1480, s28;
	[sflag:s21] =	ssyncadd.s32 $0xFFFFC000;
	(pc) =	sbr.rel @p0 .LBB2_4-.Ltmp1, $4  }
0x7b: {  	[spmem:s1] =	stream.indirect.scatter.add.f32 [tilespmem:s18], [sflag:$0x4], $0x80, s29, s16, $0xb8;
	[tilespmem:$0x1E400] =	vst v63  }
0x7c: {  	_ =	swait.ge [sflag:s22], $0x4000  }
0x7d: {  	[sflag:s22] =	ssyncset.done $0x0  }
0x7e: {  	s28 =	sadd.s32 $0x180, s28;
	[sflag:s22] =	ssyncadd.s32 $0xFFFFC000  }
0x7f: {  	[tilespmem:s18], [sflag:$0x2] =	stream.indirect.gather [hbm4b:s4+s16], $0x80, s28, s16, $0xb8;
	[tilespmem:$0x1E400] =	vst v63  }
0x80: {  	_ =	swait.ge [sflag:s19], $0x4000  }
0x81: {  	[sflag:s19] =	ssyncset.done $0x0  }
0x82: {  	[sflag:s19] =	ssyncadd.s32 $0xFFFFC000  }
0x83: {  	[spmem:s1] =	stream.indirect.scatter.add.f32 [tilespmem:s17], [sflag:$0x3], $0x80, s23, s16, $0xb8;
	[tilespmem:$0x1E400] =	vst v63  }
0x84: {  	_ =	swait.ge [sflag:s20], $0x4000  }
0x85: {  	[sflag:s20] =	ssyncset.done $0x0  }
0x86: {  	[sflag:s20] =	ssyncadd.s32 $0xFFFFC000  }
0x87: {  	_ =	swait.ge [sflag:s21], $0x4000  }
0x88: {  	[sflag:s21] =	ssyncset.done $0x0  }
0x89: {  	[sflag:s21] =	ssyncadd.s32 $0xFFFFC000  }
0x8a: {  	[spmem:s1] =	stream.indirect.scatter.add.f32 [tilespmem:s18], [sflag:$0x4], $0x80, s24, s16, $0xb8;
	[tilespmem:$0x1E400] =	vst v63  }
0x8b: {  	_ =	swait.ge [sflag:s22], $0x4000  }
0x8c: {  	s25 =	sadd.s32 $0x1, s25;
	[sflag:s22] =	ssyncset.done $0x0  }
0x8d: {  	p0 =	sne.s32 s25, s10;
	[sflag:s22] =	ssyncadd.s32 $0xFFFFC000  }
.Ltmp2:
0x8e: {  	[bflag:$0x0] =	sbarrier.arrive $0xFFFF;
	(pc) =	sbr.rel @p0 .LBB2_1-.Ltmp2, $4  }
0x8f: {  	[hbm:s9], [sflag:s12] =	dma.local [spmem:s13], $0x2780  }
0x90: {  	_ =	swait.ge [sflag:s14], $0x2780  }
0x91: {  	[sflag:s14] =	ssyncset.done $0x0  }
0x92: {  	[sflag:s14] =	ssyncadd.s32 $0xFFFFD880  }
0x93: {  	_ =	sfence.sel $0x180000  }
0x94: {  	[bflag:$0x0] =	sbarrier.arrive $0xFFFF  }
0x95: {  	p0 =	sne.s32 s2, $0x0;
	_ =	strace $0x9000004D  }
0x96: {  	s0 =	sadd.s32 @!p0 $0x100000, s0;
	[bflag:$0x2] =	sbarrier.arrive $0xFFFF  }
0x97: {  	[sflag:s0] =	ssyncadd.tile.s32 @!p0 $0x1;
	_ =	shalt  }
.Lfunc_end2:
_tile_overlayer_lowered:
.L_overlay_start_2:
0x98: {  	(tag) =	ssettag $0x2  }
0x99: {  	s0 =	rddreg [dreg:$0x0];
	s2 =	stileid.u32  }
0x9a: {  	s1 =	rddreg [dreg:$0x1];
	p0 =	sne.s32 s2, $0x0  }
0x9b: {  	s3 =	rddreg [dreg:$0x2];
	[bflag:$0x3] =	sbarrier.arrive $0xFFFF;
	s2 =	simm.s32 @!p0 $0x1C05  }
0x9c: {  	[timem:s3], [sflag:s2] =	dma.local @!p0 [hbm:s0], s1  }
0x9d: {  	s0 =	simm.s32 @!p0 $0x5  }
0x9e: {  	_ =	swait.ge @!p0 [sflag:s0], s1  }
0x9f: {  	s1 =	ssub.s32 @!p0 $0x0, s1;
	[sflag:s0] =	ssyncset.done @!p0 $0x0  }
0xa0: {  	[sflag:s0] =	ssyncadd.s32 @!p0 s1  }
0xa1: {  	[bflag:$0x3] =	sbarrier.arrive $0xFFFF  }
0xa2: {  	_ =	shalt  }

// kernel: kernel.8.cloned.1.call-start
scs
__scs_entry_jumppad:
0x0: {  	(pc) =	sbr.rel $0x88, $3  }
0x1: {  	(tag) =	ssettag $0x0;
	lr =	simm.s32 $0x1  }
0x2: {  	[smem:$0x3F9B] =	sst lr;
	_ =	strace $0xD0000000  }
0x3: {  	_ = 	snop  }
0x4: {  	_ = 	snop  }
0x5: {  	_ = 	snop  }
0x6: {  	_ = 	snop  }
0x7: {  	_ = 	snop  }
__scs_overlays_trampoline_lowered:
0x8: {  	[smem:$0x3FAA] =	sst s0  }
0x9: {  	[smem:$0x3FAB] =	sst s1  }
0xa: {  	[smem:$0x3FAC] =	sst s2  }
0xb: {  	[smem:$0x3FAD] =	sst s3  }
0xc: {  	[smem:$0x3FAE] =	sst s4  }
0xd: {  	[smem:$0x3FAF] =	sst s5  }
0xe: {  	[smem:$0x3FB0] =	sst s6  }
0xf: {  	[smem:$0x3FB1] =	sst s7  }
0x10: {  	[smem:$0x3FB2] =	sst s8  }
0x11: {  	[smem:$0x3FB3] =	sst s9;
	s0 =	simm.s32 @!p0 $0x0  }
0x12: {  	s1 =	sld [smem:$0x3F99];
	s0 =	simm.s32 @p0 $0x1  }
0x13: {  	[smem:$0x3FB4] =	sst s0;
	s0 =	simm.s32 @!p1 $0x0  }
0x14: {  	s2 =	sld [smem:$0x3F98];
	s0 =	simm.s32 @p1 $0x1  }
0x15: {  	[smem:$0x3FB5] =	sst s0;
	s0 =	simm.s32 @!p2 $0x0  }
0x16: {  	s3 =	sld [smem:$0x3FDB];
	s0 =	simm.s32 @p2 $0x1  }
0x17: {  	s4 =	simm.s32 $0x1BF5;
	[smem:$0x3FB7] =	sst s0  }
0x18: {  	s0 =	sld [smem:$0x3F9A];
	_ =	swait.ge [sflag:s4], $0x0  }
0x19: {  	s7 =	sld [smem:$0x3F9B]  }
0x1a: {  	s8 =	sadd.s32 $0xFFFFE003, lr  }
0x1b: {  	s9 =	sadd.s32 $0xFFFFFEF7, lr;
	s5 =	simm.s32 $0xFFFFFFFF;
	p2 =	slt.u32 s8, $0xFFFFF086  }
0x1c: {  	p1 =	slt.u32 s9, $0xF7A;
	s5 =	simm.s32 @!p2 $0x0  }
0x1d: {  	s5 =	simm.s32 @p1 $0x1;
	p0 =	seq.s32 s7, s2  }
0x1e: {  	s7 =	smul.u32 @!p0 $0xF7A, s2;
	p2 =	seq.s32 @!p0 s5, $0x0  }
0x1f: {  	s9 =	smul.u32 $0xF7A, s1;
	s8 =	simm.s32 @!p0 $0x1BF5;
	p2 =	por !p2, p0  }
0x20: {  	[sflag:s8] =	ssyncset.s32 @!p0 $0xFFFFF086;
	s6 =	sadd.s32 @!p0 s3, s7;
	s7 =	simm.s32 @!p0 $0x108  }
0x21: {  	s3 =	sadd.s32 s3, s9;
	s6 =	sadd.s32 @!p0 $0x88, s6;
	s7 =	simm.s32 @p2 $0x1082  }
0x22: {  	[simem:s7], [sflag:s8] =	dma.local @!p0 [hbm:s6], $0xF7A  }
0x23: {  	s9 =	sor.u32 $0xD0000000, s2;
	s6 =	simm.s32 $0x108;
	_ =	swait.ge @!p0 [sflag:s8], $0x0  }
0x24: {  	s3 =	sadd.s32 $0x88, s3;
	s6 =	simm.s32 @!p1 $0x1082;
	[sflag:s4] =	ssyncset.s32 $0xFFFFF086  }
0x25: {  	[simem:s6], [sflag:s4] =	dma.local [hbm:s3], $0xF7A  }
0x26: {  	[smem:$0x3F9B] =	sst s1;
	(tag) =	ssettag s2;
	_ =	strace s9  }
0x27: {  	s1 =	sld [smem:$0x3FAB]  }
0x28: {  	s2 =	sld [smem:$0x3FAC]  }
0x29: {  	s4 =	sld [smem:$0x3FAE]  }
0x2a: {  	p0 =	seq.s32 s5, $0x0;
	s5 =	sld [smem:$0x3FAF]  }
0x2b: {  	s6 =	sld [smem:$0x3FB0]  }
0x2c: {  	s7 =	sld [smem:$0x3FB1]  }
0x2d: {  	s3 =	simm.s32 $0x108;
	s8 =	sld [smem:$0x3FB2]  }
0x2e: {  	s3 =	simm.s32 @!p0 $0x1082;
	s9 =	sld [smem:$0x3FB3]  }
0x2f: {  	lr =	sadd.s32 s0, s3;
	s0 =	sld [smem:$0x3FAA]  }
0x30: {  	s3 =	sld [smem:$0x3FAD]  }
0x31: {  	[smem:$0x3FB6] =	sst s10  }
0x32: {  	s10 =	sld [smem:$0x3FB4];
	_ =	sdelay $0x3  }
0x33: {  	p0 =	seq.s32 s10, $0x1;
	s10 =	sld [smem:$0x3FB6];
	_ =	sdelay $0x3  }
0x34: {  	[smem:$0x3FB6] =	sst s10  }
0x35: {  	s10 =	sld [smem:$0x3FB5];
	_ =	sdelay $0x3  }
0x36: {  	p1 =	seq.s32 s10, $0x1;
	s10 =	sld [smem:$0x3FB6];
	_ =	sdelay $0x3  }
0x37: {  	[smem:$0x3FB6] =	sst s10  }
0x38: {  	s10 =	sld [smem:$0x3FB7]  }
0x39: {  	_ = 	snop;
	(pc) =	sbr.ind lr, $3  }
0x3a: {  	_ = 	snop  }
0x3b: {  	_ = 	snop  }
0x3c: {  	p2 =	seq.s32 s10, $0x1;
	s10 =	sld [smem:$0x3FB6]  }
0x3d: {  	_ =	shalt  }
0x3e: {  	_ =	shalt  }
0x3f: {  	_ =	shalt  }
0x40: {  	_ =	shalt  }
0x41: {  	_ =	shalt  }
0x42: {  	_ =	shalt  }
0x43: {  	_ =	shalt  }
0x44: {  	_ =	shalt  }
0x45: {  	_ =	shalt  }
0x46: {  	_ =	shalt  }
0x47: {  	_ =	shalt  }
0x48: {  	_ =	shalt  }
0x49: {  	_ =	shalt  }
0x4a: {  	_ =	shalt  }
0x4b: {  	_ =	shalt  }
0x4c: {  	_ =	shalt  }
0x4d: {  	_ =	shalt  }
0x4e: {  	_ =	shalt  }
0x4f: {  	_ =	shalt  }
0x50: {  	_ =	shalt  }
0x51: {  	_ =	shalt  }
0x52: {  	_ =	shalt  }
0x53: {  	_ =	shalt  }
0x54: {  	_ =	shalt  }
0x55: {  	_ =	shalt  }
0x56: {  	_ =	shalt  }
0x57: {  	_ =	shalt  }
0x58: {  	_ =	shalt  }
0x59: {  	_ =	shalt  }
0x5a: {  	_ =	shalt  }
0x5b: {  	_ =	shalt  }
0x5c: {  	_ =	shalt  }
0x5d: {  	_ =	shalt  }
0x5e: {  	_ =	shalt  }
0x5f: {  	_ =	shalt  }
0x60: {  	_ =	shalt  }
0x61: {  	_ =	shalt  }
0x62: {  	_ =	shalt  }
0x63: {  	_ =	shalt  }
0x64: {  	_ =	shalt  }
0x65: {  	_ =	shalt  }
0x66: {  	_ =	shalt  }
0x67: {  	_ =	shalt  }
0x68: {  	_ =	shalt  }
0x69: {  	_ =	shalt  }
0x6a: {  	_ =	shalt  }
0x6b: {  	_ =	shalt  }
0x6c: {  	_ =	shalt  }
0x6d: {  	_ =	shalt  }
0x6e: {  	_ =	shalt  }
0x6f: {  	_ =	shalt  }
0x70: {  	_ =	shalt  }
0x71: {  	_ =	shalt  }
0x72: {  	_ =	shalt  }
0x73: {  	_ =	shalt  }
0x74: {  	_ =	shalt  }
0x75: {  	_ =	shalt  }
0x76: {  	_ =	shalt  }
0x77: {  	_ =	shalt  }
0x78: {  	_ =	shalt  }
0x79: {  	_ =	shalt  }
0x7a: {  	_ =	shalt  }
0x7b: {  	_ =	shalt  }
0x7c: {  	_ =	shalt  }
0x7d: {  	_ =	shalt  }
0x7e: {  	_ =	shalt  }
0x7f: {  	_ =	shalt  }
0x80: {  	_ =	shalt  }
0x81: {  	_ =	shalt  }
0x82: {  	_ =	shalt  }
0x83: {  	_ =	shalt  }
0x84: {  	_ =	shalt  }
0x85: {  	_ =	shalt  }
0x86: {  	_ =	shalt  }
0x87: {  	_ =	shalt  }
.Lfunc_end0:
.L_simem_size_0:
called_computation_lowered:
.L_overlay_start_0:
0x88: {  	s2 =	sld [smem:$0x3FD9]  }
0x89: {  	s3 =	sld [smem:$0x3FFE];
	_ =	sdelay $0x1  }
0x8a: {  	s1 =	srdreg.scid  }
0x8b: {  	s0 =	sand.u32 $0x1, s1  }
0x8c: {  	s17 =	sshll.u32 s0, $0xA;
	s2 =	sadd.s32 s3, s2  }
0x8d: {  	s2 =	sadd.s32 s2, s17  }
0x8e: {  	[smem:$0x3FC2] =	sst s2  }
0x8f: {  	_ = 	snop  }
0x90: {  	s2 =	sld [smem:$0x3FD0];
	(tm) =	ssettm $0x1  }
0x91: {  	s18 =	sld [smem:$0x3FFB];
	_ =	sdelay $0x3  }
0x92: {  	_ =	strace s18  }
0x93: {  	s3 =	sld [smem:$0x3FFC];
	_ =	sdelay $0x3  }
0x94: {  	_ =	strace s3  }
0x95: {  	s3 =	sld [smem:$0x3FFD];
	_ =	sdelay $0x3  }
0x96: {  	_ =	strace s3  }
0x97: {  	_ =	strace $0x8FFFFFFF  }
0x98: {  	s19 =	sld [smem:$0x3FDB];
	_ =	sdelay $0x1  }
0x99: {  	s4 =	simm.s32 $_scs_section_size  }
0x9a: {  	s5 =	simm.s32 $_size__tile_overlayer_lowered;
	s6 =	simm.s32 $_tile_overlayer_lowered  }
0x9b: {  	s22 =	simm.s32 $0x1BFF;
	s21 =	sshll.u32 s6, $0x1;
	s3 =	sadd.s32 s4, s19  }
0x9c: {  	s7 =	simm.s32 $0x0;
	s20 =	sshll.u32 s5, $0x1;
	s5 =	sadd.s32 s21, s3  }
0x9d: {  	[timem:s7], [sflag:s22] =	dma.local [hbm:s5], s20  }
0x9e: {  	_ =	swait.ge [sflag:s22], s20  }
0x9f: {  	s4 =	ssub.s32 $0x0, s20;
	[sflag:s22] =	ssyncset.done $0x0  }
0xa0: {  	[sflag:s22] =	ssyncadd.s32 s4;
	_ =	sdelay $0x1  }
0xa1: {  	s23 =	simm.s32 $0x1B8B  }
0xa2: {  	_ =	swait.ge [sflag:s23], $0x1  }
0xa3: {  	[sflag:s23] =	ssyncset.done $0x0  }
0xa4: {  	s25 =	simm.s32 $0x1B8E;
	s24 =	sld [smem:$0x3FFE];
	[sflag:s23] =	ssyncadd.s32 $0xFFFFFFFF  }
0xa5: {  	s26 =	simm.s32 $execute0_lowered;
	[smem:$0x3FD2] =	sst s25  }
0xa6: {  	s5 =	sshll.u32 s26, $0x1;
	_ =	strace $0x80000046;
	[dreg:$0x1] =	wrdreg $0xFFFFFFFF  }
0xa7: {  	s28 =	simm.s32 $_size_execute0_lowered;
	s3 =	sadd.s32 s3, s5;
	[dreg:$0x0] =	wrdreg $0x0  }
0xa8: {  	s5 =	sshll.u32 s28, $0x1;
	[dreg:$0x2] =	wrdreg s3  }
0xa9: {  	[dreg:$0x3] =	wrdreg s5  }
0xaa: {  	[dreg:$0x4] =	wrdreg $0xC0  }
0xab: {  	_ =	task [dreg:s7], $0x5FFFF  }
0xac: {  	[dreg:$0x1] =	wrdreg $0xFFFFFFFF  }
0xad: {  	[dreg:$0x0] =	wrdreg $0x60  }
0xae: {  	[dreg:$0x2] =	wrdreg s2  }
0xaf: {  	[dreg:$0x3] =	wrdreg s24  }
0xb0: {  	[dreg:$0x4] =	wrdreg $0x68000  }
0xb1: {  	[dreg:$0x5] =	wrdreg $0x9  }
0xb2: {  	_ =	task.clear_ibuf [dreg:s7], $0x6FFFF;
	_ =	strace $0x90000046  }
0xb3: {  	s29 =	simm.s32 $0x9;
	_ =	strace $0x80000048  }
0xb4: {  	_ =	swait.ge [sflag:s29], $0x1  }
0xb5: {  	[sflag:s29] =	ssyncadd.s32 $0xFFFFFFFF  }
0xb6: {  	_ =	strace $0x90000048  }
0xb7: {  	_ =	sfence  }
0xb8: {  	s30 =	sld [smem:$0x0];
	_ =	sdelay $0x2  }
0xb9: {  	s31 =	sshll.u32 s1, $0xD;
	s1 =	sshrl.u32 s1, $0x2  }
0xba: {  	s3 =	sand.u32 $0x4000, s31;
	s1 =	sadd.s32 s1, s30  }
0xbb: {  	s0 =	sor.u32 s3, s0;
	s1 =	sshll.u32 s1, $0x11  }
0xbc: {  	s0 =	sor.u32 s1, s0  }
0xbd: {  	s0 =	sadd.s32 $0x8F2B, s0  }
0xbe: {  	[sflag:s0] =	ssyncadd.remote.s32 $0x1  }
0xbf: {  	_ =	sfence.sel $0xFFFF  }
0xc0: {  	[dreg:$0x0] =	wrdreg $0xFFFFFFFF;
	(pc) =	sbr.abs _section_cstart, $3  }
0xc1: {  	[dreg:$0x1] =	wrdreg $0xFFFFFFFF  }
0xc2: {  	_ =	task.clear_ibuf [dreg:s7], $0x2FFFF;
	_ =	strace $0x9FFFFFFF  }
0xc3: {  	(tm) =	ssettm $0x7FFFFFFF  }
tec
execute0_lowered:
.L_overlay_start_1:
0x0: {  	(tag) =	ssettag $0x1  }
0x1: {  	s7 =	rddreg [dreg:$0x0]  }
0x2: {  	s5 =	rddreg [dreg:$0x1];
	s0 =	stileid.u32  }
0x3: {  	s1 =	srdreg.scid;
	s2 =	rddreg [dreg:$0x2]  }
0x4: {  	s3 =	simm.s32 $0x0;
	s13 =	simm.s32 $0x80;
	s14 =	simm.s32 $0x0  }
0x5: {  	s4 =	smul.u32 $0x13C00, s0;
	s6 =	sand.u32 $0x1, s1;
	s1 =	rddreg [dreg:$0x3]  }
0x6: {  	[smem:$0x7FF] =	sst s3;
	s11 =	smul.u32 $0x4F000, s0;
	s31 =	sshll.u32 s0, $0x6  }
0x7: {  	s8 =	smul.u32 $0x13C000, s6;
	_ =	strace $0x80000047;
	s10 =	ssub.s32 $0x2, s6  }
0x8: {  	s6 =	sshll.u32 s6, $0x4;
	s9 =	sshrl.u32 s4, $0x3;
	s28 =	sshrl.u32 s10, $0x1  }
0x9: {  	s6 =	sor.u32 s0, s6;
	s29 =	sshrl.u32 s11, $0x2;
	s11 =	simm.s32 $0x1  }
0xa: {  	s8 =	sadd.s32 s4, s8;
	s4 =	sadd.s32 $0x29600, s5;
	s9 =	sadd.s32 s9, s5  }
0xb: {  	s10 =	ssub.s32 s10, s28;
	s30 =	smul.u32 $0x500, s6;
	s8 =	sshrl.u32 s8, $0x3  }
0xc: {  	s12 =	sadd.s32 s29, s2;
	s6 =	sor.u32 $0x1C01, s31;
	s8 =	sadd.s32 s8, s5  }
0xd: {  	s5 =	sadd.s32 $0x1E00, s9;
	s7 =	sadd.s32 s7, s30;
	s9 =	smax.u32 s10, $0x1  }
0xe: {  	s10 =	sshrl.u32 s12, $0x3;
	s12 =	simm.s32 $0x2800;
	s8 =	sadd.s32 $0x29E00, s8  }
.LBB2_1:
0xf: {  	[spmem:s10], [sflag:s6] =	dma.local [hbm:s5], $0x2780  }
0x10: {  	_ =	swait.ge [sflag:s11], $0x2780  }
0x11: {  	[sflag:s11] =	ssyncset.done $0x0  }
0x12: {  	[sflag:s11] =	ssyncadd.s32 $0xFFFFD880  }
0x13: {  	[tilespmem:s12], [sflag:$0x1] =	stream.linear.gather [hbm4b:s4+s3], $0x4000, $0x38;
	[tilespmem:$0x1A400] =	vst v63  }
0x14: {  	_ =	swait.ge [sflag:s11], $0x4000  }
0x15: {  	[sflag:s11] =	ssyncset.done $0x0  }
0x16: {  	[sflag:s11] =	ssyncadd.s32 $0xFFFFC000  }
0x17: {  	[tilespmem:s3], [sflag:$0x1] =	stream.linear.gather [hbm4b:s7+s3], $0x2800, $0x38;
	[tilespmem:$0x1A400] =	vst v63  }
0x18: {  	_ =	swait.ge [sflag:s11], $0x2800  }
0x19: {  	[sflag:s11] =	ssyncset.done $0x0  }
0x1a: {  	[sflag:s11] =	ssyncadd.s32 $0xFFFFD800  }
0x1b: {  	s15 =	simm.s32 $0x0;
	[bflag:$0x0] =	sbarrier.arrive $0xFFFF  }
0x1c: {  	[spmem:s2] =	stream.indirect.scatter.add.f32 [tilespmem:s12], [sflag:$0x1], $0x80, s15, s13, $0xb8;
	[tilespmem:$0x1A400] =	vst v63  }
0x1d: {  	_ =	swait.ge [sflag:s11], $0x4000  }
0x1e: {  	s15 =	simm.s32 $0x200;
	[sflag:s11] =	ssyncset.done $0x0  }
.LBB2_2:
0x1f: {  	s16 =	sshra.s32 s15, $0x2;
	[sflag:s11] =	ssyncadd.s32 $0xFFFFC000;
	p0 =	sne.s32 s15, $0x9E00  }
0x20: {  	[spmem:s2] =	stream.indirect.scatter.add.f32 [tilespmem:s12], [sflag:$0x1], $0x80, s16, s13, $0xb8;
	[tilespmem:$0x1A400] =	vst v63  }
.Ltmp0:
0x21: {  	_ = 	snop;
	(pc) =	sbr.rel @p0 .LBB2_2-.Ltmp0, $4  }
0x22: {  	_ = 	snop  }
0x23: {  	s15 =	sadd.s32 $0x200, s15  }
0x24: {  	_ =	swait.ge [sflag:s11], $0x4000  }
0x25: {  	[sflag:s11] =	ssyncset.done $0x0  }
0x26: {  	s14 =	sadd.s32 $0x1, s14  }
0x27: {  	[sflag:s11] =	ssyncadd.s32 $0xFFFFC000;
	p0 =	sne.s32 s14, s9  }
.Ltmp1:
0x28: {  	[bflag:$0x0] =	sbarrier.arrive $0xFFFF;
	(pc) =	sbr.rel @p0 .LBB2_1-.Ltmp1, $4  }
0x29: {  	[hbm:s8], [sflag:s6] =	dma.local [spmem:s10], $0x2780  }
0x2a: {  	_ =	swait.ge [sflag:s11], $0x2780  }
0x2b: {  	[sflag:s11] =	ssyncset.done $0x0  }
0x2c: {  	[sflag:s11] =	ssyncadd.s32 $0xFFFFD880  }
0x2d: {  	_ =	sfence.sel $0x180000  }
0x2e: {  	[bflag:$0x0] =	sbarrier.arrive $0xFFFF  }
0x2f: {  	p0 =	sne.s32 s0, $0x0;
	_ =	strace $0x90000047  }
0x30: {  	s0 =	sadd.s32 @!p0 $0x100000, s1;
	[bflag:$0x2] =	sbarrier.arrive $0xFFFF  }
0x31: {  	[sflag:s0] =	ssyncadd.tile.s32 @!p0 $0x1;
	_ =	shalt  }
.Lfunc_end2:
_tile_overlayer_lowered:
.L_overlay_start_2:
0x32: {  	(tag) =	ssettag $0x2  }
0x33: {  	s0 =	rddreg [dreg:$0x0];
	s2 =	stileid.u32  }
0x34: {  	s1 =	rddreg [dreg:$0x1];
	p0 =	sne.s32 s2, $0x0  }
0x35: {  	s3 =	rddreg [dreg:$0x2];
	[bflag:$0x3] =	sbarrier.arrive $0xFFFF;
	s2 =	simm.s32 @!p0 $0x1C01  }
0x36: {  	[timem:s3], [sflag:s2] =	dma.local @!p0 [hbm:s0], s1  }
0x37: {  	s0 =	simm.s32 @!p0 $0x1  }
0x38: {  	_ =	swait.ge @!p0 [sflag:s0], s1  }
0x39: {  	s1 =	ssub.s32 @!p0 $0x0, s1;
	[sflag:s0] =	ssyncset.done @!p0 $0x0  }
0x3a: {  	[sflag:s0] =	ssyncadd.s32 @!p0 s1  }
0x3b: {  	[bflag:$0x3] =	sbarrier.arrive $0xFFFF  }
0x3c: {  	_ =	shalt  }

</sc_bundles>
